<compile_context>
chip_gen: v7x
topology: tpu7x:2x2x1
jax: 0.10.2.dev20260603
libtpu: 0.0.44.dev20260713+nightly
codegen_flags: <defaults>
</compile_context>

<pallas_src>
import functools

import jax
import jax.numpy as jnp
from jax import lax
from jax.experimental import pallas as pl
from jax.experimental.pallas import tpu as pltpu
from jax.experimental.pallas import tpu_sc as plsc

TOPK = 32
CHUNK = 128
NEG_INF = float("-inf")
NC, NS, NL = 2, 16, 16
NWORK = NC * NS



def _enc_body(x_ref, bpre_ref, w_ref, benc_ref, pre_ref, cm_ref):
    xc = (x_ref[...] - bpre_ref[...]).astype(jnp.bfloat16)
    acc = lax.dot_general(
        xc, w_ref[...], (((1,), (1,)), ((), ())),
        preferred_element_type=jnp.float32)
    pre = acc + benc_ref[...]
    pre_ref[...] = pre
    nchunk = pre.shape[1] // CHUNK
    cm_ref[0] = jnp.concatenate(
        [jnp.max(pre[:, c * CHUNK:(c + 1) * CHUNK], axis=1, keepdims=True)
         for c in range(nchunk)], axis=1)


def _encoder(x, b_pre, W_enc, b_enc, bn, bl):
    N, D = x.shape
    L = W_enc.shape[0]
    grid = (L // bl, N // bn)
    return pl.pallas_call(
        _enc_body,
        grid=grid,
        in_specs=[
            pl.BlockSpec((bn, D), lambda j, i: (i, 0)),
            pl.BlockSpec((1, D), lambda j, i: (0, 0)),
            pl.BlockSpec((bl, D), lambda j, i: (j, 0)),
            pl.BlockSpec((1, bl), lambda j, i: (0, j)),
        ],
        out_specs=[
            pl.BlockSpec((bn, bl), lambda j, i: (i, j)),
            pl.BlockSpec((1, bn, bl // CHUNK), lambda j, i: (j, i, 0)),
        ],
        out_shape=[
            jax.ShapeDtypeStruct((N, L), jnp.float32),
            jax.ShapeDtypeStruct((L // bl, N, bl // CHUNK), jnp.float32),
        ],
    )(x, b_pre.reshape(1, D), W_enc.astype(jnp.bfloat16),
      b_enc.reshape(1, L))



def _ctop_body(cm_ref, cid_ref, thr_ref, k):
    nblk, bn, w = cm_ref.shape
    nch = nblk * w
    cm = jnp.concatenate([cm_ref[c] for c in range(nblk)], axis=1)
    lane = lax.broadcasted_iota(jnp.int32, (bn, nch), 1)
    klane = lax.broadcasted_iota(jnp.int32, (bn, k), 1)

    def step(i, carry):
        work, acc = carry
        m = jnp.max(work, axis=1, keepdims=True)
        cand = jnp.where(work == m, lane, jnp.int32(nch))
        am = jnp.min(cand, axis=1, keepdims=True)
        work = jnp.where(lane == am, NEG_INF, work)
        acc = jnp.where(klane == i, am, acc)
        thr_ref[...] = m
        return (work, acc)

    _, acc = lax.fori_loop(0, k, step, (cm, jnp.zeros((bn, k), jnp.int32)))

    def sstep(i, carry):
        work, out = carry
        mn = jnp.min(work, axis=1, keepdims=True)
        out = jnp.where(klane == i, mn, out)
        work = jnp.where(work == mn, jnp.int32(nch), work)
        return (work, out)

    _, acc = lax.fori_loop(0, k, sstep, (acc, acc))
    rowbase = (lax.broadcasted_iota(jnp.int32, (bn, k), 0)
               + pl.program_id(0) * bn) * nch
    cid_ref[...] = acc + rowbase


def _chunk_topk(cmax3, bn, k):
    nblk, N, w = cmax3.shape
    nch = nblk * w
    return pl.pallas_call(
        functools.partial(_ctop_body, k=k),
        grid=(N // bn,),
        in_specs=[pl.BlockSpec((nblk, bn, w), lambda i: (0, i, 0))],
        out_specs=[
            pl.BlockSpec((bn, k), lambda i: (i, 0)),
            pl.BlockSpec((bn, 1), lambda i: (i, 0)),
        ],
        out_shape=[
            jax.ShapeDtypeStruct((N, k), jnp.int32),
            jax.ShapeDtypeStruct((N, 1), jnp.float32),
        ],
    )(cmax3)



def _splat_i32(v):
    return jnp.full((NL,), v, jnp.int32)


def _sc_make(N, L, D, NCH_ROW):
    RPW = N // NWORK
    NCHSEL = TOPK
    CB = NCHSEL * CHUNK
    ND = D // NL
    mesh = plsc.VectorSubcoreMesh(
        core_axis_name="c", subcore_axis_name="s",
        num_cores=NC, num_subcores=NS)

    TV = TOPK + NL

    def body(pre_hbm, cids_hbm, thr_hbm, wdecT_hbm, bias_hbm,
             z_hbm, xhat_hbm,
             cids_v, thrv, cb2d, cv, ci, zbuf, wbuf, accbuf, idxbuf,
             tpos, tvalf, biasv, sem_cb, sem_z, sem_x, sem_w):
        wid = lax.axis_index("s") * NC + lax.axis_index("c")
        base = wid * RPW
        pltpu.sync_copy(cids_hbm.at[pl.ds(base, RPW)], cids_v)
        pltpu.sync_copy(thr_hbm.at[pl.ds(base, RPW + NL)], thrv)
        pltpu.sync_copy(bias_hbm, biasv)

        lane = lax.iota(jnp.int32, NL)
        lane0 = lane == 0
        zeros16 = jnp.zeros((NL,), jnp.float32)

        def zinit(i, c):
            zbuf[pl.ds(i * NL, NL)] = zeros16
            return c
        lax.fori_loop(0, 2 * L // NL, zinit, 0)

        pltpu.async_copy(pre_hbm.at[cids_v.at[0]], cb2d.at[0], sem_cb.at[0])
        pltpu.async_copy(pre_hbm.at[cids_v.at[1]], cb2d.at[1], sem_cb.at[1])

        def decode_row(parity, rowid):
            pltpu.make_async_copy(wdecT_hbm.at[idxbuf.at[parity]],
                                  wbuf.at[parity], sem_w.at[parity]).wait()
            ob = parity * TV
            acc0 = tuple(biasv[pl.ds(d * NL, NL)] for d in range(ND))

            def dec(j, acc):
                scale = jnp.maximum(tvalf[pl.ds(ob + j, NL)][0], 0.0)
                return tuple(acc[d] + wbuf[parity, j, pl.ds(d * NL, NL)] * scale
                             for d in range(ND))
            acc = lax.fori_loop(0, TOPK, dec, acc0)
            for d in range(ND):
                accbuf[parity, pl.ds(d * NL, NL)] = acc[d]
            pltpu.async_copy(accbuf.at[parity], xhat_hbm.at[rowid],
                             sem_x.at[parity])

        def row_body(r, c):
            row = base + r
            b = r & 1
            pltpu.make_async_copy(pre_hbm.at[cids_v.at[r]], cb2d.at[b],
                                  sem_cb.at[b]).wait()
            thr_s = thrv[pl.ds(r, NL)][0]

            @pl.when(r >= 2)
            def _():
                pltpu.make_async_copy(zbuf.at[pl.ds(b * L, L)],
                                      z_hbm.at[row - 2], sem_z.at[b]).wait()
                pltpu.make_async_copy(accbuf.at[b], xhat_hbm.at[row - 2],
                                      sem_x.at[b]).wait()
                og0 = idxbuf[b, pl.ds(0, NL)]
                og1 = idxbuf[b, pl.ds(NL, NL)]
                plsc.store_scatter(zbuf, [og0 + b * L], zeros16)
                plsc.store_scatter(zbuf, [og1 + b * L], zeros16)

            def filt(i, cnt):
                jj = i // (CHUNK // NL)
                kk = (i % (CHUNK // NL)) * NL
                v = cb2d[b, jj, pl.ds(kk, NL)]
                gi = lane + i * NL
                m = v >= thr_s
                pos = cnt + plsc.cumsum(jnp.where(m, 1, 0)) - 1
                plsc.store_scatter(cv, [pos], v, mask=m)
                plsc.store_scatter(ci, [pos], gi, mask=m)
                return cnt + plsc.all_reduce_population_count(m)[0]
            cnt = lax.fori_loop(0, CB // NL, filt, jnp.int32(0))

            @pl.when(r + 2 < RPW)
            def _():
                pltpu.async_copy(pre_hbm.at[cids_v.at[r + 2]], cb2d.at[b],
                                 sem_cb.at[b])
            cv[pl.ds(cnt, NL)] = jnp.full((NL,), NEG_INF, jnp.float32)
            nv = (cnt + NL - 1) // NL
            ob = b * TV

            def sel(i, c2):
                def scan_v(jv, best):
                    bm, bj = best
                    v = cv[pl.ds(jv * NL, NL)]
                    lm = jnp.max(v)
                    better = lm > bm
                    return (jnp.where(better, lm, bm),
                            jnp.where(better, jv, bj))
                bm, bj = lax.fori_loop(0, nv, scan_v,
                                       (jnp.float32(NEG_INF), jnp.int32(0)))
                v = cv[pl.ds(bj * NL, NL)]
                lane_hit = plsc.all_reduce_ffs(v == bm)[0]
                pos = bj * NL + lane_hit
                plsc.store_scatter(cv, [_splat_i32(pos)],
                                   jnp.full((NL,), NEG_INF, jnp.float32),
                                   mask=lane0)
                plsc.store_scatter(tpos, [_splat_i32(i)], _splat_i32(pos),
                                   mask=lane0)
                plsc.store_scatter(tvalf, [_splat_i32(ob + i)],
                                   jnp.full((NL,), bm, jnp.float32),
                                   mask=lane0)
                return c2
            lax.fori_loop(0, TOPK, sel, 0)

            p0 = tpos[pl.ds(0, NL)]
            p1 = tpos[pl.ds(NL, NL)]
            lp0 = plsc.load_gather(ci, [p0])
            lp1 = plsc.load_gather(ci, [p1])
            cs0 = lax.shift_right_logical(lp0, 7)
            cs1 = lax.shift_right_logical(lp1, 7)
            g0 = plsc.load_gather(cids_v, [_splat_i32(r), cs0])
            g1 = plsc.load_gather(cids_v, [_splat_i32(r), cs1])
            gi0 = g0 * CHUNK - row * L + (lp0 & (CHUNK - 1))
            gi1 = g1 * CHUNK - row * L + (lp1 & (CHUNK - 1))
            rv0 = jnp.maximum(tvalf[pl.ds(ob, NL)], 0.0)
            rv1 = jnp.maximum(tvalf[pl.ds(ob + NL, NL)], 0.0)

            idxbuf[b, pl.ds(0, NL)] = gi0
            idxbuf[b, pl.ds(NL, NL)] = gi1
            pltpu.async_copy(wdecT_hbm.at[idxbuf.at[b]], wbuf.at[b],
                             sem_w.at[b])

            plsc.store_scatter(zbuf, [gi0 + b * L], rv0)
            plsc.store_scatter(zbuf, [gi1 + b * L], rv1)
            pltpu.async_copy(zbuf.at[pl.ds(b * L, L)], z_hbm.at[row],
                             sem_z.at[b])

            @pl.when(r >= 1)
            def _():
                decode_row(1 - b, row - 1)
            return c
        lax.fori_loop(0, RPW, row_body, 0)

        decode_row((RPW - 1) & 1, base + RPW - 1)

        for b in range(2):
            pltpu.make_async_copy(zbuf.at[pl.ds(b * L, L)],
                                  z_hbm.at[base + RPW - 2 + b],
                                  sem_z.at[b]).wait()
            pltpu.make_async_copy(accbuf.at[b], xhat_hbm.at[base + RPW - 2 + b],
                                  sem_x.at[b]).wait()

    return functools.partial(
        pl.kernel, body, mesh=mesh,
        compiler_params=pltpu.CompilerParams(needs_layout_passes=False),
        out_type=(jax.ShapeDtypeStruct((N, L), jnp.float32),
                  jax.ShapeDtypeStruct((N, D), jnp.float32)),
        scratch_types=[
            pltpu.VMEM((RPW, TOPK), jnp.int32),
            pltpu.VMEM((RPW + NL,), jnp.float32),
            pltpu.VMEM((2, NCHSEL, CHUNK), jnp.float32),
            pltpu.VMEM((CB + NL,), jnp.float32),
            pltpu.VMEM((CB + NL,), jnp.int32),
            pltpu.VMEM((2 * L,), jnp.float32),
            pltpu.VMEM((2, TOPK, D), jnp.float32),
            pltpu.VMEM((2, D), jnp.float32),
            pltpu.VMEM((2, TOPK), jnp.int32),
            pltpu.VMEM((TOPK,), jnp.int32),
            pltpu.VMEM((2 * (TOPK + NL),), jnp.float32),
            pltpu.VMEM((D,), jnp.float32),
            pltpu.SemaphoreType.DMA((2,)),
            pltpu.SemaphoreType.DMA((2,)),
            pltpu.SemaphoreType.DMA((2,)),
            pltpu.SemaphoreType.DMA((2,)),
        ])()


def kernel(x, b_pre, W_enc, b_enc, W_dec, b_dec):
    N, D = x.shape
    L = W_enc.shape[0]
    pre, cmax3 = _encoder(x, b_pre, W_enc, b_enc, min(256, N), min(2048, L))
    cids, thr = _chunk_topk(cmax3, min(1024, N), TOPK)
    thr_pad = jnp.pad(thr.reshape(N), (0, NL))
    bias = b_dec + b_pre
    wdecT = W_dec.T.reshape(L, D)
    sc = _sc_make(N, L, D, L // CHUNK)
    z, x_hat = sc(pre.reshape(N * (L // CHUNK), CHUNK), cids, thr_pad,
                  wdecT, bias)
    return (pre, z, x_hat)

# --- scband reference (transcript-rebuilt; emitter-appended) ---
"""Pipeline reference for scband-sparse-autoencoder-26585847562302 (READ-ONLY COPY).

The authoritative reference and input builder live on the scoring server;
editing this copy changes nothing except your own understanding.
"""

import jax, jax.numpy as jnp
import numpy as np

TOP_K = 32
N, D, L = 2048, 768, 24576


def setup_inputs(seed: int = 0) -> dict:
    key = jax.random.key(seed)
    ks = jax.random.split(key, 4)
    x = jax.random.normal(ks[0], (N, D), dtype=jnp.float32)
    # kaiming_uniform(a=sqrt(5)) on [L, D] -> bound = 1/sqrt(D)
    bound_enc = 1.0 / np.sqrt(D)
    W_enc = jax.random.uniform(ks[1], (L, D), minval=-bound_enc, maxval=bound_enc, dtype=jnp.float32)
    bound_dec = 1.0 / np.sqrt(L)
    W_dec = jax.random.uniform(ks[2], (D, L), minval=-bound_dec, maxval=bound_dec, dtype=jnp.float32)
    # decoder columns projected onto unit sphere (as in _normalise_decoder_)
    norms = jnp.clip(jnp.linalg.norm(W_dec, axis=0, keepdims=True), 1e-8, None)
    W_dec = W_dec / norms
    return {
        "x": x,
        "b_pre": jnp.zeros((D,), dtype=jnp.float32),
        "W_enc": W_enc,
        "b_enc": jnp.zeros((L,), dtype=jnp.float32),
        "W_dec": W_dec,
        "b_dec": jnp.zeros((D,), dtype=jnp.float32),
    }


def topk_activation(pre_acts: jnp.ndarray, k: int) -> jnp.ndarray:
    topk_vals, topk_idx = jax.lax.top_k(pre_acts, k)
    rows = jnp.arange(pre_acts.shape[0])[:, None]
    z = jnp.zeros_like(pre_acts)
    z = z.at[rows, topk_idx].set(jax.nn.relu(topk_vals))
    return z


def reference(x, b_pre, W_enc, b_enc, W_dec, b_dec):
    # live forward path (ghost_threshold=None; steps_since_fired starts at 0 so
    # no neuron is dead at init anyway -> ghost branch is a no-op)
    x_c = x - b_pre
    pre_acts = x_c @ W_enc.T + b_enc
    z = topk_activation(pre_acts, TOP_K)
    x_hat = z @ W_dec.T + b_dec + b_pre
    return (pre_acts, z, x_hat)

if __name__ == "__main__":
    import jax
    _d = setup_inputs()
    print(jax.jit(kernel)(*tuple(_d.values())))

</pallas_src>

<mosaic_0001>
#map = affine_map<(d0, d1) -> (0, 0)>
#map1 = affine_map<(d0, d1) -> (0)>
module attributes {stable_mosaic.version = 14 : i64} {
  func.func @body(%arg0: i32, %arg1: i32, %arg2: memref<393216x128xf32, #tpu.memory_space<hbm>>, %arg3: memref<2048x32xi32, #tpu.memory_space<hbm>>, %arg4: memref<2064xf32, #tpu.memory_space<hbm>>, %arg5: memref<24576x768xf32, #tpu.memory_space<hbm>>, %arg6: memref<768xf32, #tpu.memory_space<hbm>>, %arg7: memref<2048x24576xf32, #tpu.memory_space<hbm>>, %arg8: memref<2048x768xf32, #tpu.memory_space<hbm>>, %arg9: memref<64x32xi32, #tpu.memory_space<vmem>>, %arg10: memref<80xf32, #tpu.memory_space<vmem>>, %arg11: memref<2x32x128xf32, #tpu.memory_space<vmem>>, %arg12: memref<4112xf32, #tpu.memory_space<vmem>>, %arg13: memref<4112xi32, #tpu.memory_space<vmem>>, %arg14: memref<49152xf32, #tpu.memory_space<vmem>>, %arg15: memref<2x32x768xf32, #tpu.memory_space<vmem>>, %arg16: memref<2x768xf32, #tpu.memory_space<vmem>>, %arg17: memref<2x32xi32, #tpu.memory_space<vmem>>, %arg18: memref<32xi32, #tpu.memory_space<vmem>>, %arg19: memref<96xf32, #tpu.memory_space<vmem>>, %arg20: memref<768xf32, #tpu.memory_space<vmem>>, %arg21: memref<2x!tpu.dma_semaphore, #tpu.memory_space<semaphore_mem>>, %arg22: memref<2x!tpu.dma_semaphore, #tpu.memory_space<semaphore_mem>>, %arg23: memref<2x!tpu.dma_semaphore, #tpu.memory_space<semaphore_mem>>, %arg24: memref<2x!tpu.dma_semaphore, #tpu.memory_space<semaphore_mem>>) attributes {dimension_semantics = [#tpu.dimension_semantics<core_parallel>, #tpu.dimension_semantics<subcore_parallel>], iteration_bounds = array<i64: 2, 16>, scalar_prefetch = 0 : i64, scratch_operands = 16 : i64, tpu.core_type = #tpu.core_type<sc_vector_subcore>, window_params = [{transform_indices = #map}, {transform_indices = #map}, {transform_indices = #map1}, {transform_indices = #map}, {transform_indices = #map1}, {transform_indices = #map}, {transform_indices = #map}]} {
    %mul3A = arith.constant 2 : i32
    %mul3A_0 = arith.muli %arg1, %mul3A : i32
    %add3A = arith.addi %mul3A_0, %arg0 : i32
    %mul3A_1 = arith.constant 64 : i32
    %mul3A_2 = arith.muli %add3A, %mul3A_1 : i32
    "tpu.region"() ({
      %run_scoped3A = tpu.sem_alloc : memref<!tpu.dma_semaphore, #tpu.memory_space<semaphore_mem>>
      %dma_start3A_453 = arith.constant 0 : i32
      %dma_start3A_454 = tpu.memref_slice %arg3[%mul3A_2, %dma_start3A_453] : memref<2048x32xi32, #tpu.memory_space<hbm>> -> memref<64x32xi32, #tpu.memory_space<hbm>>
      %dma_start3A_455 = arith.constant 0 : i32
      %dma_start3A_456 = tpu.memref_slice %arg3[%mul3A_2, %dma_start3A_455] : memref<2048x32xi32, #tpu.memory_space<hbm>> -> memref<64x32xi32, #tpu.memory_space<hbm>>
      tpu.enqueue_dma source(%dma_start3A_456 : memref<64x32xi32, #tpu.memory_space<hbm>>) target(%arg9 : memref<64x32xi32, #tpu.memory_space<vmem>>) target_semaphore(%run_scoped3A : memref<!tpu.dma_semaphore, #tpu.memory_space<semaphore_mem>>)
      %dma_wait3A_457 = arith.constant 0 : i32
      %dma_wait3A_458 = tpu.memref_slice %arg3[%mul3A_2, %dma_wait3A_457] : memref<2048x32xi32, #tpu.memory_space<hbm>> -> memref<64x32xi32, #tpu.memory_space<hbm>>
      %dma_wait3A_459 = arith.constant 0 : i32
      %dma_wait3A_460 = tpu.memref_slice %arg3[%mul3A_2, %dma_wait3A_459] : memref<2048x32xi32, #tpu.memory_space<hbm>> -> memref<64x32xi32, #tpu.memory_space<hbm>>
      tpu.wait_dma2 semaphore(%run_scoped3A : memref<!tpu.dma_semaphore, #tpu.memory_space<semaphore_mem>>) src(%dma_wait3A_460 : memref<64x32xi32, #tpu.memory_space<hbm>>) dst(%arg9 : memref<64x32xi32, #tpu.memory_space<vmem>>)
      tpu.yield
    }) : () -> ()
    "tpu.region"() ({
      %run_scoped3A = tpu.sem_alloc : memref<!tpu.dma_semaphore, #tpu.memory_space<semaphore_mem>>
      %dma_start3A_453 = tpu.memref_slice %arg4[%mul3A_2] : memref<2064xf32, #tpu.memory_space<hbm>> -> memref<80xf32, #tpu.memory_space<hbm>>
      %dma_start3A_454 = tpu.memref_slice %arg4[%mul3A_2] : memref<2064xf32, #tpu.memory_space<hbm>> -> memref<80xf32, #tpu.memory_space<hbm>>
      tpu.enqueue_dma source(%dma_start3A_454 : memref<80xf32, #tpu.memory_space<hbm>>) target(%arg10 : memref<80xf32, #tpu.memory_space<vmem>>) target_semaphore(%run_scoped3A : memref<!tpu.dma_semaphore, #tpu.memory_space<semaphore_mem>>)
      %dma_wait3A_455 = tpu.memref_slice %arg4[%mul3A_2] : memref<2064xf32, #tpu.memory_space<hbm>> -> memref<80xf32, #tpu.memory_space<hbm>>
      %dma_wait3A_456 = tpu.memref_slice %arg4[%mul3A_2] : memref<2064xf32, #tpu.memory_space<hbm>> -> memref<80xf32, #tpu.memory_space<hbm>>
      tpu.wait_dma2 semaphore(%run_scoped3A : memref<!tpu.dma_semaphore, #tpu.memory_space<semaphore_mem>>) src(%dma_wait3A_456 : memref<80xf32, #tpu.memory_space<hbm>>) dst(%arg10 : memref<80xf32, #tpu.memory_space<vmem>>)
      tpu.yield
    }) : () -> ()
    "tpu.region"() ({
      %run_scoped3A = tpu.sem_alloc : memref<!tpu.dma_semaphore, #tpu.memory_space<semaphore_mem>>
      tpu.enqueue_dma source(%arg6 : memref<768xf32, #tpu.memory_space<hbm>>) target(%arg20 : memref<768xf32, #tpu.memory_space<vmem>>) target_semaphore(%run_scoped3A : memref<!tpu.dma_semaphore, #tpu.memory_space<semaphore_mem>>)
      tpu.wait_dma2 semaphore(%run_scoped3A : memref<!tpu.dma_semaphore, #tpu.memory_space<semaphore_mem>>) src(%arg6 : memref<768xf32, #tpu.memory_space<hbm>>) dst(%arg20 : memref<768xf32, #tpu.memory_space<vmem>>)
      tpu.yield
    }) : () -> ()
    %iota3A = tpu.iota {dimensions = array<i32: 0>} : vector<16xi32>
    %eq3A = arith.constant 0 : i32
    %eq3A_3 = vector.broadcast %eq3A : i32 to vector<16xi32>
    %eq3A_4 = arith.cmpi eq, %iota3A, %eq3A_3 : vector<16xi32>
    %broadcast_in_dim3A = arith.constant 0.000000e+00 : f32
    %broadcast_in_dim3A_5 = vector.broadcast %broadcast_in_dim3A : f32 to vector<16xf32>
    %scan3A = arith.constant 0 : i32
    %scan3A_6 = arith.constant 0 : i32
    %scan3A_7 = arith.constant 3072 : i32
    %scan3A_8 = arith.addi %scan3A_6, %scan3A_7 : i32
    %scan3A_9 = arith.constant 1 : i32
    scf.for %scan3A_453 = %scan3A_6 to %scan3A_8 step %scan3A_9  : i32 {
      %mul3A_454 = arith.constant 16 : i32
      %mul3A_455 = arith.muli %scan3A_453, %mul3A_454 : i32
      %swap3A_456 = arith.index_cast %mul3A_455 : i32 to index
      %swap3A_457 = tpu.vector_load %arg14[%swap3A_456] {strides = array<i32>} : memref<49152xf32, #tpu.memory_space<vmem>>, vector<16xf32>,
      tpu.vector_store %arg14[%swap3A_456], %broadcast_in_dim3A_5 {strides = array<i32>} : memref<49152xf32, #tpu.memory_space<vmem>>, vector<16xf32>,
    }
    %scan3A_10 = arith.constant 3072 : i32
    %dma_start3A = arith.constant 0 : i32
    %dma_start3A_11 = arith.constant 0 : i32
    %dma_start3A_12 = arith.constant 0 : i32
    %dma_start3A_13 = arith.constant 0 : i32
    %dma_start3A_14 = arith.constant 0 : i32
    %dma_start3A_15 = tpu.memref_slice %arg11[%dma_start3A_11, %dma_start3A_13, %dma_start3A_14] : memref<2x32x128xf32, #tpu.memory_space<vmem>> -> memref<1x32x128xf32, #tpu.memory_space<vmem>>
    %dma_start3A_16 = tpu.memref_squeeze %dma_start3A_15 : memref<1x32x128xf32, #tpu.memory_space<vmem>> -> memref<32x128xf32, #tpu.memory_space<vmem>>
    %dma_start3A_17 = arith.constant 0 : i32
    %dma_start3A_18 = tpu.memref_slice %arg9[%dma_start3A, %dma_start3A_17] : memref<64x32xi32, #tpu.memory_space<vmem>> -> memref<1x32xi32, #tpu.memory_space<vmem>>
    %dma_start3A_19 = tpu.memref_squeeze %dma_start3A_18 : memref<1x32xi32, #tpu.memory_space<vmem>> -> memref<32xi32, #tpu.memory_space<vmem>>
    %dma_start3A_20 = arith.constant 0 : i32
    %dma_start3A_21 = arith.constant 0 : i32
    %dma_start3A_22 = tpu.memref_slice %arg2[%dma_start3A_20, %dma_start3A_21] : memref<393216x128xf32, #tpu.memory_space<hbm>> -> memref<393216x128xf32, #tpu.memory_space<hbm>>
    %dma_start3A_23 = tpu.memref_slice %arg21[%dma_start3A_12] : memref<2x!tpu.dma_semaphore, #tpu.memory_space<semaphore_mem>> -> memref<1x!tpu.dma_semaphore, #tpu.memory_space<semaphore_mem>>
    %dma_start3A_24 = tpu.memref_squeeze %dma_start3A_23 : memref<1x!tpu.dma_semaphore, #tpu.memory_space<semaphore_mem>> -> memref<!tpu.dma_semaphore, #tpu.memory_space<semaphore_mem>>
    tpu.enqueue_indirect_dma source(%dma_start3A_22 : memref<393216x128xf32, #tpu.memory_space<hbm>>) target(%dma_start3A_16 : memref<32x128xf32, #tpu.memory_space<vmem>>) offsets(%dma_start3A_19 : memref<32xi32, #tpu.memory_space<vmem>>) semaphore(%dma_start3A_24 : memref<!tpu.dma_semaphore, #tpu.memory_space<semaphore_mem>>)
    %dma_start3A_25 = arith.constant 1 : i32
    %dma_start3A_26 = arith.constant 1 : i32
    %dma_start3A_27 = arith.constant 1 : i32
    %dma_start3A_28 = arith.constant 0 : i32
    %dma_start3A_29 = arith.constant 0 : i32
    %dma_start3A_30 = tpu.memref_slice %arg11[%dma_start3A_26, %dma_start3A_28, %dma_start3A_29] : memref<2x32x128xf32, #tpu.memory_space<vmem>> -> memref<1x32x128xf32, #tpu.memory_space<vmem>>
    %dma_start3A_31 = tpu.memref_squeeze %dma_start3A_30 : memref<1x32x128xf32, #tpu.memory_space<vmem>> -> memref<32x128xf32, #tpu.memory_space<vmem>>
    %dma_start3A_32 = arith.constant 0 : i32
    %dma_start3A_33 = tpu.memref_slice %arg9[%dma_start3A_25, %dma_start3A_32] : memref<64x32xi32, #tpu.memory_space<vmem>> -> memref<1x32xi32, #tpu.memory_space<vmem>>
    %dma_start3A_34 = tpu.memref_squeeze %dma_start3A_33 : memref<1x32xi32, #tpu.memory_space<vmem>> -> memref<32xi32, #tpu.memory_space<vmem>>
    %dma_start3A_35 = arith.constant 0 : i32
    %dma_start3A_36 = arith.constant 0 : i32
    %dma_start3A_37 = tpu.memref_slice %arg2[%dma_start3A_35, %dma_start3A_36] : memref<393216x128xf32, #tpu.memory_space<hbm>> -> memref<393216x128xf32, #tpu.memory_space<hbm>>
    %dma_start3A_38 = tpu.memref_slice %arg21[%dma_start3A_27] : memref<2x!tpu.dma_semaphore, #tpu.memory_space<semaphore_mem>> -> memref<1x!tpu.dma_semaphore, #tpu.memory_space<semaphore_mem>>
    %dma_start3A_39 = tpu.memref_squeeze %dma_start3A_38 : memref<1x!tpu.dma_semaphore, #tpu.memory_space<semaphore_mem>> -> memref<!tpu.dma_semaphore, #tpu.memory_space<semaphore_mem>>
    tpu.enqueue_indirect_dma source(%dma_start3A_37 : memref<393216x128xf32, #tpu.memory_space<hbm>>) target(%dma_start3A_31 : memref<32x128xf32, #tpu.memory_space<vmem>>) offsets(%dma_start3A_34 : memref<32xi32, #tpu.memory_space<vmem>>) semaphore(%dma_start3A_39 : memref<!tpu.dma_semaphore, #tpu.memory_space<semaphore_mem>>)
    %scan3A_40 = arith.constant 0 : i32
    %scan3A_41 = arith.constant 0 : i32
    %scan3A_42 = arith.constant 64 : i32
    %scan3A_43 = arith.addi %scan3A_41, %scan3A_42 : i32
    %scan3A_44 = arith.constant 1 : i32
    scf.for %scan3A_453 = %scan3A_41 to %scan3A_43 step %scan3A_44  : i32 {
      %add3A_454 = arith.addi %mul3A_2, %scan3A_453 : i32
      %and3A = arith.constant 1 : i32
      %and3A_455 = arith.andi %scan3A_453, %and3A : i32
      %dma_wait3A_456 = arith.constant 0 : i32
      %dma_wait3A_457 = arith.constant 0 : i32
      %dma_wait3A_458 = tpu.memref_slice %arg11[%and3A_455, %dma_wait3A_456, %dma_wait3A_457] : memref<2x32x128xf32, #tpu.memory_space<vmem>> -> memref<1x32x128xf32, #tpu.memory_space<vmem>>
      %dma_wait3A_459 = tpu.memref_squeeze %dma_wait3A_458 : memref<1x32x128xf32, #tpu.memory_space<vmem>> -> memref<32x128xf32, #tpu.memory_space<vmem>>
      %dma_wait3A_460 = arith.constant 0 : i32
      %dma_wait3A_461 = tpu.memref_slice %arg9[%scan3A_453, %dma_wait3A_460] : memref<64x32xi32, #tpu.memory_space<vmem>> -> memref<1x32xi32, #tpu.memory_space<vmem>>
      %dma_wait3A_462 = tpu.memref_squeeze %dma_wait3A_461 : memref<1x32xi32, #tpu.memory_space<vmem>> -> memref<32xi32, #tpu.memory_space<vmem>>
      %dma_wait3A_463 = arith.constant 0 : i32
      %dma_wait3A_464 = arith.constant 0 : i32
      %dma_wait3A_465 = tpu.memref_slice %arg2[%dma_wait3A_463, %dma_wait3A_464] : memref<393216x128xf32, #tpu.memory_space<hbm>> -> memref<393216x128xf32, #tpu.memory_space<hbm>>
      %dma_wait3A_466 = tpu.memref_slice %arg21[%and3A_455] : memref<2x!tpu.dma_semaphore, #tpu.memory_space<semaphore_mem>> -> memref<1x!tpu.dma_semaphore, #tpu.memory_space<semaphore_mem>>
      %dma_wait3A_467 = tpu.memref_squeeze %dma_wait3A_466 : memref<1x!tpu.dma_semaphore, #tpu.memory_space<semaphore_mem>> -> memref<!tpu.dma_semaphore, #tpu.memory_space<semaphore_mem>>
      tpu.wait_indirect_dma semaphore(%dma_wait3A_467 : memref<!tpu.dma_semaphore, #tpu.memory_space<semaphore_mem>>) src(%dma_wait3A_465 : memref<393216x128xf32, #tpu.memory_space<hbm>>) dst(%dma_wait3A_459 : memref<32x128xf32, #tpu.memory_space<vmem>>)
      %get3A_468 = arith.index_cast %scan3A_453 : i32 to index
      %get3A_469 = tpu.vector_load %arg10[%get3A_468] {strides = array<i32>} : memref<80xf32, #tpu.memory_space<vmem>>, vector<16xf32>,
      %slice3A = vector.extract_strided_slice %get3A_469 {offsets = [0], sizes = [1], strides = [1]} : vector<16xf32> to vector<1xf32>
      %squeeze3A = vector.extract %slice3A[0] : f32 from vector<1xf32>
      %ge3A = arith.constant 2 : i32
      %ge3A_470 = arith.cmpi sge, %scan3A_453, %ge3A : i32
      %convert_element_type3A = arith.extui %ge3A_470 : i1 to i32
      %cond3A = arith.constant 0 : i32
      %cond3A_471 = arith.cmpi ne, %convert_element_type3A, %cond3A : i32
      scf.if %cond3A_471 {
        %mul3A_609 = arith.constant 24576 : i32
        %mul3A_610 = arith.muli %and3A_455, %mul3A_609 : i32
        %sub3A_611 = arith.constant 2 : i32
        %sub3A_612 = arith.subi %add3A_454, %sub3A_611 : i32
        %dma_wait3A_613 = tpu.memref_slice %arg14[%mul3A_610] : memref<49152xf32, #tpu.memory_space<vmem>> -> memref<24576xf32, #tpu.memory_space<vmem>>
        %dma_wait3A_614 = arith.constant 0 : i32
        %dma_wait3A_615 = tpu.memref_slice %arg7[%sub3A_612, %dma_wait3A_614] : memref<2048x24576xf32, #tpu.memory_space<hbm>> -> memref<1x24576xf32, #tpu.memory_space<hbm>>
        %dma_wait3A_616 = tpu.memref_squeeze %dma_wait3A_615 : memref<1x24576xf32, #tpu.memory_space<hbm>> -> memref<24576xf32, #tpu.memory_space<hbm>>
        %dma_wait3A_617 = tpu.memref_slice %arg22[%and3A_455] : memref<2x!tpu.dma_semaphore, #tpu.memory_space<semaphore_mem>> -> memref<1x!tpu.dma_semaphore, #tpu.memory_space<semaphore_mem>>
        %dma_wait3A_618 = tpu.memref_squeeze %dma_wait3A_617 : memref<1x!tpu.dma_semaphore, #tpu.memory_space<semaphore_mem>> -> memref<!tpu.dma_semaphore, #tpu.memory_space<semaphore_mem>>
        %dma_wait3A_619 = arith.constant 0 : i32
        %dma_wait3A_620 = tpu.memref_slice %arg7[%sub3A_612, %dma_wait3A_619] : memref<2048x24576xf32, #tpu.memory_space<hbm>> -> memref<1x24576xf32, #tpu.memory_space<hbm>>
        %dma_wait3A_621 = tpu.memref_squeeze %dma_wait3A_620 : memref<1x24576xf32, #tpu.memory_space<hbm>> -> memref<24576xf32, #tpu.memory_space<hbm>>
        %dma_wait3A_622 = tpu.memref_slice %arg14[%mul3A_610] : memref<49152xf32, #tpu.memory_space<vmem>> -> memref<24576xf32, #tpu.memory_space<vmem>>
        tpu.wait_dma2 semaphore(%dma_wait3A_618 : memref<!tpu.dma_semaphore, #tpu.memory_space<semaphore_mem>>) src(%dma_wait3A_622 : memref<24576xf32, #tpu.memory_space<vmem>>) dst(%dma_wait3A_621 : memref<24576xf32, #tpu.memory_space<hbm>>)
        %sub3A_623 = arith.constant 2 : i32
        %sub3A_624 = arith.subi %add3A_454, %sub3A_623 : i32
        %dma_wait3A_625 = arith.constant 0 : i32
        %dma_wait3A_626 = tpu.memref_slice %arg16[%and3A_455, %dma_wait3A_625] : memref<2x768xf32, #tpu.memory_space<vmem>> -> memref<1x768xf32, #tpu.memory_space<vmem>>
        %dma_wait3A_627 = tpu.memref_squeeze %dma_wait3A_626 : memref<1x768xf32, #tpu.memory_space<vmem>> -> memref<768xf32, #tpu.memory_space<vmem>>
        %dma_wait3A_628 = arith.constant 0 : i32
        %dma_wait3A_629 = tpu.memref_slice %arg8[%sub3A_624, %dma_wait3A_628] : memref<2048x768xf32, #tpu.memory_space<hbm>> -> memref<1x768xf32, #tpu.memory_space<hbm>>
        %dma_wait3A_630 = tpu.memref_squeeze %dma_wait3A_629 : memref<1x768xf32, #tpu.memory_space<hbm>> -> memref<768xf32, #tpu.memory_space<hbm>>
        %dma_wait3A_631 = tpu.memref_slice %arg23[%and3A_455] : memref<2x!tpu.dma_semaphore, #tpu.memory_space<semaphore_mem>> -> memref<1x!tpu.dma_semaphore, #tpu.memory_space<semaphore_mem>>
        %dma_wait3A_632 = tpu.memref_squeeze %dma_wait3A_631 : memref<1x!tpu.dma_semaphore, #tpu.memory_space<semaphore_mem>> -> memref<!tpu.dma_semaphore, #tpu.memory_space<semaphore_mem>>
        %dma_wait3A_633 = arith.constant 0 : i32
        %dma_wait3A_634 = tpu.memref_slice %arg8[%sub3A_624, %dma_wait3A_633] : memref<2048x768xf32, #tpu.memory_space<hbm>> -> memref<1x768xf32, #tpu.memory_space<hbm>>
        %dma_wait3A_635 = tpu.memref_squeeze %dma_wait3A_634 : memref<1x768xf32, #tpu.memory_space<hbm>> -> memref<768xf32, #tpu.memory_space<hbm>>
        %dma_wait3A_636 = arith.constant 0 : i32
        %dma_wait3A_637 = tpu.memref_slice %arg16[%and3A_455, %dma_wait3A_636] : memref<2x768xf32, #tpu.memory_space<vmem>> -> memref<1x768xf32, #tpu.memory_space<vmem>>
        %dma_wait3A_638 = tpu.memref_squeeze %dma_wait3A_637 : memref<1x768xf32, #tpu.memory_space<vmem>> -> memref<768xf32, #tpu.memory_space<vmem>>
        tpu.wait_dma2 semaphore(%dma_wait3A_632 : memref<!tpu.dma_semaphore, #tpu.memory_space<semaphore_mem>>) src(%dma_wait3A_638 : memref<768xf32, #tpu.memory_space<vmem>>) dst(%dma_wait3A_635 : memref<768xf32, #tpu.memory_space<hbm>>)
        %get3A_639 = arith.index_cast %and3A_455 : i32 to index
        %get3A_640 = arith.constant 0 : index
        %get3A_641 = tpu.vector_load %arg17[%get3A_639, %get3A_640] {strides = array<i32>} : memref<2x32xi32, #tpu.memory_space<vmem>>, vector<16xi32>,
        %get3A_642 = arith.index_cast %and3A_455 : i32 to index
        %get3A_643 = arith.constant 16 : index
        %get3A_644 = tpu.vector_load %arg17[%get3A_642, %get3A_643] {strides = array<i32>} : memref<2x32xi32, #tpu.memory_space<vmem>>, vector<16xi32>,
        %mul3A_645 = arith.constant 24576 : i32
        %mul3A_646 = arith.muli %and3A_455, %mul3A_645 : i32
        %add3A_647 = vector.broadcast %mul3A_646 : i32 to vector<16xi32>
        %add3A_648 = arith.addi %get3A_641, %add3A_647 : vector<16xi32>
        tpu.vector_store_idx %arg14[%add3A_648], %broadcast_in_dim3A_5 : memref<49152xf32, #tpu.memory_space<vmem>>[vector<16xi32>], vector<16xf32>,
        %mul3A_649 = arith.constant 24576 : i32
        %mul3A_650 = arith.muli %and3A_455, %mul3A_649 : i32
        %add3A_651 = vector.broadcast %mul3A_650 : i32 to vector<16xi32>
        %add3A_652 = arith.addi %get3A_644, %add3A_651 : vector<16xi32>
        tpu.vector_store_idx %arg14[%add3A_652], %broadcast_in_dim3A_5 : memref<49152xf32, #tpu.memory_space<vmem>>[vector<16xi32>], vector<16xf32>,
      } else {
      }
      %scan3A_472 = arith.constant 0 : i32
      %scan3A_473 = arith.constant 0 : i32
      %scan3A_474 = arith.constant 256 : i32
      %scan3A_475 = arith.addi %scan3A_473, %scan3A_474 : i32
      %scan3A_476 = arith.constant 1 : i32
      %scan3A_477 = scf.for %scan3A_609 = %scan3A_473 to %scan3A_475 step %scan3A_476 iter_args(%scan3A_610 = %scan3A_472) -> (i32)  : i32 {
        %jit3A_611 = arith.constant 8 : i32
        %div3A_612 = arith.divsi %scan3A_609, %jit3A_611 : i32
        %sign3A_613 = arith.constant 0 : i32
        %sign3A_614 = arith.cmpi sgt, %scan3A_609, %sign3A_613 : i32
        %sign3A_615 = arith.extui %sign3A_614 : i1 to i32
        %sign3A_616 = arith.constant 0 : i32
        %sign3A_617 = arith.cmpi slt, %scan3A_609, %sign3A_616 : i32
        %sign3A_618 = arith.extui %sign3A_617 : i1 to i32
        %sign3A_619 = arith.subi %sign3A_615, %sign3A_618 : i32
        %sign3A_620 = arith.constant 0 : i32
        %sign3A_621 = arith.cmpi sgt, %jit3A_611, %sign3A_620 : i32
        %sign3A_622 = arith.extui %sign3A_621 : i1 to i32
        %sign3A_623 = arith.constant 0 : i32
        %sign3A_624 = arith.cmpi slt, %jit3A_611, %sign3A_623 : i32
        %sign3A_625 = arith.extui %sign3A_624 : i1 to i32
        %sign3A_626 = arith.subi %sign3A_622, %sign3A_625 : i32
        %ne3A_627 = arith.cmpi ne, %sign3A_619, %sign3A_626 : i32
        %rem3A_628 = arith.remsi %scan3A_609, %jit3A_611 : i32
        %ne3A_629 = arith.constant 0 : i32
        %ne3A_630 = arith.cmpi ne, %rem3A_628, %ne3A_629 : i32
        %and3A_631 = arith.andi %ne3A_627, %ne3A_630 : i1
        %sub3A_632 = arith.constant 1 : i32
        %sub3A_633 = arith.subi %div3A_612, %sub3A_632 : i32
        %select_n3A_634 = arith.select %and3A_631, %sub3A_633, %div3A_612 : i32
        %jit3A_635 = arith.constant 8 : i32
        %eq3A_636 = arith.constant 0 : i32
        %eq3A_637 = arith.cmpi eq, %jit3A_635, %eq3A_636 : i32
        %jit3A_638 = arith.constant 1 : i32
        %select_n3A_639 = arith.select %eq3A_637, %jit3A_638, %jit3A_635 : i32
        %rem3A_640 = arith.remsi %scan3A_609, %select_n3A_639 : i32
        %ne3A_641 = arith.constant 0 : i32
        %ne3A_642 = arith.cmpi ne, %rem3A_640, %ne3A_641 : i32
        %lt3A_643 = arith.constant 0 : i32
        %lt3A_644 = arith.cmpi slt, %rem3A_640, %lt3A_643 : i32
        %lt3A_645 = arith.constant 0 : i32
        %lt3A_646 = arith.cmpi slt, %select_n3A_639, %lt3A_645 : i32
        %ne3A_647 = arith.xori %lt3A_644, %lt3A_646 : i1
        %and3A_648 = arith.andi %ne3A_647, %ne3A_642 : i1
        %add3A_649 = arith.addi %rem3A_640, %select_n3A_639 : i32
        %select_n3A_650 = arith.select %and3A_648, %add3A_649, %rem3A_640 : i32
        %mul3A_651 = arith.constant 16 : i32
        %mul3A_652 = arith.muli %select_n3A_650, %mul3A_651 : i32
        %get3A_653 = arith.index_cast %and3A_455 : i32 to index
        %get3A_654 = arith.index_cast %select_n3A_634 : i32 to index
        %get3A_655 = arith.index_cast %mul3A_652 : i32 to index
        %get3A_656 = tpu.vector_load %arg11[%get3A_653, %get3A_654, %get3A_655] {strides = array<i32>} : memref<2x32x128xf32, #tpu.memory_space<vmem>>, vector<16xf32>,
        %mul3A_657 = arith.constant 16 : i32
        %mul3A_658 = arith.muli %scan3A_609, %mul3A_657 : i32
        %add3A_659 = vector.broadcast %mul3A_658 : i32 to vector<16xi32>
        %add3A_660 = arith.addi %iota3A, %add3A_659 : vector<16xi32>
        %ge3A_661 = vector.broadcast %squeeze3A : f32 to vector<16xf32>
        %ge3A_662 = arith.cmpf oge, %get3A_656, %ge3A_661 : vector<16xf32>
        %jit3A_663 = arith.constant 1 : i32
        %jit3A_664 = arith.constant 0 : i32
        %broadcast_in_dim3A_665 = vector.broadcast %jit3A_663 : i32 to vector<16xi32>
        %broadcast_in_dim3A_666 = vector.broadcast %jit3A_664 : i32 to vector<16xi32>
        %select_n3A_667 = arith.select %ge3A_662, %broadcast_in_dim3A_665, %broadcast_in_dim3A_666 : vector<16xi1>, vector<16xi32>
        %broadcast_in_dim3A_668 = arith.constant true
        %broadcast_in_dim3A_669 = vector.broadcast %broadcast_in_dim3A_668 : i1 to vector<16xi1>
        %masked_cumsum3A = tpu.scan <sum>, %select_n3A_667 masked %broadcast_in_dim3A_669 : vector<16xi32>, vector<16xi1> -> vector<16xi32>
        %add3A_670 = vector.broadcast %scan3A_610 : i32 to vector<16xi32>
        %add3A_671 = arith.addi %add3A_670, %masked_cumsum3A : vector<16xi32>
        %sub3A_672 = arith.constant 1 : i32
        %sub3A_673 = vector.broadcast %sub3A_672 : i32 to vector<16xi32>
        %sub3A_674 = arith.subi %add3A_671, %sub3A_673 : vector<16xi32>
        tpu.vector_store_idx %arg12[%sub3A_674], %get3A_656 masked %ge3A_662 : memref<4112xf32, #tpu.memory_space<vmem>>[vector<16xi32>], vector<16xf32>, vector<16xi1>
        tpu.vector_store_idx %arg13[%sub3A_674], %add3A_660 masked %ge3A_662 : memref<4112xi32, #tpu.memory_space<vmem>>[vector<16xi32>], vector<16xi32>, vector<16xi1>
        %all_reduce_population_count3A = tpu.all_reduce %ge3A_662 {dim = 0 : i64, kind = #tpu.reduction_kind<sum>} : vector<16xi1> -> vector<16xi32>
        %slice3A_675 = vector.extract_strided_slice %all_reduce_population_count3A {offsets = [0], sizes = [1], strides = [1]} : vector<16xi32> to vector<1xi32>
        %squeeze3A_676 = vector.extract %slice3A_675[0] : i32 from vector<1xi32>
        %add3A_677 = arith.addi %scan3A_610, %squeeze3A_676 : i32
        scf.yield %add3A_677 : i32
      }
      %scan3A_478 = arith.constant 256 : i32
      %add3A_479 = arith.constant 2 : i32
      %add3A_480 = arith.addi %scan3A_453, %add3A_479 : i32
      %lt3A = arith.constant 64 : i32
      %lt3A_481 = arith.cmpi slt, %add3A_480, %lt3A : i32
      %convert_element_type3A_482 = arith.extui %lt3A_481 : i1 to i32
      %cond3A_483 = arith.constant 0 : i32
      %cond3A_484 = arith.cmpi ne, %convert_element_type3A_482, %cond3A_483 : i32
      scf.if %cond3A_484 {
        %add3A_609 = arith.constant 2 : i32
        %add3A_610 = arith.addi %scan3A_453, %add3A_609 : i32
        %dma_start3A_611 = arith.constant 0 : i32
        %dma_start3A_612 = arith.constant 0 : i32
        %dma_start3A_613 = tpu.memref_slice %arg11[%and3A_455, %dma_start3A_611, %dma_start3A_612] : memref<2x32x128xf32, #tpu.memory_space<vmem>> -> memref<1x32x128xf32, #tpu.memory_space<vmem>>
        %dma_start3A_614 = tpu.memref_squeeze %dma_start3A_613 : memref<1x32x128xf32, #tpu.memory_space<vmem>> -> memref<32x128xf32, #tpu.memory_space<vmem>>
        %dma_start3A_615 = arith.constant 0 : i32
        %dma_start3A_616 = tpu.memref_slice %arg9[%add3A_610, %dma_start3A_615] : memref<64x32xi32, #tpu.memory_space<vmem>> -> memref<1x32xi32, #tpu.memory_space<vmem>>
        %dma_start3A_617 = tpu.memref_squeeze %dma_start3A_616 : memref<1x32xi32, #tpu.memory_space<vmem>> -> memref<32xi32, #tpu.memory_space<vmem>>
        %dma_start3A_618 = arith.constant 0 : i32
        %dma_start3A_619 = arith.constant 0 : i32
        %dma_start3A_620 = tpu.memref_slice %arg2[%dma_start3A_618, %dma_start3A_619] : memref<393216x128xf32, #tpu.memory_space<hbm>> -> memref<393216x128xf32, #tpu.memory_space<hbm>>
        %dma_start3A_621 = tpu.memref_slice %arg21[%and3A_455] : memref<2x!tpu.dma_semaphore, #tpu.memory_space<semaphore_mem>> -> memref<1x!tpu.dma_semaphore, #tpu.memory_space<semaphore_mem>>
        %dma_start3A_622 = tpu.memref_squeeze %dma_start3A_621 : memref<1x!tpu.dma_semaphore, #tpu.memory_space<semaphore_mem>> -> memref<!tpu.dma_semaphore, #tpu.memory_space<semaphore_mem>>
        tpu.enqueue_indirect_dma source(%dma_start3A_620 : memref<393216x128xf32, #tpu.memory_space<hbm>>) target(%dma_start3A_614 : memref<32x128xf32, #tpu.memory_space<vmem>>) offsets(%dma_start3A_617 : memref<32xi32, #tpu.memory_space<vmem>>) semaphore(%dma_start3A_622 : memref<!tpu.dma_semaphore, #tpu.memory_space<semaphore_mem>>)
      } else {
      }
      %broadcast_in_dim3A_485 = arith.constant 0xFF800000 : f32
      %broadcast_in_dim3A_486 = vector.broadcast %broadcast_in_dim3A_485 : f32 to vector<16xf32>
      %swap3A_487 = arith.index_cast %scan3A_477 : i32 to index
      %swap3A_488 = tpu.vector_load %arg12[%swap3A_487] {strides = array<i32>} : memref<4112xf32, #tpu.memory_space<vmem>>, vector<16xf32>,
      tpu.vector_store %arg12[%swap3A_487], %broadcast_in_dim3A_486 {strides = array<i32>} : memref<4112xf32, #tpu.memory_space<vmem>>, vector<16xf32>,
      %add3A_489 = arith.constant 16 : i32
      %add3A_490 = arith.addi %scan3A_477, %add3A_489 : i32
      %sub3A_491 = arith.constant 1 : i32
      %sub3A_492 = arith.subi %add3A_490, %sub3A_491 : i32
      %jit3A = arith.constant 16 : i32
      %div3A = arith.divsi %sub3A_492, %jit3A : i32
      %sign3A = arith.constant 0 : i32
      %sign3A_493 = arith.cmpi sgt, %sub3A_492, %sign3A : i32
      %sign3A_494 = arith.extui %sign3A_493 : i1 to i32
      %sign3A_495 = arith.constant 0 : i32
      %sign3A_496 = arith.cmpi slt, %sub3A_492, %sign3A_495 : i32
      %sign3A_497 = arith.extui %sign3A_496 : i1 to i32
      %sign3A_498 = arith.subi %sign3A_494, %sign3A_497 : i32
      %sign3A_499 = arith.constant 0 : i32
      %sign3A_500 = arith.cmpi sgt, %jit3A, %sign3A_499 : i32
      %sign3A_501 = arith.extui %sign3A_500 : i1 to i32
      %sign3A_502 = arith.constant 0 : i32
      %sign3A_503 = arith.cmpi slt, %jit3A, %sign3A_502 : i32
      %sign3A_504 = arith.extui %sign3A_503 : i1 to i32
      %sign3A_505 = arith.subi %sign3A_501, %sign3A_504 : i32
      %ne3A = arith.cmpi ne, %sign3A_498, %sign3A_505 : i32
      %rem3A = arith.remsi %sub3A_492, %jit3A : i32
      %ne3A_506 = arith.constant 0 : i32
      %ne3A_507 = arith.cmpi ne, %rem3A, %ne3A_506 : i32
      %and3A_508 = arith.andi %ne3A, %ne3A_507 : i1
      %sub3A_509 = arith.constant 1 : i32
      %sub3A_510 = arith.subi %div3A, %sub3A_509 : i32
      %select_n3A = arith.select %and3A_508, %sub3A_510, %div3A : i32
      %mul3A_511 = arith.constant 48 : i32
      %mul3A_512 = arith.muli %and3A_455, %mul3A_511 : i32
      %scan3A_513 = arith.constant 0 : i32
      %scan3A_514 = arith.constant 0 : i32
      %scan3A_515 = arith.constant 32 : i32
      %scan3A_516 = arith.addi %scan3A_514, %scan3A_515 : i32
      %scan3A_517 = arith.constant 1 : i32
      scf.for %scan3A_609 = %scan3A_514 to %scan3A_516 step %scan3A_517  : i32 {
        %while3A = arith.constant 0 : i32
        %while3A_610 = arith.constant 0xFF800000 : f32
        %while3A_611 = arith.constant 0 : i32
        %while3A_612 = arith.subi %select_n3A, %while3A : i32
        %while3A_613 = arith.addi %while3A, %while3A_612 : i32
        %while3A_614 = arith.constant 1 : i32
        %while3A_615 = arith.divsi %while3A_612, %while3A_614 : i32
        %while3A_616 = arith.muli %while3A_615, %while3A_614 : i32
        %while3A_617 = arith.addi %while3A, %while3A_616 : i32
        %while3A_618 = arith.constant 1 : i32
        %while3A_619:2 = scf.for %while3A_641 = %while3A to %while3A_617 step %while3A_618 iter_args(%while3A_642 = %while3A_610, %while3A_643 = %while3A_611) -> (f32, i32)  : i32 {
          %mul3A_644 = arith.constant 16 : i32
          %mul3A_645 = arith.muli %while3A_641, %mul3A_644 : i32
          %get3A_646 = arith.index_cast %mul3A_645 : i32 to index
          %get3A_647 = tpu.vector_load %arg12[%get3A_646] {strides = array<i32>} : memref<4112xf32, #tpu.memory_space<vmem>>, vector<16xf32>,
          %reduce_max3A = arith.constant true
          %reduce_max3A_648 = vector.broadcast %reduce_max3A : i1 to vector<16xi1>
          %reduce_max3A_649 = tpu.scan <max>, %get3A_647 masked %reduce_max3A_648 : vector<16xf32>, vector<16xi1> -> vector<16xf32>
          %reduce_max3A_650 = vector.extract %reduce_max3A_649[15] : f32 from vector<16xf32>
          %gt3A = arith.cmpf ogt, %reduce_max3A_650, %while3A_642 : f32
          %select_n3A_651 = arith.select %gt3A, %reduce_max3A_650, %while3A_642 : f32
          %select_n3A_652 = arith.select %gt3A, %while3A_641, %while3A_643 : i32
          scf.yield %select_n3A_651, %select_n3A_652 : f32, i32
        }
        %while3A_620 = arith.constant 1 : i32
        %while3A_621:2 = scf.for %while3A_641 = %while3A_617 to %while3A_613 step %while3A_620 iter_args(%while3A_642 = %while3A_619#0, %while3A_643 = %while3A_619#1) -> (f32, i32)  : i32 {
          %mul3A_644 = arith.constant 16 : i32
          %mul3A_645 = arith.muli %while3A_641, %mul3A_644 : i32
          %get3A_646 = arith.index_cast %mul3A_645 : i32 to index
          %get3A_647 = tpu.vector_load %arg12[%get3A_646] {strides = array<i32>} : memref<4112xf32, #tpu.memory_space<vmem>>, vector<16xf32>,
          %reduce_max3A = arith.constant true
          %reduce_max3A_648 = vector.broadcast %reduce_max3A : i1 to vector<16xi1>
          %reduce_max3A_649 = tpu.scan <max>, %get3A_647 masked %reduce_max3A_648 : vector<16xf32>, vector<16xi1> -> vector<16xf32>
          %reduce_max3A_650 = vector.extract %reduce_max3A_649[15] : f32 from vector<16xf32>
          %gt3A = arith.cmpf ogt, %reduce_max3A_650, %while3A_642 : f32
          %select_n3A_651 = arith.select %gt3A, %reduce_max3A_650, %while3A_642 : f32
          %select_n3A_652 = arith.select %gt3A, %while3A_641, %while3A_643 : i32
          scf.yield %select_n3A_651, %select_n3A_652 : f32, i32
        }
        %mul3A_622 = arith.constant 16 : i32
        %mul3A_623 = arith.muli %while3A_621#1, %mul3A_622 : i32
        %get3A_624 = arith.index_cast %mul3A_623 : i32 to index
        %get3A_625 = tpu.vector_load %arg12[%get3A_624] {strides = array<i32>} : memref<4112xf32, #tpu.memory_space<vmem>>, vector<16xf32>,
        %eq3A_626 = vector.broadcast %while3A_621#0 : f32 to vector<16xf32>
        %eq3A_627 = arith.cmpf oeq, %get3A_625, %eq3A_626 : vector<16xf32>
        %all_reduce_ffs3A = tpu.all_reduce %eq3A_627 {dim = 0 : i64, kind = #tpu.reduction_kind<find_first_set>} : vector<16xi1> -> vector<16xi32>
        %slice3A_628 = vector.extract_strided_slice %all_reduce_ffs3A {offsets = [0], sizes = [1], strides = [1]} : vector<16xi32> to vector<1xi32>
        %squeeze3A_629 = vector.extract %slice3A_628[0] : i32 from vector<1xi32>
        %mul3A_630 = arith.constant 16 : i32
        %mul3A_631 = arith.muli %while3A_621#1, %mul3A_630 : i32
        %add3A_632 = arith.addi %mul3A_631, %squeeze3A_629 : i32
        %broadcast_in_dim3A_633 = vector.broadcast %add3A_632 : i32 to vector<16xi32>
        %broadcast_in_dim3A_634 = arith.constant 0xFF800000 : f32
        %broadcast_in_dim3A_635 = vector.broadcast %broadcast_in_dim3A_634 : f32 to vector<16xf32>
        tpu.vector_store_idx %arg12[%broadcast_in_dim3A_633], %broadcast_in_dim3A_635 masked %eq3A_4 : memref<4112xf32, #tpu.memory_space<vmem>>[vector<16xi32>], vector<16xf32>, vector<16xi1>
        %broadcast_in_dim3A_636 = vector.broadcast %scan3A_609 : i32 to vector<16xi32>
        %broadcast_in_dim3A_637 = vector.broadcast %add3A_632 : i32 to vector<16xi32>
        tpu.vector_store_idx %arg18[%broadcast_in_dim3A_636], %broadcast_in_dim3A_637 masked %eq3A_4 : memref<32xi32, #tpu.memory_space<vmem>>[vector<16xi32>], vector<16xi32>, vector<16xi1>
        %add3A_638 = arith.addi %mul3A_512, %scan3A_609 : i32
        %broadcast_in_dim3A_639 = vector.broadcast %add3A_638 : i32 to vector<16xi32>
        %broadcast_in_dim3A_640 = vector.broadcast %while3A_621#0 : f32 to vector<16xf32>
        tpu.vector_store_idx %arg19[%broadcast_in_dim3A_639], %broadcast_in_dim3A_640 masked %eq3A_4 : memref<96xf32, #tpu.memory_space<vmem>>[vector<16xi32>], vector<16xf32>, vector<16xi1>
      }
      %scan3A_518 = arith.constant 32 : i32
      %get3A_519 = arith.constant 0 : index
      %get3A_520 = tpu.vector_load %arg18[%get3A_519] {strides = array<i32>} : memref<32xi32, #tpu.memory_space<vmem>>, vector<16xi32>,
      %get3A_521 = arith.constant 16 : index
      %get3A_522 = tpu.vector_load %arg18[%get3A_521] {strides = array<i32>} : memref<32xi32, #tpu.memory_space<vmem>>, vector<16xi32>,
      %gather3A = tpu.vector_load_idx %arg13[%get3A_520] : memref<4112xi32, #tpu.memory_space<vmem>>[vector<16xi32>], vector<16xi32>,
      %gather3A_523 = tpu.vector_load_idx %arg13[%get3A_522] : memref<4112xi32, #tpu.memory_space<vmem>>[vector<16xi32>], vector<16xi32>,
      %shift_right_logical3A = arith.constant 7 : i32
      %shift_right_logical3A_524 = vector.broadcast %shift_right_logical3A : i32 to vector<16xi32>
      %shift_right_logical3A_525 = arith.shrui %gather3A, %shift_right_logical3A_524 : vector<16xi32>
      %shift_right_logical3A_526 = arith.constant 7 : i32
      %shift_right_logical3A_527 = vector.broadcast %shift_right_logical3A_526 : i32 to vector<16xi32>
      %shift_right_logical3A_528 = arith.shrui %gather3A_523, %shift_right_logical3A_527 : vector<16xi32>
      %broadcast_in_dim3A_529 = vector.broadcast %scan3A_453 : i32 to vector<16xi32>
      %gather3A_530 = tpu.vector_load_idx %arg9[%broadcast_in_dim3A_529, %shift_right_logical3A_525] : memref<64x32xi32, #tpu.memory_space<vmem>>[vector<16xi32>, vector<16xi32>], vector<16xi32>,
      %broadcast_in_dim3A_531 = vector.broadcast %scan3A_453 : i32 to vector<16xi32>
      %gather3A_532 = tpu.vector_load_idx %arg9[%broadcast_in_dim3A_531, %shift_right_logical3A_528] : memref<64x32xi32, #tpu.memory_space<vmem>>[vector<16xi32>, vector<16xi32>], vector<16xi32>,
      %mul3A_533 = arith.constant 128 : i32
      %mul3A_534 = vector.broadcast %mul3A_533 : i32 to vector<16xi32>
      %mul3A_535 = arith.muli %gather3A_530, %mul3A_534 : vector<16xi32>
      %mul3A_536 = arith.constant 24576 : i32
      %mul3A_537 = arith.muli %add3A_454, %mul3A_536 : i32
      %sub3A_538 = vector.broadcast %mul3A_537 : i32 to vector<16xi32>
      %sub3A_539 = arith.subi %mul3A_535, %sub3A_538 : vector<16xi32>
      %and3A_540 = arith.constant 127 : i32
      %and3A_541 = vector.broadcast %and3A_540 : i32 to vector<16xi32>
      %and3A_542 = arith.andi %gather3A, %and3A_541 : vector<16xi32>
      %add3A_543 = arith.addi %sub3A_539, %and3A_542 : vector<16xi32>
      %mul3A_544 = arith.constant 128 : i32
      %mul3A_545 = vector.broadcast %mul3A_544 : i32 to vector<16xi32>
      %mul3A_546 = arith.muli %gather3A_532, %mul3A_545 : vector<16xi32>
      %mul3A_547 = arith.constant 24576 : i32
      %mul3A_548 = arith.muli %add3A_454, %mul3A_547 : i32
      %sub3A_549 = vector.broadcast %mul3A_548 : i32 to vector<16xi32>
      %sub3A_550 = arith.subi %mul3A_546, %sub3A_549 : vector<16xi32>
      %and3A_551 = arith.constant 127 : i32
      %and3A_552 = vector.broadcast %and3A_551 : i32 to vector<16xi32>
      %and3A_553 = arith.andi %gather3A_523, %and3A_552 : vector<16xi32>
      %add3A_554 = arith.addi %sub3A_550, %and3A_553 : vector<16xi32>
      %get3A_555 = arith.index_cast %mul3A_512 : i32 to index
      %get3A_556 = tpu.vector_load %arg19[%get3A_555] {strides = array<i32>} : memref<96xf32, #tpu.memory_space<vmem>>, vector<16xf32>,
      %max3A = arith.constant 0.000000e+00 : f32
      %max3A_557 = vector.broadcast %max3A : f32 to vector<16xf32>
      %max3A_558 = arith.maximumf %get3A_556, %max3A_557 : vector<16xf32>
      %add3A_559 = arith.constant 16 : i32
      %add3A_560 = arith.addi %mul3A_512, %add3A_559 : i32
      %get3A_561 = arith.index_cast %add3A_560 : i32 to index
      %get3A_562 = tpu.vector_load %arg19[%get3A_561] {strides = array<i32>} : memref<96xf32, #tpu.memory_space<vmem>>, vector<16xf32>,
      %max3A_563 = arith.constant 0.000000e+00 : f32
      %max3A_564 = vector.broadcast %max3A_563 : f32 to vector<16xf32>
      %max3A_565 = arith.maximumf %get3A_562, %max3A_564 : vector<16xf32>
      %swap3A_566 = arith.index_cast %and3A_455 : i32 to index
      %swap3A_567 = arith.constant 0 : index
      %swap3A_568 = tpu.vector_load %arg17[%swap3A_566, %swap3A_567] {strides = array<i32>} : memref<2x32xi32, #tpu.memory_space<vmem>>, vector<16xi32>,
      tpu.vector_store %arg17[%swap3A_566, %swap3A_567], %add3A_543 {strides = array<i32>} : memref<2x32xi32, #tpu.memory_space<vmem>>, vector<16xi32>,
      %swap3A_569 = arith.index_cast %and3A_455 : i32 to index
      %swap3A_570 = arith.constant 16 : index
      %swap3A_571 = tpu.vector_load %arg17[%swap3A_569, %swap3A_570] {strides = array<i32>} : memref<2x32xi32, #tpu.memory_space<vmem>>, vector<16xi32>,
      tpu.vector_store %arg17[%swap3A_569, %swap3A_570], %add3A_554 {strides = array<i32>} : memref<2x32xi32, #tpu.memory_space<vmem>>, vector<16xi32>,
      %dma_start3A_572 = arith.constant 0 : i32
      %dma_start3A_573 = arith.constant 0 : i32
      %dma_start3A_574 = tpu.memref_slice %arg15[%and3A_455, %dma_start3A_572, %dma_start3A_573] : memref<2x32x768xf32, #tpu.memory_space<vmem>> -> memref<1x32x768xf32, #tpu.memory_space<vmem>>
      %dma_start3A_575 = tpu.memref_squeeze %dma_start3A_574 : memref<1x32x768xf32, #tpu.memory_space<vmem>> -> memref<32x768xf32, #tpu.memory_space<vmem>>
      %dma_start3A_576 = arith.constant 0 : i32
      %dma_start3A_577 = tpu.memref_slice %arg17[%and3A_455, %dma_start3A_576] : memref<2x32xi32, #tpu.memory_space<vmem>> -> memref<1x32xi32, #tpu.memory_space<vmem>>
      %dma_start3A_578 = tpu.memref_squeeze %dma_start3A_577 : memref<1x32xi32, #tpu.memory_space<vmem>> -> memref<32xi32, #tpu.memory_space<vmem>>
      %dma_start3A_579 = arith.constant 0 : i32
      %dma_start3A_580 = arith.constant 0 : i32
      %dma_start3A_581 = tpu.memref_slice %arg5[%dma_start3A_579, %dma_start3A_580] : memref<24576x768xf32, #tpu.memory_space<hbm>> -> memref<24576x768xf32, #tpu.memory_space<hbm>>
      %dma_start3A_582 = tpu.memref_slice %arg24[%and3A_455] : memref<2x!tpu.dma_semaphore, #tpu.memory_space<semaphore_mem>> -> memref<1x!tpu.dma_semaphore, #tpu.memory_space<semaphore_mem>>
      %dma_start3A_583 = tpu.memref_squeeze %dma_start3A_582 : memref<1x!tpu.dma_semaphore, #tpu.memory_space<semaphore_mem>> -> memref<!tpu.dma_semaphore, #tpu.memory_space<semaphore_mem>>
      tpu.enqueue_indirect_dma source(%dma_start3A_581 : memref<24576x768xf32, #tpu.memory_space<hbm>>) target(%dma_start3A_575 : memref<32x768xf32, #tpu.memory_space<vmem>>) offsets(%dma_start3A_578 : memref<32xi32, #tpu.memory_space<vmem>>) semaphore(%dma_start3A_583 : memref<!tpu.dma_semaphore, #tpu.memory_space<semaphore_mem>>)
      %mul3A_584 = arith.constant 24576 : i32
      %mul3A_585 = arith.muli %and3A_455, %mul3A_584 : i32
      %add3A_586 = vector.broadcast %mul3A_585 : i32 to vector<16xi32>
      %add3A_587 = arith.addi %add3A_543, %add3A_586 : vector<16xi32>
      tpu.vector_store_idx %arg14[%add3A_587], %max3A_558 : memref<49152xf32, #tpu.memory_space<vmem>>[vector<16xi32>], vector<16xf32>,
      %mul3A_588 = arith.constant 24576 : i32
      %mul3A_589 = arith.muli %and3A_455, %mul3A_588 : i32
      %add3A_590 = vector.broadcast %mul3A_589 : i32 to vector<16xi32>
      %add3A_591 = arith.addi %add3A_554, %add3A_590 : vector<16xi32>
      tpu.vector_store_idx %arg14[%add3A_591], %max3A_565 : memref<49152xf32, #tpu.memory_space<vmem>>[vector<16xi32>], vector<16xf32>,
      %mul3A_592 = arith.constant 24576 : i32
      %mul3A_593 = arith.muli %and3A_455, %mul3A_592 : i32
      %dma_start3A_594 = tpu.memref_slice %arg14[%mul3A_593] : memref<49152xf32, #tpu.memory_space<vmem>> -> memref<24576xf32, #tpu.memory_space<vmem>>
      %dma_start3A_595 = arith.constant 0 : i32
      %dma_start3A_596 = tpu.memref_slice %arg7[%add3A_454, %dma_start3A_595] : memref<2048x24576xf32, #tpu.memory_space<hbm>> -> memref<1x24576xf32, #tpu.memory_space<hbm>>
      %dma_start3A_597 = tpu.memref_squeeze %dma_start3A_596 : memref<1x24576xf32, #tpu.memory_space<hbm>> -> memref<24576xf32, #tpu.memory_space<hbm>>
      %dma_start3A_598 = tpu.memref_slice %arg22[%and3A_455] : memref<2x!tpu.dma_semaphore, #tpu.memory_space<semaphore_mem>> -> memref<1x!tpu.dma_semaphore, #tpu.memory_space<semaphore_mem>>
      %dma_start3A_599 = tpu.memref_squeeze %dma_start3A_598 : memref<1x!tpu.dma_semaphore, #tpu.memory_space<semaphore_mem>> -> memref<!tpu.dma_semaphore, #tpu.memory_space<semaphore_mem>>
      %dma_start3A_600 = arith.constant 0 : i32
      %dma_start3A_601 = tpu.memref_slice %arg7[%add3A_454, %dma_start3A_600] : memref<2048x24576xf32, #tpu.memory_space<hbm>> -> memref<1x24576xf32, #tpu.memory_space<hbm>>
      %dma_start3A_602 = tpu.memref_squeeze %dma_start3A_601 : memref<1x24576xf32, #tpu.memory_space<hbm>> -> memref<24576xf32, #tpu.memory_space<hbm>>
      %dma_start3A_603 = tpu.memref_slice %arg14[%mul3A_593] : memref<49152xf32, #tpu.memory_space<vmem>> -> memref<24576xf32, #tpu.memory_space<vmem>>
      tpu.enqueue_dma source(%dma_start3A_603 : memref<24576xf32, #tpu.memory_space<vmem>>) target(%dma_start3A_602 : memref<24576xf32, #tpu.memory_space<hbm>>) target_semaphore(%dma_start3A_599 : memref<!tpu.dma_semaphore, #tpu.memory_space<semaphore_mem>>)
      %ge3A_604 = arith.constant 1 : i32
      %ge3A_605 = arith.cmpi sge, %scan3A_453, %ge3A_604 : i32
      %convert_element_type3A_606 = arith.extui %ge3A_605 : i1 to i32
      %cond3A_607 = arith.constant 0 : i32
      %cond3A_608 = arith.cmpi ne, %convert_element_type3A_606, %cond3A_607 : i32
      scf.if %cond3A_608 {
        %sub3A_609 = arith.constant 1 : i32
        %sub3A_610 = arith.subi %sub3A_609, %and3A_455 : i32
        %sub3A_611 = arith.constant 1 : i32
        %sub3A_612 = arith.subi %add3A_454, %sub3A_611 : i32
        %dma_wait3A_613 = arith.constant 0 : i32
        %dma_wait3A_614 = arith.constant 0 : i32
        %dma_wait3A_615 = tpu.memref_slice %arg15[%sub3A_610, %dma_wait3A_613, %dma_wait3A_614] : memref<2x32x768xf32, #tpu.memory_space<vmem>> -> memref<1x32x768xf32, #tpu.memory_space<vmem>>
        %dma_wait3A_616 = tpu.memref_squeeze %dma_wait3A_615 : memref<1x32x768xf32, #tpu.memory_space<vmem>> -> memref<32x768xf32, #tpu.memory_space<vmem>>
        %dma_wait3A_617 = arith.constant 0 : i32
        %dma_wait3A_618 = tpu.memref_slice %arg17[%sub3A_610, %dma_wait3A_617] : memref<2x32xi32, #tpu.memory_space<vmem>> -> memref<1x32xi32, #tpu.memory_space<vmem>>
        %dma_wait3A_619 = tpu.memref_squeeze %dma_wait3A_618 : memref<1x32xi32, #tpu.memory_space<vmem>> -> memref<32xi32, #tpu.memory_space<vmem>>
        %dma_wait3A_620 = arith.constant 0 : i32
        %dma_wait3A_621 = arith.constant 0 : i32
        %dma_wait3A_622 = tpu.memref_slice %arg5[%dma_wait3A_620, %dma_wait3A_621] : memref<24576x768xf32, #tpu.memory_space<hbm>> -> memref<24576x768xf32, #tpu.memory_space<hbm>>
        %dma_wait3A_623 = tpu.memref_slice %arg24[%sub3A_610] : memref<2x!tpu.dma_semaphore, #tpu.memory_space<semaphore_mem>> -> memref<1x!tpu.dma_semaphore, #tpu.memory_space<semaphore_mem>>
        %dma_wait3A_624 = tpu.memref_squeeze %dma_wait3A_623 : memref<1x!tpu.dma_semaphore, #tpu.memory_space<semaphore_mem>> -> memref<!tpu.dma_semaphore, #tpu.memory_space<semaphore_mem>>
        tpu.wait_indirect_dma semaphore(%dma_wait3A_624 : memref<!tpu.dma_semaphore, #tpu.memory_space<semaphore_mem>>) src(%dma_wait3A_622 : memref<24576x768xf32, #tpu.memory_space<hbm>>) dst(%dma_wait3A_616 : memref<32x768xf32, #tpu.memory_space<vmem>>)
        %mul3A_625 = arith.constant 48 : i32
        %mul3A_626 = arith.muli %sub3A_610, %mul3A_625 : i32
        %get3A_627 = arith.constant 0 : index
        %get3A_628 = tpu.vector_load %arg20[%get3A_627] {strides = array<i32>} : memref<768xf32, #tpu.memory_space<vmem>>, vector<16xf32>,
        %get3A_629 = arith.constant 16 : index
        %get3A_630 = tpu.vector_load %arg20[%get3A_629] {strides = array<i32>} : memref<768xf32, #tpu.memory_space<vmem>>, vector<16xf32>,
        %get3A_631 = arith.constant 32 : index
        %get3A_632 = tpu.vector_load %arg20[%get3A_631] {strides = array<i32>} : memref<768xf32, #tpu.memory_space<vmem>>, vector<16xf32>,
        %get3A_633 = arith.constant 48 : index
        %get3A_634 = tpu.vector_load %arg20[%get3A_633] {strides = array<i32>} : memref<768xf32, #tpu.memory_space<vmem>>, vector<16xf32>,
        %get3A_635 = arith.constant 64 : index
        %get3A_636 = tpu.vector_load %arg20[%get3A_635] {strides = array<i32>} : memref<768xf32, #tpu.memory_space<vmem>>, vector<16xf32>,
        %get3A_637 = arith.constant 80 : index
        %get3A_638 = tpu.vector_load %arg20[%get3A_637] {strides = array<i32>} : memref<768xf32, #tpu.memory_space<vmem>>, vector<16xf32>,
        %get3A_639 = arith.constant 96 : index
        %get3A_640 = tpu.vector_load %arg20[%get3A_639] {strides = array<i32>} : memref<768xf32, #tpu.memory_space<vmem>>, vector<16xf32>,
        %get3A_641 = arith.constant 112 : index
        %get3A_642 = tpu.vector_load %arg20[%get3A_641] {strides = array<i32>} : memref<768xf32, #tpu.memory_space<vmem>>, vector<16xf32>,
        %get3A_643 = arith.constant 128 : index
        %get3A_644 = tpu.vector_load %arg20[%get3A_643] {strides = array<i32>} : memref<768xf32, #tpu.memory_space<vmem>>, vector<16xf32>,
        %get3A_645 = arith.constant 144 : index
        %get3A_646 = tpu.vector_load %arg20[%get3A_645] {strides = array<i32>} : memref<768xf32, #tpu.memory_space<vmem>>, vector<16xf32>,
        %get3A_647 = arith.constant 160 : index
        %get3A_648 = tpu.vector_load %arg20[%get3A_647] {strides = array<i32>} : memref<768xf32, #tpu.memory_space<vmem>>, vector<16xf32>,
        %get3A_649 = arith.constant 176 : index
        %get3A_650 = tpu.vector_load %arg20[%get3A_649] {strides = array<i32>} : memref<768xf32, #tpu.memory_space<vmem>>, vector<16xf32>,
        %get3A_651 = arith.constant 192 : index
        %get3A_652 = tpu.vector_load %arg20[%get3A_651] {strides = array<i32>} : memref<768xf32, #tpu.memory_space<vmem>>, vector<16xf32>,
        %get3A_653 = arith.constant 208 : index
        %get3A_654 = tpu.vector_load %arg20[%get3A_653] {strides = array<i32>} : memref<768xf32, #tpu.memory_space<vmem>>, vector<16xf32>,
        %get3A_655 = arith.constant 224 : index
        %get3A_656 = tpu.vector_load %arg20[%get3A_655] {strides = array<i32>} : memref<768xf32, #tpu.memory_space<vmem>>, vector<16xf32>,
        %get3A_657 = arith.constant 240 : index
        %get3A_658 = tpu.vector_load %arg20[%get3A_657] {strides = array<i32>} : memref<768xf32, #tpu.memory_space<vmem>>, vector<16xf32>,
        %get3A_659 = arith.constant 256 : index
        %get3A_660 = tpu.vector_load %arg20[%get3A_659] {strides = array<i32>} : memref<768xf32, #tpu.memory_space<vmem>>, vector<16xf32>,
        %get3A_661 = arith.constant 272 : index
        %get3A_662 = tpu.vector_load %arg20[%get3A_661] {strides = array<i32>} : memref<768xf32, #tpu.memory_space<vmem>>, vector<16xf32>,
        %get3A_663 = arith.constant 288 : index
        %get3A_664 = tpu.vector_load %arg20[%get3A_663] {strides = array<i32>} : memref<768xf32, #tpu.memory_space<vmem>>, vector<16xf32>,
        %get3A_665 = arith.constant 304 : index
        %get3A_666 = tpu.vector_load %arg20[%get3A_665] {strides = array<i32>} : memref<768xf32, #tpu.memory_space<vmem>>, vector<16xf32>,
        %get3A_667 = arith.constant 320 : index
        %get3A_668 = tpu.vector_load %arg20[%get3A_667] {strides = array<i32>} : memref<768xf32, #tpu.memory_space<vmem>>, vector<16xf32>,
        %get3A_669 = arith.constant 336 : index
        %get3A_670 = tpu.vector_load %arg20[%get3A_669] {strides = array<i32>} : memref<768xf32, #tpu.memory_space<vmem>>, vector<16xf32>,
        %get3A_671 = arith.constant 352 : index
        %get3A_672 = tpu.vector_load %arg20[%get3A_671] {strides = array<i32>} : memref<768xf32, #tpu.memory_space<vmem>>, vector<16xf32>,
        %get3A_673 = arith.constant 368 : index
        %get3A_674 = tpu.vector_load %arg20[%get3A_673] {strides = array<i32>} : memref<768xf32, #tpu.memory_space<vmem>>, vector<16xf32>,
        %get3A_675 = arith.constant 384 : index
        %get3A_676 = tpu.vector_load %arg20[%get3A_675] {strides = array<i32>} : memref<768xf32, #tpu.memory_space<vmem>>, vector<16xf32>,
        %get3A_677 = arith.constant 400 : index
        %get3A_678 = tpu.vector_load %arg20[%get3A_677] {strides = array<i32>} : memref<768xf32, #tpu.memory_space<vmem>>, vector<16xf32>,
        %get3A_679 = arith.constant 416 : index
        %get3A_680 = tpu.vector_load %arg20[%get3A_679] {strides = array<i32>} : memref<768xf32, #tpu.memory_space<vmem>>, vector<16xf32>,
        %get3A_681 = arith.constant 432 : index
        %get3A_682 = tpu.vector_load %arg20[%get3A_681] {strides = array<i32>} : memref<768xf32, #tpu.memory_space<vmem>>, vector<16xf32>,
        %get3A_683 = arith.constant 448 : index
        %get3A_684 = tpu.vector_load %arg20[%get3A_683] {strides = array<i32>} : memref<768xf32, #tpu.memory_space<vmem>>, vector<16xf32>,
        %get3A_685 = arith.constant 464 : index
        %get3A_686 = tpu.vector_load %arg20[%get3A_685] {strides = array<i32>} : memref<768xf32, #tpu.memory_space<vmem>>, vector<16xf32>,
        %get3A_687 = arith.constant 480 : index
        %get3A_688 = tpu.vector_load %arg20[%get3A_687] {strides = array<i32>} : memref<768xf32, #tpu.memory_space<vmem>>, vector<16xf32>,
        %get3A_689 = arith.constant 496 : index
        %get3A_690 = tpu.vector_load %arg20[%get3A_689] {strides = array<i32>} : memref<768xf32, #tpu.memory_space<vmem>>, vector<16xf32>,
        %get3A_691 = arith.constant 512 : index
        %get3A_692 = tpu.vector_load %arg20[%get3A_691] {strides = array<i32>} : memref<768xf32, #tpu.memory_space<vmem>>, vector<16xf32>,
        %get3A_693 = arith.constant 528 : index
        %get3A_694 = tpu.vector_load %arg20[%get3A_693] {strides = array<i32>} : memref<768xf32, #tpu.memory_space<vmem>>, vector<16xf32>,
        %get3A_695 = arith.constant 544 : index
        %get3A_696 = tpu.vector_load %arg20[%get3A_695] {strides = array<i32>} : memref<768xf32, #tpu.memory_space<vmem>>, vector<16xf32>,
        %get3A_697 = arith.constant 560 : index
        %get3A_698 = tpu.vector_load %arg20[%get3A_697] {strides = array<i32>} : memref<768xf32, #tpu.memory_space<vmem>>, vector<16xf32>,
        %get3A_699 = arith.constant 576 : index
        %get3A_700 = tpu.vector_load %arg20[%get3A_699] {strides = array<i32>} : memref<768xf32, #tpu.memory_space<vmem>>, vector<16xf32>,
        %get3A_701 = arith.constant 592 : index
        %get3A_702 = tpu.vector_load %arg20[%get3A_701] {strides = array<i32>} : memref<768xf32, #tpu.memory_space<vmem>>, vector<16xf32>,
        %get3A_703 = arith.constant 608 : index
        %get3A_704 = tpu.vector_load %arg20[%get3A_703] {strides = array<i32>} : memref<768xf32, #tpu.memory_space<vmem>>, vector<16xf32>,
        %get3A_705 = arith.constant 624 : index
        %get3A_706 = tpu.vector_load %arg20[%get3A_705] {strides = array<i32>} : memref<768xf32, #tpu.memory_space<vmem>>, vector<16xf32>,
        %get3A_707 = arith.constant 640 : index
        %get3A_708 = tpu.vector_load %arg20[%get3A_707] {strides = array<i32>} : memref<768xf32, #tpu.memory_space<vmem>>, vector<16xf32>,
        %get3A_709 = arith.constant 656 : index
        %get3A_710 = tpu.vector_load %arg20[%get3A_709] {strides = array<i32>} : memref<768xf32, #tpu.memory_space<vmem>>, vector<16xf32>,
        %get3A_711 = arith.constant 672 : index
        %get3A_712 = tpu.vector_load %arg20[%get3A_711] {strides = array<i32>} : memref<768xf32, #tpu.memory_space<vmem>>, vector<16xf32>,
        %get3A_713 = arith.constant 688 : index
        %get3A_714 = tpu.vector_load %arg20[%get3A_713] {strides = array<i32>} : memref<768xf32, #tpu.memory_space<vmem>>, vector<16xf32>,
        %get3A_715 = arith.constant 704 : index
        %get3A_716 = tpu.vector_load %arg20[%get3A_715] {strides = array<i32>} : memref<768xf32, #tpu.memory_space<vmem>>, vector<16xf32>,
        %get3A_717 = arith.constant 720 : index
        %get3A_718 = tpu.vector_load %arg20[%get3A_717] {strides = array<i32>} : memref<768xf32, #tpu.memory_space<vmem>>, vector<16xf32>,
        %get3A_719 = arith.constant 736 : index
        %get3A_720 = tpu.vector_load %arg20[%get3A_719] {strides = array<i32>} : memref<768xf32, #tpu.memory_space<vmem>>, vector<16xf32>,
        %get3A_721 = arith.constant 752 : index
        %get3A_722 = tpu.vector_load %arg20[%get3A_721] {strides = array<i32>} : memref<768xf32, #tpu.memory_space<vmem>>, vector<16xf32>,
        %scan3A_723 = arith.constant 0 : i32
        %scan3A_724 = arith.constant 32 : i32
        %scan3A_725 = arith.addi %scan3A_723, %scan3A_724 : i32
        %scan3A_726 = arith.constant 1 : i32
        %scan3A_727:48 = scf.for %scan3A_887 = %scan3A_723 to %scan3A_725 step %scan3A_726 iter_args(%scan3A_888 = %get3A_628, %scan3A_889 = %get3A_630, %scan3A_890 = %get3A_632, %scan3A_891 = %get3A_634, %scan3A_892 = %get3A_636, %scan3A_893 = %get3A_638, %scan3A_894 = %get3A_640, %scan3A_895 = %get3A_642, %scan3A_896 = %get3A_644, %scan3A_897 = %get3A_646, %scan3A_898 = %get3A_648, %scan3A_899 = %get3A_650, %scan3A_900 = %get3A_652, %scan3A_901 = %get3A_654, %scan3A_902 = %get3A_656, %scan3A_903 = %get3A_658, %scan3A_904 = %get3A_660, %scan3A_905 = %get3A_662, %scan3A_906 = %get3A_664, %scan3A_907 = %get3A_666, %scan3A_908 = %get3A_668, %scan3A_909 = %get3A_670, %scan3A_910 = %get3A_672, %scan3A_911 = %get3A_674, %scan3A_912 = %get3A_676, %scan3A_913 = %get3A_678, %scan3A_914 = %get3A_680, %scan3A_915 = %get3A_682, %scan3A_916 = %get3A_684, %scan3A_917 = %get3A_686, %scan3A_918 = %get3A_688, %scan3A_919 = %get3A_690, %scan3A_920 = %get3A_692, %scan3A_921 = %get3A_694, %scan3A_922 = %get3A_696, %scan3A_923 = %get3A_698, %scan3A_924 = %get3A_700, %scan3A_925 = %get3A_702, %scan3A_926 = %get3A_704, %scan3A_927 = %get3A_706, %scan3A_928 = %get3A_708, %scan3A_929 = %get3A_710, %scan3A_930 = %get3A_712, %scan3A_931 = %get3A_714, %scan3A_932 = %get3A_716, %scan3A_933 = %get3A_718, %scan3A_934 = %get3A_720, %scan3A_935 = %get3A_722) -> (vector<16xf32>, vector<16xf32>, vector<16xf32>, vector<16xf32>, vector<16xf32>, vector<16xf32>, vector<16xf32>, vector<16xf32>, vector<16xf32>, vector<16xf32>, vector<16xf32>, vector<16xf32>, vector<16xf32>, vector<16xf32>, vector<16xf32>, vector<16xf32>, vector<16xf32>, vector<16xf32>, vector<16xf32>, vector<16xf32>, vector<16xf32>, vector<16xf32>, vector<16xf32>, vector<16xf32>, vector<16xf32>, vector<16xf32>, vector<16xf32>, vector<16xf32>, vector<16xf32>, vector<16xf32>, vector<16xf32>, vector<16xf32>, vector<16xf32>, vector<16xf32>, vector<16xf32>, vector<16xf32>, vector<16xf32>, vector<16xf32>, vector<16xf32>, vector<16xf32>, vector<16xf32>, vector<16xf32>, vector<16xf32>, vector<16xf32>, vector<16xf32>, vector<16xf32>, vector<16xf32>, vector<16xf32>)  : i32 {
          %add3A_936 = arith.addi %mul3A_626, %scan3A_887 : i32
          %get3A_937 = arith.index_cast %add3A_936 : i32 to index
          %get3A_938 = tpu.vector_load %arg19[%get3A_937] {strides = array<i32>} : memref<96xf32, #tpu.memory_space<vmem>>, vector<16xf32>,
          %slice3A_939 = vector.extract_strided_slice %get3A_938 {offsets = [0], sizes = [1], strides = [1]} : vector<16xf32> to vector<1xf32>
          %squeeze3A_940 = vector.extract %slice3A_939[0] : f32 from vector<1xf32>
          %max3A_941 = arith.constant 0.000000e+00 : f32
          %max3A_942 = arith.maximumf %squeeze3A_940, %max3A_941 : f32
          %get3A_943 = arith.index_cast %sub3A_610 : i32 to index
          %get3A_944 = arith.index_cast %scan3A_887 : i32 to index
          %get3A_945 = arith.constant 0 : index
          %get3A_946 = tpu.vector_load %arg15[%get3A_943, %get3A_944, %get3A_945] {strides = array<i32>} : memref<2x32x768xf32, #tpu.memory_space<vmem>>, vector<16xf32>,
          %mul3A_947 = vector.broadcast %max3A_942 : f32 to vector<16xf32>
          %mul3A_948 = arith.mulf %get3A_946, %mul3A_947 : vector<16xf32>
          %add3A_949 = arith.addf %scan3A_888, %mul3A_948 : vector<16xf32>
          %get3A_950 = arith.index_cast %sub3A_610 : i32 to index
          %get3A_951 = arith.index_cast %scan3A_887 : i32 to index
          %get3A_952 = arith.constant 16 : index
          %get3A_953 = tpu.vector_load %arg15[%get3A_950, %get3A_951, %get3A_952] {strides = array<i32>} : memref<2x32x768xf32, #tpu.memory_space<vmem>>, vector<16xf32>,
          %mul3A_954 = vector.broadcast %max3A_942 : f32 to vector<16xf32>
          %mul3A_955 = arith.mulf %get3A_953, %mul3A_954 : vector<16xf32>
          %add3A_956 = arith.addf %scan3A_889, %mul3A_955 : vector<16xf32>
          %get3A_957 = arith.index_cast %sub3A_610 : i32 to index
          %get3A_958 = arith.index_cast %scan3A_887 : i32 to index
          %get3A_959 = arith.constant 32 : index
          %get3A_960 = tpu.vector_load %arg15[%get3A_957, %get3A_958, %get3A_959] {strides = array<i32>} : memref<2x32x768xf32, #tpu.memory_space<vmem>>, vector<16xf32>,
          %mul3A_961 = vector.broadcast %max3A_942 : f32 to vector<16xf32>
          %mul3A_962 = arith.mulf %get3A_960, %mul3A_961 : vector<16xf32>
          %add3A_963 = arith.addf %scan3A_890, %mul3A_962 : vector<16xf32>
          %get3A_964 = arith.index_cast %sub3A_610 : i32 to index
          %get3A_965 = arith.index_cast %scan3A_887 : i32 to index
          %get3A_966 = arith.constant 48 : index
          %get3A_967 = tpu.vector_load %arg15[%get3A_964, %get3A_965, %get3A_966] {strides = array<i32>} : memref<2x32x768xf32, #tpu.memory_space<vmem>>, vector<16xf32>,
          %mul3A_968 = vector.broadcast %max3A_942 : f32 to vector<16xf32>
          %mul3A_969 = arith.mulf %get3A_967, %mul3A_968 : vector<16xf32>
          %add3A_970 = arith.addf %scan3A_891, %mul3A_969 : vector<16xf32>
          %get3A_971 = arith.index_cast %sub3A_610 : i32 to index
          %get3A_972 = arith.index_cast %scan3A_887 : i32 to index
          %get3A_973 = arith.constant 64 : index
          %get3A_974 = tpu.vector_load %arg15[%get3A_971, %get3A_972, %get3A_973] {strides = array<i32>} : memref<2x32x768xf32, #tpu.memory_space<vmem>>, vector<16xf32>,
          %mul3A_975 = vector.broadcast %max3A_942 : f32 to vector<16xf32>
          %mul3A_976 = arith.mulf %get3A_974, %mul3A_975 : vector<16xf32>
          %add3A_977 = arith.addf %scan3A_892, %mul3A_976 : vector<16xf32>
          %get3A_978 = arith.index_cast %sub3A_610 : i32 to index
          %get3A_979 = arith.index_cast %scan3A_887 : i32 to index
          %get3A_980 = arith.constant 80 : index
          %get3A_981 = tpu.vector_load %arg15[%get3A_978, %get3A_979, %get3A_980] {strides = array<i32>} : memref<2x32x768xf32, #tpu.memory_space<vmem>>, vector<16xf32>,
          %mul3A_982 = vector.broadcast %max3A_942 : f32 to vector<16xf32>
          %mul3A_983 = arith.mulf %get3A_981, %mul3A_982 : vector<16xf32>
          %add3A_984 = arith.addf %scan3A_893, %mul3A_983 : vector<16xf32>
          %get3A_985 = arith.index_cast %sub3A_610 : i32 to index
          %get3A_986 = arith.index_cast %scan3A_887 : i32 to index
          %get3A_987 = arith.constant 96 : index
          %get3A_988 = tpu.vector_load %arg15[%get3A_985, %get3A_986, %get3A_987] {strides = array<i32>} : memref<2x32x768xf32, #tpu.memory_space<vmem>>, vector<16xf32>,
          %mul3A_989 = vector.broadcast %max3A_942 : f32 to vector<16xf32>
          %mul3A_990 = arith.mulf %get3A_988, %mul3A_989 : vector<16xf32>
          %add3A_991 = arith.addf %scan3A_894, %mul3A_990 : vector<16xf32>
          %get3A_992 = arith.index_cast %sub3A_610 : i32 to index
          %get3A_993 = arith.index_cast %scan3A_887 : i32 to index
          %get3A_994 = arith.constant 112 : index
          %get3A_995 = tpu.vector_load %arg15[%get3A_992, %get3A_993, %get3A_994] {strides = array<i32>} : memref<2x32x768xf32, #tpu.memory_space<vmem>>, vector<16xf32>,
          %mul3A_996 = vector.broadcast %max3A_942 : f32 to vector<16xf32>
          %mul3A_997 = arith.mulf %get3A_995, %mul3A_996 : vector<16xf32>
          %add3A_998 = arith.addf %scan3A_895, %mul3A_997 : vector<16xf32>
          %get3A_999 = arith.index_cast %sub3A_610 : i32 to index
          %get3A_1000 = arith.index_cast %scan3A_887 : i32 to index
          %get3A_1001 = arith.constant 128 : index
          %get3A_1002 = tpu.vector_load %arg15[%get3A_999, %get3A_1000, %get3A_1001] {strides = array<i32>} : memref<2x32x768xf32, #tpu.memory_space<vmem>>, vector<16xf32>,
          %mul3A_1003 = vector.broadcast %max3A_942 : f32 to vector<16xf32>
          %mul3A_1004 = arith.mulf %get3A_1002, %mul3A_1003 : vector<16xf32>
          %add3A_1005 = arith.addf %scan3A_896, %mul3A_1004 : vector<16xf32>
          %get3A_1006 = arith.index_cast %sub3A_610 : i32 to index
          %get3A_1007 = arith.index_cast %scan3A_887 : i32 to index
          %get3A_1008 = arith.constant 144 : index
          %get3A_1009 = tpu.vector_load %arg15[%get3A_1006, %get3A_1007, %get3A_1008] {strides = array<i32>} : memref<2x32x768xf32, #tpu.memory_space<vmem>>, vector<16xf32>,
          %mul3A_1010 = vector.broadcast %max3A_942 : f32 to vector<16xf32>
          %mul3A_1011 = arith.mulf %get3A_1009, %mul3A_1010 : vector<16xf32>
          %add3A_1012 = arith.addf %scan3A_897, %mul3A_1011 : vector<16xf32>
          %get3A_1013 = arith.index_cast %sub3A_610 : i32 to index
          %get3A_1014 = arith.index_cast %scan3A_887 : i32 to index
          %get3A_1015 = arith.constant 160 : index
          %get3A_1016 = tpu.vector_load %arg15[%get3A_1013, %get3A_1014, %get3A_1015] {strides = array<i32>} : memref<2x32x768xf32, #tpu.memory_space<vmem>>, vector<16xf32>,
          %mul3A_1017 = vector.broadcast %max3A_942 : f32 to vector<16xf32>
          %mul3A_1018 = arith.mulf %get3A_1016, %mul3A_1017 : vector<16xf32>
          %add3A_1019 = arith.addf %scan3A_898, %mul3A_1018 : vector<16xf32>
          %get3A_1020 = arith.index_cast %sub3A_610 : i32 to index
          %get3A_1021 = arith.index_cast %scan3A_887 : i32 to index
          %get3A_1022 = arith.constant 176 : index
          %get3A_1023 = tpu.vector_load %arg15[%get3A_1020, %get3A_1021, %get3A_1022] {strides = array<i32>} : memref<2x32x768xf32, #tpu.memory_space<vmem>>, vector<16xf32>,
          %mul3A_1024 = vector.broadcast %max3A_942 : f32 to vector<16xf32>
          %mul3A_1025 = arith.mulf %get3A_1023, %mul3A_1024 : vector<16xf32>
          %add3A_1026 = arith.addf %scan3A_899, %mul3A_1025 : vector<16xf32>
          %get3A_1027 = arith.index_cast %sub3A_610 : i32 to index
          %get3A_1028 = arith.index_cast %scan3A_887 : i32 to index
          %get3A_1029 = arith.constant 192 : index
          %get3A_1030 = tpu.vector_load %arg15[%get3A_1027, %get3A_1028, %get3A_1029] {strides = array<i32>} : memref<2x32x768xf32, #tpu.memory_space<vmem>>, vector<16xf32>,
          %mul3A_1031 = vector.broadcast %max3A_942 : f32 to vector<16xf32>
          %mul3A_1032 = arith.mulf %get3A_1030, %mul3A_1031 : vector<16xf32>
          %add3A_1033 = arith.addf %scan3A_900, %mul3A_1032 : vector<16xf32>
          %get3A_1034 = arith.index_cast %sub3A_610 : i32 to index
          %get3A_1035 = arith.index_cast %scan3A_887 : i32 to index
          %get3A_1036 = arith.constant 208 : index
          %get3A_1037 = tpu.vector_load %arg15[%get3A_1034, %get3A_1035, %get3A_1036] {strides = array<i32>} : memref<2x32x768xf32, #tpu.memory_space<vmem>>, vector<16xf32>,
          %mul3A_1038 = vector.broadcast %max3A_942 : f32 to vector<16xf32>
          %mul3A_1039 = arith.mulf %get3A_1037, %mul3A_1038 : vector<16xf32>
          %add3A_1040 = arith.addf %scan3A_901, %mul3A_1039 : vector<16xf32>
          %get3A_1041 = arith.index_cast %sub3A_610 : i32 to index
          %get3A_1042 = arith.index_cast %scan3A_887 : i32 to index
          %get3A_1043 = arith.constant 224 : index
          %get3A_1044 = tpu.vector_load %arg15[%get3A_1041, %get3A_1042, %get3A_1043] {strides = array<i32>} : memref<2x32x768xf32, #tpu.memory_space<vmem>>, vector<16xf32>,
          %mul3A_1045 = vector.broadcast %max3A_942 : f32 to vector<16xf32>
          %mul3A_1046 = arith.mulf %get3A_1044, %mul3A_1045 : vector<16xf32>
          %add3A_1047 = arith.addf %scan3A_902, %mul3A_1046 : vector<16xf32>
          %get3A_1048 = arith.index_cast %sub3A_610 : i32 to index
          %get3A_1049 = arith.index_cast %scan3A_887 : i32 to index
          %get3A_1050 = arith.constant 240 : index
          %get3A_1051 = tpu.vector_load %arg15[%get3A_1048, %get3A_1049, %get3A_1050] {strides = array<i32>} : memref<2x32x768xf32, #tpu.memory_space<vmem>>, vector<16xf32>,
          %mul3A_1052 = vector.broadcast %max3A_942 : f32 to vector<16xf32>
          %mul3A_1053 = arith.mulf %get3A_1051, %mul3A_1052 : vector<16xf32>
          %add3A_1054 = arith.addf %scan3A_903, %mul3A_1053 : vector<16xf32>
          %get3A_1055 = arith.index_cast %sub3A_610 : i32 to index
          %get3A_1056 = arith.index_cast %scan3A_887 : i32 to index
          %get3A_1057 = arith.constant 256 : index
          %get3A_1058 = tpu.vector_load %arg15[%get3A_1055, %get3A_1056, %get3A_1057] {strides = array<i32>} : memref<2x32x768xf32, #tpu.memory_space<vmem>>, vector<16xf32>,
          %mul3A_1059 = vector.broadcast %max3A_942 : f32 to vector<16xf32>
          %mul3A_1060 = arith.mulf %get3A_1058, %mul3A_1059 : vector<16xf32>
          %add3A_1061 = arith.addf %scan3A_904, %mul3A_1060 : vector<16xf32>
          %get3A_1062 = arith.index_cast %sub3A_610 : i32 to index
          %get3A_1063 = arith.index_cast %scan3A_887 : i32 to index
          %get3A_1064 = arith.constant 272 : index
          %get3A_1065 = tpu.vector_load %arg15[%get3A_1062, %get3A_1063, %get3A_1064] {strides = array<i32>} : memref<2x32x768xf32, #tpu.memory_space<vmem>>, vector<16xf32>,
          %mul3A_1066 = vector.broadcast %max3A_942 : f32 to vector<16xf32>
          %mul3A_1067 = arith.mulf %get3A_1065, %mul3A_1066 : vector<16xf32>
          %add3A_1068 = arith.addf %scan3A_905, %mul3A_1067 : vector<16xf32>
          %get3A_1069 = arith.index_cast %sub3A_610 : i32 to index
          %get3A_1070 = arith.index_cast %scan3A_887 : i32 to index
          %get3A_1071 = arith.constant 288 : index
          %get3A_1072 = tpu.vector_load %arg15[%get3A_1069, %get3A_1070, %get3A_1071] {strides = array<i32>} : memref<2x32x768xf32, #tpu.memory_space<vmem>>, vector<16xf32>,
          %mul3A_1073 = vector.broadcast %max3A_942 : f32 to vector<16xf32>
          %mul3A_1074 = arith.mulf %get3A_1072, %mul3A_1073 : vector<16xf32>
          %add3A_1075 = arith.addf %scan3A_906, %mul3A_1074 : vector<16xf32>
          %get3A_1076 = arith.index_cast %sub3A_610 : i32 to index
          %get3A_1077 = arith.index_cast %scan3A_887 : i32 to index
          %get3A_1078 = arith.constant 304 : index
          %get3A_1079 = tpu.vector_load %arg15[%get3A_1076, %get3A_1077, %get3A_1078] {strides = array<i32>} : memref<2x32x768xf32, #tpu.memory_space<vmem>>, vector<16xf32>,
          %mul3A_1080 = vector.broadcast %max3A_942 : f32 to vector<16xf32>
          %mul3A_1081 = arith.mulf %get3A_1079, %mul3A_1080 : vector<16xf32>
          %add3A_1082 = arith.addf %scan3A_907, %mul3A_1081 : vector<16xf32>
          %get3A_1083 = arith.index_cast %sub3A_610 : i32 to index
          %get3A_1084 = arith.index_cast %scan3A_887 : i32 to index
          %get3A_1085 = arith.constant 320 : index
          %get3A_1086 = tpu.vector_load %arg15[%get3A_1083, %get3A_1084, %get3A_1085] {strides = array<i32>} : memref<2x32x768xf32, #tpu.memory_space<vmem>>, vector<16xf32>,
          %mul3A_1087 = vector.broadcast %max3A_942 : f32 to vector<16xf32>
          %mul3A_1088 = arith.mulf %get3A_1086, %mul3A_1087 : vector<16xf32>
          %add3A_1089 = arith.addf %scan3A_908, %mul3A_1088 : vector<16xf32>
          %get3A_1090 = arith.index_cast %sub3A_610 : i32 to index
          %get3A_1091 = arith.index_cast %scan3A_887 : i32 to index
          %get3A_1092 = arith.constant 336 : index
          %get3A_1093 = tpu.vector_load %arg15[%get3A_1090, %get3A_1091, %get3A_1092] {strides = array<i32>} : memref<2x32x768xf32, #tpu.memory_space<vmem>>, vector<16xf32>,
          %mul3A_1094 = vector.broadcast %max3A_942 : f32 to vector<16xf32>
          %mul3A_1095 = arith.mulf %get3A_1093, %mul3A_1094 : vector<16xf32>
          %add3A_1096 = arith.addf %scan3A_909, %mul3A_1095 : vector<16xf32>
          %get3A_1097 = arith.index_cast %sub3A_610 : i32 to index
          %get3A_1098 = arith.index_cast %scan3A_887 : i32 to index
          %get3A_1099 = arith.constant 352 : index
          %get3A_1100 = tpu.vector_load %arg15[%get3A_1097, %get3A_1098, %get3A_1099] {strides = array<i32>} : memref<2x32x768xf32, #tpu.memory_space<vmem>>, vector<16xf32>,
          %mul3A_1101 = vector.broadcast %max3A_942 : f32 to vector<16xf32>
          %mul3A_1102 = arith.mulf %get3A_1100, %mul3A_1101 : vector<16xf32>
          %add3A_1103 = arith.addf %scan3A_910, %mul3A_1102 : vector<16xf32>
          %get3A_1104 = arith.index_cast %sub3A_610 : i32 to index
          %get3A_1105 = arith.index_cast %scan3A_887 : i32 to index
          %get3A_1106 = arith.constant 368 : index
          %get3A_1107 = tpu.vector_load %arg15[%get3A_1104, %get3A_1105, %get3A_1106] {strides = array<i32>} : memref<2x32x768xf32, #tpu.memory_space<vmem>>, vector<16xf32>,
          %mul3A_1108 = vector.broadcast %max3A_942 : f32 to vector<16xf32>
          %mul3A_1109 = arith.mulf %get3A_1107, %mul3A_1108 : vector<16xf32>
          %add3A_1110 = arith.addf %scan3A_911, %mul3A_1109 : vector<16xf32>
          %get3A_1111 = arith.index_cast %sub3A_610 : i32 to index
          %get3A_1112 = arith.index_cast %scan3A_887 : i32 to index
          %get3A_1113 = arith.constant 384 : index
          %get3A_1114 = tpu.vector_load %arg15[%get3A_1111, %get3A_1112, %get3A_1113] {strides = array<i32>} : memref<2x32x768xf32, #tpu.memory_space<vmem>>, vector<16xf32>,
          %mul3A_1115 = vector.broadcast %max3A_942 : f32 to vector<16xf32>
          %mul3A_1116 = arith.mulf %get3A_1114, %mul3A_1115 : vector<16xf32>
          %add3A_1117 = arith.addf %scan3A_912, %mul3A_1116 : vector<16xf32>
          %get3A_1118 = arith.index_cast %sub3A_610 : i32 to index
          %get3A_1119 = arith.index_cast %scan3A_887 : i32 to index
          %get3A_1120 = arith.constant 400 : index
          %get3A_1121 = tpu.vector_load %arg15[%get3A_1118, %get3A_1119, %get3A_1120] {strides = array<i32>} : memref<2x32x768xf32, #tpu.memory_space<vmem>>, vector<16xf32>,
          %mul3A_1122 = vector.broadcast %max3A_942 : f32 to vector<16xf32>
          %mul3A_1123 = arith.mulf %get3A_1121, %mul3A_1122 : vector<16xf32>
          %add3A_1124 = arith.addf %scan3A_913, %mul3A_1123 : vector<16xf32>
          %get3A_1125 = arith.index_cast %sub3A_610 : i32 to index
          %get3A_1126 = arith.index_cast %scan3A_887 : i32 to index
          %get3A_1127 = arith.constant 416 : index
          %get3A_1128 = tpu.vector_load %arg15[%get3A_1125, %get3A_1126, %get3A_1127] {strides = array<i32>} : memref<2x32x768xf32, #tpu.memory_space<vmem>>, vector<16xf32>,
          %mul3A_1129 = vector.broadcast %max3A_942 : f32 to vector<16xf32>
          %mul3A_1130 = arith.mulf %get3A_1128, %mul3A_1129 : vector<16xf32>
          %add3A_1131 = arith.addf %scan3A_914, %mul3A_1130 : vector<16xf32>
          %get3A_1132 = arith.index_cast %sub3A_610 : i32 to index
          %get3A_1133 = arith.index_cast %scan3A_887 : i32 to index
          %get3A_1134 = arith.constant 432 : index
          %get3A_1135 = tpu.vector_load %arg15[%get3A_1132, %get3A_1133, %get3A_1134] {strides = array<i32>} : memref<2x32x768xf32, #tpu.memory_space<vmem>>, vector<16xf32>,
          %mul3A_1136 = vector.broadcast %max3A_942 : f32 to vector<16xf32>
          %mul3A_1137 = arith.mulf %get3A_1135, %mul3A_1136 : vector<16xf32>
          %add3A_1138 = arith.addf %scan3A_915, %mul3A_1137 : vector<16xf32>
          %get3A_1139 = arith.index_cast %sub3A_610 : i32 to index
          %get3A_1140 = arith.index_cast %scan3A_887 : i32 to index
          %get3A_1141 = arith.constant 448 : index
          %get3A_1142 = tpu.vector_load %arg15[%get3A_1139, %get3A_1140, %get3A_1141] {strides = array<i32>} : memref<2x32x768xf32, #tpu.memory_space<vmem>>, vector<16xf32>,
          %mul3A_1143 = vector.broadcast %max3A_942 : f32 to vector<16xf32>
          %mul3A_1144 = arith.mulf %get3A_1142, %mul3A_1143 : vector<16xf32>
          %add3A_1145 = arith.addf %scan3A_916, %mul3A_1144 : vector<16xf32>
          %get3A_1146 = arith.index_cast %sub3A_610 : i32 to index
          %get3A_1147 = arith.index_cast %scan3A_887 : i32 to index
          %get3A_1148 = arith.constant 464 : index
          %get3A_1149 = tpu.vector_load %arg15[%get3A_1146, %get3A_1147, %get3A_1148] {strides = array<i32>} : memref<2x32x768xf32, #tpu.memory_space<vmem>>, vector<16xf32>,
          %mul3A_1150 = vector.broadcast %max3A_942 : f32 to vector<16xf32>
          %mul3A_1151 = arith.mulf %get3A_1149, %mul3A_1150 : vector<16xf32>
          %add3A_1152 = arith.addf %scan3A_917, %mul3A_1151 : vector<16xf32>
          %get3A_1153 = arith.index_cast %sub3A_610 : i32 to index
          %get3A_1154 = arith.index_cast %scan3A_887 : i32 to index
          %get3A_1155 = arith.constant 480 : index
          %get3A_1156 = tpu.vector_load %arg15[%get3A_1153, %get3A_1154, %get3A_1155] {strides = array<i32>} : memref<2x32x768xf32, #tpu.memory_space<vmem>>, vector<16xf32>,
          %mul3A_1157 = vector.broadcast %max3A_942 : f32 to vector<16xf32>
          %mul3A_1158 = arith.mulf %get3A_1156, %mul3A_1157 : vector<16xf32>
          %add3A_1159 = arith.addf %scan3A_918, %mul3A_1158 : vector<16xf32>
          %get3A_1160 = arith.index_cast %sub3A_610 : i32 to index
          %get3A_1161 = arith.index_cast %scan3A_887 : i32 to index
          %get3A_1162 = arith.constant 496 : index
          %get3A_1163 = tpu.vector_load %arg15[%get3A_1160, %get3A_1161, %get3A_1162] {strides = array<i32>} : memref<2x32x768xf32, #tpu.memory_space<vmem>>, vector<16xf32>,
          %mul3A_1164 = vector.broadcast %max3A_942 : f32 to vector<16xf32>
          %mul3A_1165 = arith.mulf %get3A_1163, %mul3A_1164 : vector<16xf32>
          %add3A_1166 = arith.addf %scan3A_919, %mul3A_1165 : vector<16xf32>
          %get3A_1167 = arith.index_cast %sub3A_610 : i32 to index
          %get3A_1168 = arith.index_cast %scan3A_887 : i32 to index
          %get3A_1169 = arith.constant 512 : index
          %get3A_1170 = tpu.vector_load %arg15[%get3A_1167, %get3A_1168, %get3A_1169] {strides = array<i32>} : memref<2x32x768xf32, #tpu.memory_space<vmem>>, vector<16xf32>,
          %mul3A_1171 = vector.broadcast %max3A_942 : f32 to vector<16xf32>
          %mul3A_1172 = arith.mulf %get3A_1170, %mul3A_1171 : vector<16xf32>
          %add3A_1173 = arith.addf %scan3A_920, %mul3A_1172 : vector<16xf32>
          %get3A_1174 = arith.index_cast %sub3A_610 : i32 to index
          %get3A_1175 = arith.index_cast %scan3A_887 : i32 to index
          %get3A_1176 = arith.constant 528 : index
          %get3A_1177 = tpu.vector_load %arg15[%get3A_1174, %get3A_1175, %get3A_1176] {strides = array<i32>} : memref<2x32x768xf32, #tpu.memory_space<vmem>>, vector<16xf32>,
          %mul3A_1178 = vector.broadcast %max3A_942 : f32 to vector<16xf32>
          %mul3A_1179 = arith.mulf %get3A_1177, %mul3A_1178 : vector<16xf32>
          %add3A_1180 = arith.addf %scan3A_921, %mul3A_1179 : vector<16xf32>
          %get3A_1181 = arith.index_cast %sub3A_610 : i32 to index
          %get3A_1182 = arith.index_cast %scan3A_887 : i32 to index
          %get3A_1183 = arith.constant 544 : index
          %get3A_1184 = tpu.vector_load %arg15[%get3A_1181, %get3A_1182, %get3A_1183] {strides = array<i32>} : memref<2x32x768xf32, #tpu.memory_space<vmem>>, vector<16xf32>,
          %mul3A_1185 = vector.broadcast %max3A_942 : f32 to vector<16xf32>
          %mul3A_1186 = arith.mulf %get3A_1184, %mul3A_1185 : vector<16xf32>
          %add3A_1187 = arith.addf %scan3A_922, %mul3A_1186 : vector<16xf32>
          %get3A_1188 = arith.index_cast %sub3A_610 : i32 to index
          %get3A_1189 = arith.index_cast %scan3A_887 : i32 to index
          %get3A_1190 = arith.constant 560 : index
          %get3A_1191 = tpu.vector_load %arg15[%get3A_1188, %get3A_1189, %get3A_1190] {strides = array<i32>} : memref<2x32x768xf32, #tpu.memory_space<vmem>>, vector<16xf32>,
          %mul3A_1192 = vector.broadcast %max3A_942 : f32 to vector<16xf32>
          %mul3A_1193 = arith.mulf %get3A_1191, %mul3A_1192 : vector<16xf32>
          %add3A_1194 = arith.addf %scan3A_923, %mul3A_1193 : vector<16xf32>
          %get3A_1195 = arith.index_cast %sub3A_610 : i32 to index
          %get3A_1196 = arith.index_cast %scan3A_887 : i32 to index
          %get3A_1197 = arith.constant 576 : index
          %get3A_1198 = tpu.vector_load %arg15[%get3A_1195, %get3A_1196, %get3A_1197] {strides = array<i32>} : memref<2x32x768xf32, #tpu.memory_space<vmem>>, vector<16xf32>,
          %mul3A_1199 = vector.broadcast %max3A_942 : f32 to vector<16xf32>
          %mul3A_1200 = arith.mulf %get3A_1198, %mul3A_1199 : vector<16xf32>
          %add3A_1201 = arith.addf %scan3A_924, %mul3A_1200 : vector<16xf32>
          %get3A_1202 = arith.index_cast %sub3A_610 : i32 to index
          %get3A_1203 = arith.index_cast %scan3A_887 : i32 to index
          %get3A_1204 = arith.constant 592 : index
          %get3A_1205 = tpu.vector_load %arg15[%get3A_1202, %get3A_1203, %get3A_1204] {strides = array<i32>} : memref<2x32x768xf32, #tpu.memory_space<vmem>>, vector<16xf32>,
          %mul3A_1206 = vector.broadcast %max3A_942 : f32 to vector<16xf32>
          %mul3A_1207 = arith.mulf %get3A_1205, %mul3A_1206 : vector<16xf32>
          %add3A_1208 = arith.addf %scan3A_925, %mul3A_1207 : vector<16xf32>
          %get3A_1209 = arith.index_cast %sub3A_610 : i32 to index
          %get3A_1210 = arith.index_cast %scan3A_887 : i32 to index
          %get3A_1211 = arith.constant 608 : index
          %get3A_1212 = tpu.vector_load %arg15[%get3A_1209, %get3A_1210, %get3A_1211] {strides = array<i32>} : memref<2x32x768xf32, #tpu.memory_space<vmem>>, vector<16xf32>,
          %mul3A_1213 = vector.broadcast %max3A_942 : f32 to vector<16xf32>
          %mul3A_1214 = arith.mulf %get3A_1212, %mul3A_1213 : vector<16xf32>
          %add3A_1215 = arith.addf %scan3A_926, %mul3A_1214 : vector<16xf32>
          %get3A_1216 = arith.index_cast %sub3A_610 : i32 to index
          %get3A_1217 = arith.index_cast %scan3A_887 : i32 to index
          %get3A_1218 = arith.constant 624 : index
          %get3A_1219 = tpu.vector_load %arg15[%get3A_1216, %get3A_1217, %get3A_1218] {strides = array<i32>} : memref<2x32x768xf32, #tpu.memory_space<vmem>>, vector<16xf32>,
          %mul3A_1220 = vector.broadcast %max3A_942 : f32 to vector<16xf32>
          %mul3A_1221 = arith.mulf %get3A_1219, %mul3A_1220 : vector<16xf32>
          %add3A_1222 = arith.addf %scan3A_927, %mul3A_1221 : vector<16xf32>
          %get3A_1223 = arith.index_cast %sub3A_610 : i32 to index
          %get3A_1224 = arith.index_cast %scan3A_887 : i32 to index
          %get3A_1225 = arith.constant 640 : index
          %get3A_1226 = tpu.vector_load %arg15[%get3A_1223, %get3A_1224, %get3A_1225] {strides = array<i32>} : memref<2x32x768xf32, #tpu.memory_space<vmem>>, vector<16xf32>,
          %mul3A_1227 = vector.broadcast %max3A_942 : f32 to vector<16xf32>
          %mul3A_1228 = arith.mulf %get3A_1226, %mul3A_1227 : vector<16xf32>
          %add3A_1229 = arith.addf %scan3A_928, %mul3A_1228 : vector<16xf32>
          %get3A_1230 = arith.index_cast %sub3A_610 : i32 to index
          %get3A_1231 = arith.index_cast %scan3A_887 : i32 to index
          %get3A_1232 = arith.constant 656 : index
          %get3A_1233 = tpu.vector_load %arg15[%get3A_1230, %get3A_1231, %get3A_1232] {strides = array<i32>} : memref<2x32x768xf32, #tpu.memory_space<vmem>>, vector<16xf32>,
          %mul3A_1234 = vector.broadcast %max3A_942 : f32 to vector<16xf32>
          %mul3A_1235 = arith.mulf %get3A_1233, %mul3A_1234 : vector<16xf32>
          %add3A_1236 = arith.addf %scan3A_929, %mul3A_1235 : vector<16xf32>
          %get3A_1237 = arith.index_cast %sub3A_610 : i32 to index
          %get3A_1238 = arith.index_cast %scan3A_887 : i32 to index
          %get3A_1239 = arith.constant 672 : index
          %get3A_1240 = tpu.vector_load %arg15[%get3A_1237, %get3A_1238, %get3A_1239] {strides = array<i32>} : memref<2x32x768xf32, #tpu.memory_space<vmem>>, vector<16xf32>,
          %mul3A_1241 = vector.broadcast %max3A_942 : f32 to vector<16xf32>
          %mul3A_1242 = arith.mulf %get3A_1240, %mul3A_1241 : vector<16xf32>
          %add3A_1243 = arith.addf %scan3A_930, %mul3A_1242 : vector<16xf32>
          %get3A_1244 = arith.index_cast %sub3A_610 : i32 to index
          %get3A_1245 = arith.index_cast %scan3A_887 : i32 to index
          %get3A_1246 = arith.constant 688 : index
          %get3A_1247 = tpu.vector_load %arg15[%get3A_1244, %get3A_1245, %get3A_1246] {strides = array<i32>} : memref<2x32x768xf32, #tpu.memory_space<vmem>>, vector<16xf32>,
          %mul3A_1248 = vector.broadcast %max3A_942 : f32 to vector<16xf32>
          %mul3A_1249 = arith.mulf %get3A_1247, %mul3A_1248 : vector<16xf32>
          %add3A_1250 = arith.addf %scan3A_931, %mul3A_1249 : vector<16xf32>
          %get3A_1251 = arith.index_cast %sub3A_610 : i32 to index
          %get3A_1252 = arith.index_cast %scan3A_887 : i32 to index
          %get3A_1253 = arith.constant 704 : index
          %get3A_1254 = tpu.vector_load %arg15[%get3A_1251, %get3A_1252, %get3A_1253] {strides = array<i32>} : memref<2x32x768xf32, #tpu.memory_space<vmem>>, vector<16xf32>,
          %mul3A_1255 = vector.broadcast %max3A_942 : f32 to vector<16xf32>
          %mul3A_1256 = arith.mulf %get3A_1254, %mul3A_1255 : vector<16xf32>
          %add3A_1257 = arith.addf %scan3A_932, %mul3A_1256 : vector<16xf32>
          %get3A_1258 = arith.index_cast %sub3A_610 : i32 to index
          %get3A_1259 = arith.index_cast %scan3A_887 : i32 to index
          %get3A_1260 = arith.constant 720 : index
          %get3A_1261 = tpu.vector_load %arg15[%get3A_1258, %get3A_1259, %get3A_1260] {strides = array<i32>} : memref<2x32x768xf32, #tpu.memory_space<vmem>>, vector<16xf32>,
          %mul3A_1262 = vector.broadcast %max3A_942 : f32 to vector<16xf32>
          %mul3A_1263 = arith.mulf %get3A_1261, %mul3A_1262 : vector<16xf32>
          %add3A_1264 = arith.addf %scan3A_933, %mul3A_1263 : vector<16xf32>
          %get3A_1265 = arith.index_cast %sub3A_610 : i32 to index
          %get3A_1266 = arith.index_cast %scan3A_887 : i32 to index
          %get3A_1267 = arith.constant 736 : index
          %get3A_1268 = tpu.vector_load %arg15[%get3A_1265, %get3A_1266, %get3A_1267] {strides = array<i32>} : memref<2x32x768xf32, #tpu.memory_space<vmem>>, vector<16xf32>,
          %mul3A_1269 = vector.broadcast %max3A_942 : f32 to vector<16xf32>
          %mul3A_1270 = arith.mulf %get3A_1268, %mul3A_1269 : vector<16xf32>
          %add3A_1271 = arith.addf %scan3A_934, %mul3A_1270 : vector<16xf32>
          %get3A_1272 = arith.index_cast %sub3A_610 : i32 to index
          %get3A_1273 = arith.index_cast %scan3A_887 : i32 to index
          %get3A_1274 = arith.constant 752 : index
          %get3A_1275 = tpu.vector_load %arg15[%get3A_1272, %get3A_1273, %get3A_1274] {strides = array<i32>} : memref<2x32x768xf32, #tpu.memory_space<vmem>>, vector<16xf32>,
          %mul3A_1276 = vector.broadcast %max3A_942 : f32 to vector<16xf32>
          %mul3A_1277 = arith.mulf %get3A_1275, %mul3A_1276 : vector<16xf32>
          %add3A_1278 = arith.addf %scan3A_935, %mul3A_1277 : vector<16xf32>
          scf.yield %add3A_949, %add3A_956, %add3A_963, %add3A_970, %add3A_977, %add3A_984, %add3A_991, %add3A_998, %add3A_1005, %add3A_1012, %add3A_1019, %add3A_1026, %add3A_1033, %add3A_1040, %add3A_1047, %add3A_1054, %add3A_1061, %add3A_1068, %add3A_1075, %add3A_1082, %add3A_1089, %add3A_1096, %add3A_1103, %add3A_1110, %add3A_1117, %add3A_1124, %add3A_1131, %add3A_1138, %add3A_1145, %add3A_1152, %add3A_1159, %add3A_1166, %add3A_1173, %add3A_1180, %add3A_1187, %add3A_1194, %add3A_1201, %add3A_1208, %add3A_1215, %add3A_1222, %add3A_1229, %add3A_1236, %add3A_1243, %add3A_1250, %add3A_1257, %add3A_1264, %add3A_1271, %add3A_1278 : vector<16xf32>, vector<16xf32>, vector<16xf32>, vector<16xf32>, vector<16xf32>, vector<16xf32>, vector<16xf32>, vector<16xf32>, vector<16xf32>, vector<16xf32>, vector<16xf32>, vector<16xf32>, vector<16xf32>, vector<16xf32>, vector<16xf32>, vector<16xf32>, vector<16xf32>, vector<16xf32>, vector<16xf32>, vector<16xf32>, vector<16xf32>, vector<16xf32>, vector<16xf32>, vector<16xf32>, vector<16xf32>, vector<16xf32>, vector<16xf32>, vector<16xf32>, vector<16xf32>, vector<16xf32>, vector<16xf32>, vector<16xf32>, vector<16xf32>, vector<16xf32>, vector<16xf32>, vector<16xf32>, vector<16xf32>, vector<16xf32>, vector<16xf32>, vector<16xf32>, vector<16xf32>, vector<16xf32>, vector<16xf32>, vector<16xf32>, vector<16xf32>, vector<16xf32>, vector<16xf32>, vector<16xf32>
        }
        %scan3A_728 = arith.constant 32 : i32
        %swap3A_729 = arith.index_cast %sub3A_610 : i32 to index
        %swap3A_730 = arith.constant 0 : index
        %swap3A_731 = tpu.vector_load %arg16[%swap3A_729, %swap3A_730] {strides = array<i32>} : memref<2x768xf32, #tpu.memory_space<vmem>>, vector<16xf32>,
        tpu.vector_store %arg16[%swap3A_729, %swap3A_730], %scan3A_727#0 {strides = array<i32>} : memref<2x768xf32, #tpu.memory_space<vmem>>, vector<16xf32>,
        %swap3A_732 = arith.index_cast %sub3A_610 : i32 to index
        %swap3A_733 = arith.constant 16 : index
        %swap3A_734 = tpu.vector_load %arg16[%swap3A_732, %swap3A_733] {strides = array<i32>} : memref<2x768xf32, #tpu.memory_space<vmem>>, vector<16xf32>,
        tpu.vector_store %arg16[%swap3A_732, %swap3A_733], %scan3A_727#1 {strides = array<i32>} : memref<2x768xf32, #tpu.memory_space<vmem>>, vector<16xf32>,
        %swap3A_735 = arith.index_cast %sub3A_610 : i32 to index
        %swap3A_736 = arith.constant 32 : index
        %swap3A_737 = tpu.vector_load %arg16[%swap3A_735, %swap3A_736] {strides = array<i32>} : memref<2x768xf32, #tpu.memory_space<vmem>>, vector<16xf32>,
        tpu.vector_store %arg16[%swap3A_735, %swap3A_736], %scan3A_727#2 {strides = array<i32>} : memref<2x768xf32, #tpu.memory_space<vmem>>, vector<16xf32>,
        %swap3A_738 = arith.index_cast %sub3A_610 : i32 to index
        %swap3A_739 = arith.constant 48 : index
        %swap3A_740 = tpu.vector_load %arg16[%swap3A_738, %swap3A_739] {strides = array<i32>} : memref<2x768xf32, #tpu.memory_space<vmem>>, vector<16xf32>,
        tpu.vector_store %arg16[%swap3A_738, %swap3A_739], %scan3A_727#3 {strides = array<i32>} : memref<2x768xf32, #tpu.memory_space<vmem>>, vector<16xf32>,
        %swap3A_741 = arith.index_cast %sub3A_610 : i32 to index
        %swap3A_742 = arith.constant 64 : index
        %swap3A_743 = tpu.vector_load %arg16[%swap3A_741, %swap3A_742] {strides = array<i32>} : memref<2x768xf32, #tpu.memory_space<vmem>>, vector<16xf32>,
        tpu.vector_store %arg16[%swap3A_741, %swap3A_742], %scan3A_727#4 {strides = array<i32>} : memref<2x768xf32, #tpu.memory_space<vmem>>, vector<16xf32>,
        %swap3A_744 = arith.index_cast %sub3A_610 : i32 to index
        %swap3A_745 = arith.constant 80 : index
        %swap3A_746 = tpu.vector_load %arg16[%swap3A_744, %swap3A_745] {strides = array<i32>} : memref<2x768xf32, #tpu.memory_space<vmem>>, vector<16xf32>,
        tpu.vector_store %arg16[%swap3A_744, %swap3A_745], %scan3A_727#5 {strides = array<i32>} : memref<2x768xf32, #tpu.memory_space<vmem>>, vector<16xf32>,
        %swap3A_747 = arith.index_cast %sub3A_610 : i32 to index
        %swap3A_748 = arith.constant 96 : index
        %swap3A_749 = tpu.vector_load %arg16[%swap3A_747, %swap3A_748] {strides = array<i32>} : memref<2x768xf32, #tpu.memory_space<vmem>>, vector<16xf32>,
        tpu.vector_store %arg16[%swap3A_747, %swap3A_748], %scan3A_727#6 {strides = array<i32>} : memref<2x768xf32, #tpu.memory_space<vmem>>, vector<16xf32>,
        %swap3A_750 = arith.index_cast %sub3A_610 : i32 to index
        %swap3A_751 = arith.constant 112 : index
        %swap3A_752 = tpu.vector_load %arg16[%swap3A_750, %swap3A_751] {strides = array<i32>} : memref<2x768xf32, #tpu.memory_space<vmem>>, vector<16xf32>,
        tpu.vector_store %arg16[%swap3A_750, %swap3A_751], %scan3A_727#7 {strides = array<i32>} : memref<2x768xf32, #tpu.memory_space<vmem>>, vector<16xf32>,
        %swap3A_753 = arith.index_cast %sub3A_610 : i32 to index
        %swap3A_754 = arith.constant 128 : index
        %swap3A_755 = tpu.vector_load %arg16[%swap3A_753, %swap3A_754] {strides = array<i32>} : memref<2x768xf32, #tpu.memory_space<vmem>>, vector<16xf32>,
        tpu.vector_store %arg16[%swap3A_753, %swap3A_754], %scan3A_727#8 {strides = array<i32>} : memref<2x768xf32, #tpu.memory_space<vmem>>, vector<16xf32>,
        %swap3A_756 = arith.index_cast %sub3A_610 : i32 to index
        %swap3A_757 = arith.constant 144 : index
        %swap3A_758 = tpu.vector_load %arg16[%swap3A_756, %swap3A_757] {strides = array<i32>} : memref<2x768xf32, #tpu.memory_space<vmem>>, vector<16xf32>,
        tpu.vector_store %arg16[%swap3A_756, %swap3A_757], %scan3A_727#9 {strides = array<i32>} : memref<2x768xf32, #tpu.memory_space<vmem>>, vector<16xf32>,
        %swap3A_759 = arith.index_cast %sub3A_610 : i32 to index
        %swap3A_760 = arith.constant 160 : index
        %swap3A_761 = tpu.vector_load %arg16[%swap3A_759, %swap3A_760] {strides = array<i32>} : memref<2x768xf32, #tpu.memory_space<vmem>>, vector<16xf32>,
        tpu.vector_store %arg16[%swap3A_759, %swap3A_760], %scan3A_727#10 {strides = array<i32>} : memref<2x768xf32, #tpu.memory_space<vmem>>, vector<16xf32>,
        %swap3A_762 = arith.index_cast %sub3A_610 : i32 to index
        %swap3A_763 = arith.constant 176 : index
        %swap3A_764 = tpu.vector_load %arg16[%swap3A_762, %swap3A_763] {strides = array<i32>} : memref<2x768xf32, #tpu.memory_space<vmem>>, vector<16xf32>,
        tpu.vector_store %arg16[%swap3A_762, %swap3A_763], %scan3A_727#11 {strides = array<i32>} : memref<2x768xf32, #tpu.memory_space<vmem>>, vector<16xf32>,
        %swap3A_765 = arith.index_cast %sub3A_610 : i32 to index
        %swap3A_766 = arith.constant 192 : index
        %swap3A_767 = tpu.vector_load %arg16[%swap3A_765, %swap3A_766] {strides = array<i32>} : memref<2x768xf32, #tpu.memory_space<vmem>>, vector<16xf32>,
        tpu.vector_store %arg16[%swap3A_765, %swap3A_766], %scan3A_727#12 {strides = array<i32>} : memref<2x768xf32, #tpu.memory_space<vmem>>, vector<16xf32>,
        %swap3A_768 = arith.index_cast %sub3A_610 : i32 to index
        %swap3A_769 = arith.constant 208 : index
        %swap3A_770 = tpu.vector_load %arg16[%swap3A_768, %swap3A_769] {strides = array<i32>} : memref<2x768xf32, #tpu.memory_space<vmem>>, vector<16xf32>,
        tpu.vector_store %arg16[%swap3A_768, %swap3A_769], %scan3A_727#13 {strides = array<i32>} : memref<2x768xf32, #tpu.memory_space<vmem>>, vector<16xf32>,
        %swap3A_771 = arith.index_cast %sub3A_610 : i32 to index
        %swap3A_772 = arith.constant 224 : index
        %swap3A_773 = tpu.vector_load %arg16[%swap3A_771, %swap3A_772] {strides = array<i32>} : memref<2x768xf32, #tpu.memory_space<vmem>>, vector<16xf32>,
        tpu.vector_store %arg16[%swap3A_771, %swap3A_772], %scan3A_727#14 {strides = array<i32>} : memref<2x768xf32, #tpu.memory_space<vmem>>, vector<16xf32>,
        %swap3A_774 = arith.index_cast %sub3A_610 : i32 to index
        %swap3A_775 = arith.constant 240 : index
        %swap3A_776 = tpu.vector_load %arg16[%swap3A_774, %swap3A_775] {strides = array<i32>} : memref<2x768xf32, #tpu.memory_space<vmem>>, vector<16xf32>,
        tpu.vector_store %arg16[%swap3A_774, %swap3A_775], %scan3A_727#15 {strides = array<i32>} : memref<2x768xf32, #tpu.memory_space<vmem>>, vector<16xf32>,
        %swap3A_777 = arith.index_cast %sub3A_610 : i32 to index
        %swap3A_778 = arith.constant 256 : index
        %swap3A_779 = tpu.vector_load %arg16[%swap3A_777, %swap3A_778] {strides = array<i32>} : memref<2x768xf32, #tpu.memory_space<vmem>>, vector<16xf32>,
        tpu.vector_store %arg16[%swap3A_777, %swap3A_778], %scan3A_727#16 {strides = array<i32>} : memref<2x768xf32, #tpu.memory_space<vmem>>, vector<16xf32>,
        %swap3A_780 = arith.index_cast %sub3A_610 : i32 to index
        %swap3A_781 = arith.constant 272 : index
        %swap3A_782 = tpu.vector_load %arg16[%swap3A_780, %swap3A_781] {strides = array<i32>} : memref<2x768xf32, #tpu.memory_space<vmem>>, vector<16xf32>,
        tpu.vector_store %arg16[%swap3A_780, %swap3A_781], %scan3A_727#17 {strides = array<i32>} : memref<2x768xf32, #tpu.memory_space<vmem>>, vector<16xf32>,
        %swap3A_783 = arith.index_cast %sub3A_610 : i32 to index
        %swap3A_784 = arith.constant 288 : index
        %swap3A_785 = tpu.vector_load %arg16[%swap3A_783, %swap3A_784] {strides = array<i32>} : memref<2x768xf32, #tpu.memory_space<vmem>>, vector<16xf32>,
        tpu.vector_store %arg16[%swap3A_783, %swap3A_784], %scan3A_727#18 {strides = array<i32>} : memref<2x768xf32, #tpu.memory_space<vmem>>, vector<16xf32>,
        %swap3A_786 = arith.index_cast %sub3A_610 : i32 to index
        %swap3A_787 = arith.constant 304 : index
        %swap3A_788 = tpu.vector_load %arg16[%swap3A_786, %swap3A_787] {strides = array<i32>} : memref<2x768xf32, #tpu.memory_space<vmem>>, vector<16xf32>,
        tpu.vector_store %arg16[%swap3A_786, %swap3A_787], %scan3A_727#19 {strides = array<i32>} : memref<2x768xf32, #tpu.memory_space<vmem>>, vector<16xf32>,
        %swap3A_789 = arith.index_cast %sub3A_610 : i32 to index
        %swap3A_790 = arith.constant 320 : index
        %swap3A_791 = tpu.vector_load %arg16[%swap3A_789, %swap3A_790] {strides = array<i32>} : memref<2x768xf32, #tpu.memory_space<vmem>>, vector<16xf32>,
        tpu.vector_store %arg16[%swap3A_789, %swap3A_790], %scan3A_727#20 {strides = array<i32>} : memref<2x768xf32, #tpu.memory_space<vmem>>, vector<16xf32>,
        %swap3A_792 = arith.index_cast %sub3A_610 : i32 to index
        %swap3A_793 = arith.constant 336 : index
        %swap3A_794 = tpu.vector_load %arg16[%swap3A_792, %swap3A_793] {strides = array<i32>} : memref<2x768xf32, #tpu.memory_space<vmem>>, vector<16xf32>,
        tpu.vector_store %arg16[%swap3A_792, %swap3A_793], %scan3A_727#21 {strides = array<i32>} : memref<2x768xf32, #tpu.memory_space<vmem>>, vector<16xf32>,
        %swap3A_795 = arith.index_cast %sub3A_610 : i32 to index
        %swap3A_796 = arith.constant 352 : index
        %swap3A_797 = tpu.vector_load %arg16[%swap3A_795, %swap3A_796] {strides = array<i32>} : memref<2x768xf32, #tpu.memory_space<vmem>>, vector<16xf32>,
        tpu.vector_store %arg16[%swap3A_795, %swap3A_796], %scan3A_727#22 {strides = array<i32>} : memref<2x768xf32, #tpu.memory_space<vmem>>, vector<16xf32>,
        %swap3A_798 = arith.index_cast %sub3A_610 : i32 to index
        %swap3A_799 = arith.constant 368 : index
        %swap3A_800 = tpu.vector_load %arg16[%swap3A_798, %swap3A_799] {strides = array<i32>} : memref<2x768xf32, #tpu.memory_space<vmem>>, vector<16xf32>,
        tpu.vector_store %arg16[%swap3A_798, %swap3A_799], %scan3A_727#23 {strides = array<i32>} : memref<2x768xf32, #tpu.memory_space<vmem>>, vector<16xf32>,
        %swap3A_801 = arith.index_cast %sub3A_610 : i32 to index
        %swap3A_802 = arith.constant 384 : index
        %swap3A_803 = tpu.vector_load %arg16[%swap3A_801, %swap3A_802] {strides = array<i32>} : memref<2x768xf32, #tpu.memory_space<vmem>>, vector<16xf32>,
        tpu.vector_store %arg16[%swap3A_801, %swap3A_802], %scan3A_727#24 {strides = array<i32>} : memref<2x768xf32, #tpu.memory_space<vmem>>, vector<16xf32>,
        %swap3A_804 = arith.index_cast %sub3A_610 : i32 to index
        %swap3A_805 = arith.constant 400 : index
        %swap3A_806 = tpu.vector_load %arg16[%swap3A_804, %swap3A_805] {strides = array<i32>} : memref<2x768xf32, #tpu.memory_space<vmem>>, vector<16xf32>,
        tpu.vector_store %arg16[%swap3A_804, %swap3A_805], %scan3A_727#25 {strides = array<i32>} : memref<2x768xf32, #tpu.memory_space<vmem>>, vector<16xf32>,
        %swap3A_807 = arith.index_cast %sub3A_610 : i32 to index
        %swap3A_808 = arith.constant 416 : index
        %swap3A_809 = tpu.vector_load %arg16[%swap3A_807, %swap3A_808] {strides = array<i32>} : memref<2x768xf32, #tpu.memory_space<vmem>>, vector<16xf32>,
        tpu.vector_store %arg16[%swap3A_807, %swap3A_808], %scan3A_727#26 {strides = array<i32>} : memref<2x768xf32, #tpu.memory_space<vmem>>, vector<16xf32>,
        %swap3A_810 = arith.index_cast %sub3A_610 : i32 to index
        %swap3A_811 = arith.constant 432 : index
        %swap3A_812 = tpu.vector_load %arg16[%swap3A_810, %swap3A_811] {strides = array<i32>} : memref<2x768xf32, #tpu.memory_space<vmem>>, vector<16xf32>,
        tpu.vector_store %arg16[%swap3A_810, %swap3A_811], %scan3A_727#27 {strides = array<i32>} : memref<2x768xf32, #tpu.memory_space<vmem>>, vector<16xf32>,
        %swap3A_813 = arith.index_cast %sub3A_610 : i32 to index
        %swap3A_814 = arith.constant 448 : index
        %swap3A_815 = tpu.vector_load %arg16[%swap3A_813, %swap3A_814] {strides = array<i32>} : memref<2x768xf32, #tpu.memory_space<vmem>>, vector<16xf32>,
        tpu.vector_store %arg16[%swap3A_813, %swap3A_814], %scan3A_727#28 {strides = array<i32>} : memref<2x768xf32, #tpu.memory_space<vmem>>, vector<16xf32>,
        %swap3A_816 = arith.index_cast %sub3A_610 : i32 to index
        %swap3A_817 = arith.constant 464 : index
        %swap3A_818 = tpu.vector_load %arg16[%swap3A_816, %swap3A_817] {strides = array<i32>} : memref<2x768xf32, #tpu.memory_space<vmem>>, vector<16xf32>,
        tpu.vector_store %arg16[%swap3A_816, %swap3A_817], %scan3A_727#29 {strides = array<i32>} : memref<2x768xf32, #tpu.memory_space<vmem>>, vector<16xf32>,
        %swap3A_819 = arith.index_cast %sub3A_610 : i32 to index
        %swap3A_820 = arith.constant 480 : index
        %swap3A_821 = tpu.vector_load %arg16[%swap3A_819, %swap3A_820] {strides = array<i32>} : memref<2x768xf32, #tpu.memory_space<vmem>>, vector<16xf32>,
        tpu.vector_store %arg16[%swap3A_819, %swap3A_820], %scan3A_727#30 {strides = array<i32>} : memref<2x768xf32, #tpu.memory_space<vmem>>, vector<16xf32>,
        %swap3A_822 = arith.index_cast %sub3A_610 : i32 to index
        %swap3A_823 = arith.constant 496 : index
        %swap3A_824 = tpu.vector_load %arg16[%swap3A_822, %swap3A_823] {strides = array<i32>} : memref<2x768xf32, #tpu.memory_space<vmem>>, vector<16xf32>,
        tpu.vector_store %arg16[%swap3A_822, %swap3A_823], %scan3A_727#31 {strides = array<i32>} : memref<2x768xf32, #tpu.memory_space<vmem>>, vector<16xf32>,
        %swap3A_825 = arith.index_cast %sub3A_610 : i32 to index
        %swap3A_826 = arith.constant 512 : index
        %swap3A_827 = tpu.vector_load %arg16[%swap3A_825, %swap3A_826] {strides = array<i32>} : memref<2x768xf32, #tpu.memory_space<vmem>>, vector<16xf32>,
        tpu.vector_store %arg16[%swap3A_825, %swap3A_826], %scan3A_727#32 {strides = array<i32>} : memref<2x768xf32, #tpu.memory_space<vmem>>, vector<16xf32>,
        %swap3A_828 = arith.index_cast %sub3A_610 : i32 to index
        %swap3A_829 = arith.constant 528 : index
        %swap3A_830 = tpu.vector_load %arg16[%swap3A_828, %swap3A_829] {strides = array<i32>} : memref<2x768xf32, #tpu.memory_space<vmem>>, vector<16xf32>,
        tpu.vector_store %arg16[%swap3A_828, %swap3A_829], %scan3A_727#33 {strides = array<i32>} : memref<2x768xf32, #tpu.memory_space<vmem>>, vector<16xf32>,
        %swap3A_831 = arith.index_cast %sub3A_610 : i32 to index
        %swap3A_832 = arith.constant 544 : index
        %swap3A_833 = tpu.vector_load %arg16[%swap3A_831, %swap3A_832] {strides = array<i32>} : memref<2x768xf32, #tpu.memory_space<vmem>>, vector<16xf32>,
        tpu.vector_store %arg16[%swap3A_831, %swap3A_832], %scan3A_727#34 {strides = array<i32>} : memref<2x768xf32, #tpu.memory_space<vmem>>, vector<16xf32>,
        %swap3A_834 = arith.index_cast %sub3A_610 : i32 to index
        %swap3A_835 = arith.constant 560 : index
        %swap3A_836 = tpu.vector_load %arg16[%swap3A_834, %swap3A_835] {strides = array<i32>} : memref<2x768xf32, #tpu.memory_space<vmem>>, vector<16xf32>,
        tpu.vector_store %arg16[%swap3A_834, %swap3A_835], %scan3A_727#35 {strides = array<i32>} : memref<2x768xf32, #tpu.memory_space<vmem>>, vector<16xf32>,
        %swap3A_837 = arith.index_cast %sub3A_610 : i32 to index
        %swap3A_838 = arith.constant 576 : index
        %swap3A_839 = tpu.vector_load %arg16[%swap3A_837, %swap3A_838] {strides = array<i32>} : memref<2x768xf32, #tpu.memory_space<vmem>>, vector<16xf32>,
        tpu.vector_store %arg16[%swap3A_837, %swap3A_838], %scan3A_727#36 {strides = array<i32>} : memref<2x768xf32, #tpu.memory_space<vmem>>, vector<16xf32>,
        %swap3A_840 = arith.index_cast %sub3A_610 : i32 to index
        %swap3A_841 = arith.constant 592 : index
        %swap3A_842 = tpu.vector_load %arg16[%swap3A_840, %swap3A_841] {strides = array<i32>} : memref<2x768xf32, #tpu.memory_space<vmem>>, vector<16xf32>,
        tpu.vector_store %arg16[%swap3A_840, %swap3A_841], %scan3A_727#37 {strides = array<i32>} : memref<2x768xf32, #tpu.memory_space<vmem>>, vector<16xf32>,
        %swap3A_843 = arith.index_cast %sub3A_610 : i32 to index
        %swap3A_844 = arith.constant 608 : index
        %swap3A_845 = tpu.vector_load %arg16[%swap3A_843, %swap3A_844] {strides = array<i32>} : memref<2x768xf32, #tpu.memory_space<vmem>>, vector<16xf32>,
        tpu.vector_store %arg16[%swap3A_843, %swap3A_844], %scan3A_727#38 {strides = array<i32>} : memref<2x768xf32, #tpu.memory_space<vmem>>, vector<16xf32>,
        %swap3A_846 = arith.index_cast %sub3A_610 : i32 to index
        %swap3A_847 = arith.constant 624 : index
        %swap3A_848 = tpu.vector_load %arg16[%swap3A_846, %swap3A_847] {strides = array<i32>} : memref<2x768xf32, #tpu.memory_space<vmem>>, vector<16xf32>,
        tpu.vector_store %arg16[%swap3A_846, %swap3A_847], %scan3A_727#39 {strides = array<i32>} : memref<2x768xf32, #tpu.memory_space<vmem>>, vector<16xf32>,
        %swap3A_849 = arith.index_cast %sub3A_610 : i32 to index
        %swap3A_850 = arith.constant 640 : index
        %swap3A_851 = tpu.vector_load %arg16[%swap3A_849, %swap3A_850] {strides = array<i32>} : memref<2x768xf32, #tpu.memory_space<vmem>>, vector<16xf32>,
        tpu.vector_store %arg16[%swap3A_849, %swap3A_850], %scan3A_727#40 {strides = array<i32>} : memref<2x768xf32, #tpu.memory_space<vmem>>, vector<16xf32>,
        %swap3A_852 = arith.index_cast %sub3A_610 : i32 to index
        %swap3A_853 = arith.constant 656 : index
        %swap3A_854 = tpu.vector_load %arg16[%swap3A_852, %swap3A_853] {strides = array<i32>} : memref<2x768xf32, #tpu.memory_space<vmem>>, vector<16xf32>,
        tpu.vector_store %arg16[%swap3A_852, %swap3A_853], %scan3A_727#41 {strides = array<i32>} : memref<2x768xf32, #tpu.memory_space<vmem>>, vector<16xf32>,
        %swap3A_855 = arith.index_cast %sub3A_610 : i32 to index
        %swap3A_856 = arith.constant 672 : index
        %swap3A_857 = tpu.vector_load %arg16[%swap3A_855, %swap3A_856] {strides = array<i32>} : memref<2x768xf32, #tpu.memory_space<vmem>>, vector<16xf32>,
        tpu.vector_store %arg16[%swap3A_855, %swap3A_856], %scan3A_727#42 {strides = array<i32>} : memref<2x768xf32, #tpu.memory_space<vmem>>, vector<16xf32>,
        %swap3A_858 = arith.index_cast %sub3A_610 : i32 to index
        %swap3A_859 = arith.constant 688 : index
        %swap3A_860 = tpu.vector_load %arg16[%swap3A_858, %swap3A_859] {strides = array<i32>} : memref<2x768xf32, #tpu.memory_space<vmem>>, vector<16xf32>,
        tpu.vector_store %arg16[%swap3A_858, %swap3A_859], %scan3A_727#43 {strides = array<i32>} : memref<2x768xf32, #tpu.memory_space<vmem>>, vector<16xf32>,
        %swap3A_861 = arith.index_cast %sub3A_610 : i32 to index
        %swap3A_862 = arith.constant 704 : index
        %swap3A_863 = tpu.vector_load %arg16[%swap3A_861, %swap3A_862] {strides = array<i32>} : memref<2x768xf32, #tpu.memory_space<vmem>>, vector<16xf32>,
        tpu.vector_store %arg16[%swap3A_861, %swap3A_862], %scan3A_727#44 {strides = array<i32>} : memref<2x768xf32, #tpu.memory_space<vmem>>, vector<16xf32>,
        %swap3A_864 = arith.index_cast %sub3A_610 : i32 to index
        %swap3A_865 = arith.constant 720 : index
        %swap3A_866 = tpu.vector_load %arg16[%swap3A_864, %swap3A_865] {strides = array<i32>} : memref<2x768xf32, #tpu.memory_space<vmem>>, vector<16xf32>,
        tpu.vector_store %arg16[%swap3A_864, %swap3A_865], %scan3A_727#45 {strides = array<i32>} : memref<2x768xf32, #tpu.memory_space<vmem>>, vector<16xf32>,
        %swap3A_867 = arith.index_cast %sub3A_610 : i32 to index
        %swap3A_868 = arith.constant 736 : index
        %swap3A_869 = tpu.vector_load %arg16[%swap3A_867, %swap3A_868] {strides = array<i32>} : memref<2x768xf32, #tpu.memory_space<vmem>>, vector<16xf32>,
        tpu.vector_store %arg16[%swap3A_867, %swap3A_868], %scan3A_727#46 {strides = array<i32>} : memref<2x768xf32, #tpu.memory_space<vmem>>, vector<16xf32>,
        %swap3A_870 = arith.index_cast %sub3A_610 : i32 to index
        %swap3A_871 = arith.constant 752 : index
        %swap3A_872 = tpu.vector_load %arg16[%swap3A_870, %swap3A_871] {strides = array<i32>} : memref<2x768xf32, #tpu.memory_space<vmem>>, vector<16xf32>,
        tpu.vector_store %arg16[%swap3A_870, %swap3A_871], %scan3A_727#47 {strides = array<i32>} : memref<2x768xf32, #tpu.memory_space<vmem>>, vector<16xf32>,
        %dma_start3A_873 = arith.constant 0 : i32
        %dma_start3A_874 = tpu.memref_slice %arg16[%sub3A_610, %dma_start3A_873] : memref<2x768xf32, #tpu.memory_space<vmem>> -> memref<1x768xf32, #tpu.memory_space<vmem>>
        %dma_start3A_875 = tpu.memref_squeeze %dma_start3A_874 : memref<1x768xf32, #tpu.memory_space<vmem>> -> memref<768xf32, #tpu.memory_space<vmem>>
        %dma_start3A_876 = arith.constant 0 : i32
        %dma_start3A_877 = tpu.memref_slice %arg8[%sub3A_612, %dma_start3A_876] : memref<2048x768xf32, #tpu.memory_space<hbm>> -> memref<1x768xf32, #tpu.memory_space<hbm>>
        %dma_start3A_878 = tpu.memref_squeeze %dma_start3A_877 : memref<1x768xf32, #tpu.memory_space<hbm>> -> memref<768xf32, #tpu.memory_space<hbm>>
        %dma_start3A_879 = tpu.memref_slice %arg23[%sub3A_610] : memref<2x!tpu.dma_semaphore, #tpu.memory_space<semaphore_mem>> -> memref<1x!tpu.dma_semaphore, #tpu.memory_space<semaphore_mem>>
        %dma_start3A_880 = tpu.memref_squeeze %dma_start3A_879 : memref<1x!tpu.dma_semaphore, #tpu.memory_space<semaphore_mem>> -> memref<!tpu.dma_semaphore, #tpu.memory_space<semaphore_mem>>
        %dma_start3A_881 = arith.constant 0 : i32
        %dma_start3A_882 = tpu.memref_slice %arg8[%sub3A_612, %dma_start3A_881] : memref<2048x768xf32, #tpu.memory_space<hbm>> -> memref<1x768xf32, #tpu.memory_space<hbm>>
        %dma_start3A_883 = tpu.memref_squeeze %dma_start3A_882 : memref<1x768xf32, #tpu.memory_space<hbm>> -> memref<768xf32, #tpu.memory_space<hbm>>
        %dma_start3A_884 = arith.constant 0 : i32
        %dma_start3A_885 = tpu.memref_slice %arg16[%sub3A_610, %dma_start3A_884] : memref<2x768xf32, #tpu.memory_space<vmem>> -> memref<1x768xf32, #tpu.memory_space<vmem>>
        %dma_start3A_886 = tpu.memref_squeeze %dma_start3A_885 : memref<1x768xf32, #tpu.memory_space<vmem>> -> memref<768xf32, #tpu.memory_space<vmem>>
        tpu.enqueue_dma source(%dma_start3A_886 : memref<768xf32, #tpu.memory_space<vmem>>) target(%dma_start3A_883 : memref<768xf32, #tpu.memory_space<hbm>>) target_semaphore(%dma_start3A_880 : memref<!tpu.dma_semaphore, #tpu.memory_space<semaphore_mem>>)
      } else {
      }
    }
    %scan3A_45 = arith.constant 64 : i32
    %add3A_46 = arith.constant 64 : i32
    %add3A_47 = arith.addi %mul3A_2, %add3A_46 : i32
    %sub3A = arith.constant 1 : i32
    %sub3A_48 = arith.subi %add3A_47, %sub3A : i32
    %dma_wait3A = arith.constant 1 : i32
    %dma_wait3A_49 = arith.constant 1 : i32
    %dma_wait3A_50 = arith.constant 1 : i32
    %dma_wait3A_51 = arith.constant 0 : i32
    %dma_wait3A_52 = arith.constant 0 : i32
    %dma_wait3A_53 = tpu.memref_slice %arg15[%dma_wait3A_49, %dma_wait3A_51, %dma_wait3A_52] : memref<2x32x768xf32, #tpu.memory_space<vmem>> -> memref<1x32x768xf32, #tpu.memory_space<vmem>>
    %dma_wait3A_54 = tpu.memref_squeeze %dma_wait3A_53 : memref<1x32x768xf32, #tpu.memory_space<vmem>> -> memref<32x768xf32, #tpu.memory_space<vmem>>
    %dma_wait3A_55 = arith.constant 0 : i32
    %dma_wait3A_56 = tpu.memref_slice %arg17[%dma_wait3A, %dma_wait3A_55] : memref<2x32xi32, #tpu.memory_space<vmem>> -> memref<1x32xi32, #tpu.memory_space<vmem>>
    %dma_wait3A_57 = tpu.memref_squeeze %dma_wait3A_56 : memref<1x32xi32, #tpu.memory_space<vmem>> -> memref<32xi32, #tpu.memory_space<vmem>>
    %dma_wait3A_58 = arith.constant 0 : i32
    %dma_wait3A_59 = arith.constant 0 : i32
    %dma_wait3A_60 = tpu.memref_slice %arg5[%dma_wait3A_58, %dma_wait3A_59] : memref<24576x768xf32, #tpu.memory_space<hbm>> -> memref<24576x768xf32, #tpu.memory_space<hbm>>
    %dma_wait3A_61 = tpu.memref_slice %arg24[%dma_wait3A_50] : memref<2x!tpu.dma_semaphore, #tpu.memory_space<semaphore_mem>> -> memref<1x!tpu.dma_semaphore, #tpu.memory_space<semaphore_mem>>
    %dma_wait3A_62 = tpu.memref_squeeze %dma_wait3A_61 : memref<1x!tpu.dma_semaphore, #tpu.memory_space<semaphore_mem>> -> memref<!tpu.dma_semaphore, #tpu.memory_space<semaphore_mem>>
    tpu.wait_indirect_dma semaphore(%dma_wait3A_62 : memref<!tpu.dma_semaphore, #tpu.memory_space<semaphore_mem>>) src(%dma_wait3A_60 : memref<24576x768xf32, #tpu.memory_space<hbm>>) dst(%dma_wait3A_54 : memref<32x768xf32, #tpu.memory_space<vmem>>)
    %get3A = arith.constant 0 : index
    %get3A_63 = tpu.vector_load %arg20[%get3A] {strides = array<i32>} : memref<768xf32, #tpu.memory_space<vmem>>, vector<16xf32>,
    %get3A_64 = arith.constant 16 : index
    %get3A_65 = tpu.vector_load %arg20[%get3A_64] {strides = array<i32>} : memref<768xf32, #tpu.memory_space<vmem>>, vector<16xf32>,
    %get3A_66 = arith.constant 32 : index
    %get3A_67 = tpu.vector_load %arg20[%get3A_66] {strides = array<i32>} : memref<768xf32, #tpu.memory_space<vmem>>, vector<16xf32>,
    %get3A_68 = arith.constant 48 : index
    %get3A_69 = tpu.vector_load %arg20[%get3A_68] {strides = array<i32>} : memref<768xf32, #tpu.memory_space<vmem>>, vector<16xf32>,
    %get3A_70 = arith.constant 64 : index
    %get3A_71 = tpu.vector_load %arg20[%get3A_70] {strides = array<i32>} : memref<768xf32, #tpu.memory_space<vmem>>, vector<16xf32>,
    %get3A_72 = arith.constant 80 : index
    %get3A_73 = tpu.vector_load %arg20[%get3A_72] {strides = array<i32>} : memref<768xf32, #tpu.memory_space<vmem>>, vector<16xf32>,
    %get3A_74 = arith.constant 96 : index
    %get3A_75 = tpu.vector_load %arg20[%get3A_74] {strides = array<i32>} : memref<768xf32, #tpu.memory_space<vmem>>, vector<16xf32>,
    %get3A_76 = arith.constant 112 : index
    %get3A_77 = tpu.vector_load %arg20[%get3A_76] {strides = array<i32>} : memref<768xf32, #tpu.memory_space<vmem>>, vector<16xf32>,
    %get3A_78 = arith.constant 128 : index
    %get3A_79 = tpu.vector_load %arg20[%get3A_78] {strides = array<i32>} : memref<768xf32, #tpu.memory_space<vmem>>, vector<16xf32>,
    %get3A_80 = arith.constant 144 : index
    %get3A_81 = tpu.vector_load %arg20[%get3A_80] {strides = array<i32>} : memref<768xf32, #tpu.memory_space<vmem>>, vector<16xf32>,
    %get3A_82 = arith.constant 160 : index
    %get3A_83 = tpu.vector_load %arg20[%get3A_82] {strides = array<i32>} : memref<768xf32, #tpu.memory_space<vmem>>, vector<16xf32>,
    %get3A_84 = arith.constant 176 : index
    %get3A_85 = tpu.vector_load %arg20[%get3A_84] {strides = array<i32>} : memref<768xf32, #tpu.memory_space<vmem>>, vector<16xf32>,
    %get3A_86 = arith.constant 192 : index
    %get3A_87 = tpu.vector_load %arg20[%get3A_86] {strides = array<i32>} : memref<768xf32, #tpu.memory_space<vmem>>, vector<16xf32>,
    %get3A_88 = arith.constant 208 : index
    %get3A_89 = tpu.vector_load %arg20[%get3A_88] {strides = array<i32>} : memref<768xf32, #tpu.memory_space<vmem>>, vector<16xf32>,
    %get3A_90 = arith.constant 224 : index
    %get3A_91 = tpu.vector_load %arg20[%get3A_90] {strides = array<i32>} : memref<768xf32, #tpu.memory_space<vmem>>, vector<16xf32>,
    %get3A_92 = arith.constant 240 : index
    %get3A_93 = tpu.vector_load %arg20[%get3A_92] {strides = array<i32>} : memref<768xf32, #tpu.memory_space<vmem>>, vector<16xf32>,
    %get3A_94 = arith.constant 256 : index
    %get3A_95 = tpu.vector_load %arg20[%get3A_94] {strides = array<i32>} : memref<768xf32, #tpu.memory_space<vmem>>, vector<16xf32>,
    %get3A_96 = arith.constant 272 : index
    %get3A_97 = tpu.vector_load %arg20[%get3A_96] {strides = array<i32>} : memref<768xf32, #tpu.memory_space<vmem>>, vector<16xf32>,
    %get3A_98 = arith.constant 288 : index
    %get3A_99 = tpu.vector_load %arg20[%get3A_98] {strides = array<i32>} : memref<768xf32, #tpu.memory_space<vmem>>, vector<16xf32>,
    %get3A_100 = arith.constant 304 : index
    %get3A_101 = tpu.vector_load %arg20[%get3A_100] {strides = array<i32>} : memref<768xf32, #tpu.memory_space<vmem>>, vector<16xf32>,
    %get3A_102 = arith.constant 320 : index
    %get3A_103 = tpu.vector_load %arg20[%get3A_102] {strides = array<i32>} : memref<768xf32, #tpu.memory_space<vmem>>, vector<16xf32>,
    %get3A_104 = arith.constant 336 : index
    %get3A_105 = tpu.vector_load %arg20[%get3A_104] {strides = array<i32>} : memref<768xf32, #tpu.memory_space<vmem>>, vector<16xf32>,
    %get3A_106 = arith.constant 352 : index
    %get3A_107 = tpu.vector_load %arg20[%get3A_106] {strides = array<i32>} : memref<768xf32, #tpu.memory_space<vmem>>, vector<16xf32>,
    %get3A_108 = arith.constant 368 : index
    %get3A_109 = tpu.vector_load %arg20[%get3A_108] {strides = array<i32>} : memref<768xf32, #tpu.memory_space<vmem>>, vector<16xf32>,
    %get3A_110 = arith.constant 384 : index
    %get3A_111 = tpu.vector_load %arg20[%get3A_110] {strides = array<i32>} : memref<768xf32, #tpu.memory_space<vmem>>, vector<16xf32>,
    %get3A_112 = arith.constant 400 : index
    %get3A_113 = tpu.vector_load %arg20[%get3A_112] {strides = array<i32>} : memref<768xf32, #tpu.memory_space<vmem>>, vector<16xf32>,
    %get3A_114 = arith.constant 416 : index
    %get3A_115 = tpu.vector_load %arg20[%get3A_114] {strides = array<i32>} : memref<768xf32, #tpu.memory_space<vmem>>, vector<16xf32>,
    %get3A_116 = arith.constant 432 : index
    %get3A_117 = tpu.vector_load %arg20[%get3A_116] {strides = array<i32>} : memref<768xf32, #tpu.memory_space<vmem>>, vector<16xf32>,
    %get3A_118 = arith.constant 448 : index
    %get3A_119 = tpu.vector_load %arg20[%get3A_118] {strides = array<i32>} : memref<768xf32, #tpu.memory_space<vmem>>, vector<16xf32>,
    %get3A_120 = arith.constant 464 : index
    %get3A_121 = tpu.vector_load %arg20[%get3A_120] {strides = array<i32>} : memref<768xf32, #tpu.memory_space<vmem>>, vector<16xf32>,
    %get3A_122 = arith.constant 480 : index
    %get3A_123 = tpu.vector_load %arg20[%get3A_122] {strides = array<i32>} : memref<768xf32, #tpu.memory_space<vmem>>, vector<16xf32>,
    %get3A_124 = arith.constant 496 : index
    %get3A_125 = tpu.vector_load %arg20[%get3A_124] {strides = array<i32>} : memref<768xf32, #tpu.memory_space<vmem>>, vector<16xf32>,
    %get3A_126 = arith.constant 512 : index
    %get3A_127 = tpu.vector_load %arg20[%get3A_126] {strides = array<i32>} : memref<768xf32, #tpu.memory_space<vmem>>, vector<16xf32>,
    %get3A_128 = arith.constant 528 : index
    %get3A_129 = tpu.vector_load %arg20[%get3A_128] {strides = array<i32>} : memref<768xf32, #tpu.memory_space<vmem>>, vector<16xf32>,
    %get3A_130 = arith.constant 544 : index
    %get3A_131 = tpu.vector_load %arg20[%get3A_130] {strides = array<i32>} : memref<768xf32, #tpu.memory_space<vmem>>, vector<16xf32>,
    %get3A_132 = arith.constant 560 : index
    %get3A_133 = tpu.vector_load %arg20[%get3A_132] {strides = array<i32>} : memref<768xf32, #tpu.memory_space<vmem>>, vector<16xf32>,
    %get3A_134 = arith.constant 576 : index
    %get3A_135 = tpu.vector_load %arg20[%get3A_134] {strides = array<i32>} : memref<768xf32, #tpu.memory_space<vmem>>, vector<16xf32>,
    %get3A_136 = arith.constant 592 : index
    %get3A_137 = tpu.vector_load %arg20[%get3A_136] {strides = array<i32>} : memref<768xf32, #tpu.memory_space<vmem>>, vector<16xf32>,
    %get3A_138 = arith.constant 608 : index
    %get3A_139 = tpu.vector_load %arg20[%get3A_138] {strides = array<i32>} : memref<768xf32, #tpu.memory_space<vmem>>, vector<16xf32>,
    %get3A_140 = arith.constant 624 : index
    %get3A_141 = tpu.vector_load %arg20[%get3A_140] {strides = array<i32>} : memref<768xf32, #tpu.memory_space<vmem>>, vector<16xf32>,
    %get3A_142 = arith.constant 640 : index
    %get3A_143 = tpu.vector_load %arg20[%get3A_142] {strides = array<i32>} : memref<768xf32, #tpu.memory_space<vmem>>, vector<16xf32>,
    %get3A_144 = arith.constant 656 : index
    %get3A_145 = tpu.vector_load %arg20[%get3A_144] {strides = array<i32>} : memref<768xf32, #tpu.memory_space<vmem>>, vector<16xf32>,
    %get3A_146 = arith.constant 672 : index
    %get3A_147 = tpu.vector_load %arg20[%get3A_146] {strides = array<i32>} : memref<768xf32, #tpu.memory_space<vmem>>, vector<16xf32>,
    %get3A_148 = arith.constant 688 : index
    %get3A_149 = tpu.vector_load %arg20[%get3A_148] {strides = array<i32>} : memref<768xf32, #tpu.memory_space<vmem>>, vector<16xf32>,
    %get3A_150 = arith.constant 704 : index
    %get3A_151 = tpu.vector_load %arg20[%get3A_150] {strides = array<i32>} : memref<768xf32, #tpu.memory_space<vmem>>, vector<16xf32>,
    %get3A_152 = arith.constant 720 : index
    %get3A_153 = tpu.vector_load %arg20[%get3A_152] {strides = array<i32>} : memref<768xf32, #tpu.memory_space<vmem>>, vector<16xf32>,
    %get3A_154 = arith.constant 736 : index
    %get3A_155 = tpu.vector_load %arg20[%get3A_154] {strides = array<i32>} : memref<768xf32, #tpu.memory_space<vmem>>, vector<16xf32>,
    %get3A_156 = arith.constant 752 : index
    %get3A_157 = tpu.vector_load %arg20[%get3A_156] {strides = array<i32>} : memref<768xf32, #tpu.memory_space<vmem>>, vector<16xf32>,
    %scan3A_158 = arith.constant 0 : i32
    %scan3A_159 = arith.constant 32 : i32
    %scan3A_160 = arith.addi %scan3A_158, %scan3A_159 : i32
    %scan3A_161 = arith.constant 1 : i32
    %scan3A_162:48 = scf.for %scan3A_453 = %scan3A_158 to %scan3A_160 step %scan3A_161 iter_args(%scan3A_454 = %get3A_63, %scan3A_455 = %get3A_65, %scan3A_456 = %get3A_67, %scan3A_457 = %get3A_69, %scan3A_458 = %get3A_71, %scan3A_459 = %get3A_73, %scan3A_460 = %get3A_75, %scan3A_461 = %get3A_77, %scan3A_462 = %get3A_79, %scan3A_463 = %get3A_81, %scan3A_464 = %get3A_83, %scan3A_465 = %get3A_85, %scan3A_466 = %get3A_87, %scan3A_467 = %get3A_89, %scan3A_468 = %get3A_91, %scan3A_469 = %get3A_93, %scan3A_470 = %get3A_95, %scan3A_471 = %get3A_97, %scan3A_472 = %get3A_99, %scan3A_473 = %get3A_101, %scan3A_474 = %get3A_103, %scan3A_475 = %get3A_105, %scan3A_476 = %get3A_107, %scan3A_477 = %get3A_109, %scan3A_478 = %get3A_111, %scan3A_479 = %get3A_113, %scan3A_480 = %get3A_115, %scan3A_481 = %get3A_117, %scan3A_482 = %get3A_119, %scan3A_483 = %get3A_121, %scan3A_484 = %get3A_123, %scan3A_485 = %get3A_125, %scan3A_486 = %get3A_127, %scan3A_487 = %get3A_129, %scan3A_488 = %get3A_131, %scan3A_489 = %get3A_133, %scan3A_490 = %get3A_135, %scan3A_491 = %get3A_137, %scan3A_492 = %get3A_139, %scan3A_493 = %get3A_141, %scan3A_494 = %get3A_143, %scan3A_495 = %get3A_145, %scan3A_496 = %get3A_147, %scan3A_497 = %get3A_149, %scan3A_498 = %get3A_151, %scan3A_499 = %get3A_153, %scan3A_500 = %get3A_155, %scan3A_501 = %get3A_157) -> (vector<16xf32>, vector<16xf32>, vector<16xf32>, vector<16xf32>, vector<16xf32>, vector<16xf32>, vector<16xf32>, vector<16xf32>, vector<16xf32>, vector<16xf32>, vector<16xf32>, vector<16xf32>, vector<16xf32>, vector<16xf32>, vector<16xf32>, vector<16xf32>, vector<16xf32>, vector<16xf32>, vector<16xf32>, vector<16xf32>, vector<16xf32>, vector<16xf32>, vector<16xf32>, vector<16xf32>, vector<16xf32>, vector<16xf32>, vector<16xf32>, vector<16xf32>, vector<16xf32>, vector<16xf32>, vector<16xf32>, vector<16xf32>, vector<16xf32>, vector<16xf32>, vector<16xf32>, vector<16xf32>, vector<16xf32>, vector<16xf32>, vector<16xf32>, vector<16xf32>, vector<16xf32>, vector<16xf32>, vector<16xf32>, vector<16xf32>, vector<16xf32>, vector<16xf32>, vector<16xf32>, vector<16xf32>)  : i32 {
      %add3A_502 = arith.constant 48 : i32
      %add3A_503 = arith.addi %add3A_502, %scan3A_453 : i32
      %get3A_504 = arith.index_cast %add3A_503 : i32 to index
      %get3A_505 = tpu.vector_load %arg19[%get3A_504] {strides = array<i32>} : memref<96xf32, #tpu.memory_space<vmem>>, vector<16xf32>,
      %slice3A = vector.extract_strided_slice %get3A_505 {offsets = [0], sizes = [1], strides = [1]} : vector<16xf32> to vector<1xf32>
      %squeeze3A = vector.extract %slice3A[0] : f32 from vector<1xf32>
      %max3A = arith.constant 0.000000e+00 : f32
      %max3A_506 = arith.maximumf %squeeze3A, %max3A : f32
      %get3A_507 = arith.constant 1 : i32
      %get3A_508 = arith.index_cast %get3A_507 : i32 to index
      %get3A_509 = arith.index_cast %scan3A_453 : i32 to index
      %get3A_510 = arith.constant 0 : index
      %get3A_511 = tpu.vector_load %arg15[%get3A_508, %get3A_509, %get3A_510] {strides = array<i32>} : memref<2x32x768xf32, #tpu.memory_space<vmem>>, vector<16xf32>,
      %mul3A_512 = vector.broadcast %max3A_506 : f32 to vector<16xf32>
      %mul3A_513 = arith.mulf %get3A_511, %mul3A_512 : vector<16xf32>
      %add3A_514 = arith.addf %scan3A_454, %mul3A_513 : vector<16xf32>
      %get3A_515 = arith.constant 1 : i32
      %get3A_516 = arith.index_cast %get3A_515 : i32 to index
      %get3A_517 = arith.index_cast %scan3A_453 : i32 to index
      %get3A_518 = arith.constant 16 : index
      %get3A_519 = tpu.vector_load %arg15[%get3A_516, %get3A_517, %get3A_518] {strides = array<i32>} : memref<2x32x768xf32, #tpu.memory_space<vmem>>, vector<16xf32>,
      %mul3A_520 = vector.broadcast %max3A_506 : f32 to vector<16xf32>
      %mul3A_521 = arith.mulf %get3A_519, %mul3A_520 : vector<16xf32>
      %add3A_522 = arith.addf %scan3A_455, %mul3A_521 : vector<16xf32>
      %get3A_523 = arith.constant 1 : i32
      %get3A_524 = arith.index_cast %get3A_523 : i32 to index
      %get3A_525 = arith.index_cast %scan3A_453 : i32 to index
      %get3A_526 = arith.constant 32 : index
      %get3A_527 = tpu.vector_load %arg15[%get3A_524, %get3A_525, %get3A_526] {strides = array<i32>} : memref<2x32x768xf32, #tpu.memory_space<vmem>>, vector<16xf32>,
      %mul3A_528 = vector.broadcast %max3A_506 : f32 to vector<16xf32>
      %mul3A_529 = arith.mulf %get3A_527, %mul3A_528 : vector<16xf32>
      %add3A_530 = arith.addf %scan3A_456, %mul3A_529 : vector<16xf32>
      %get3A_531 = arith.constant 1 : i32
      %get3A_532 = arith.index_cast %get3A_531 : i32 to index
      %get3A_533 = arith.index_cast %scan3A_453 : i32 to index
      %get3A_534 = arith.constant 48 : index
      %get3A_535 = tpu.vector_load %arg15[%get3A_532, %get3A_533, %get3A_534] {strides = array<i32>} : memref<2x32x768xf32, #tpu.memory_space<vmem>>, vector<16xf32>,
      %mul3A_536 = vector.broadcast %max3A_506 : f32 to vector<16xf32>
      %mul3A_537 = arith.mulf %get3A_535, %mul3A_536 : vector<16xf32>
      %add3A_538 = arith.addf %scan3A_457, %mul3A_537 : vector<16xf32>
      %get3A_539 = arith.constant 1 : i32
      %get3A_540 = arith.index_cast %get3A_539 : i32 to index
      %get3A_541 = arith.index_cast %scan3A_453 : i32 to index
      %get3A_542 = arith.constant 64 : index
      %get3A_543 = tpu.vector_load %arg15[%get3A_540, %get3A_541, %get3A_542] {strides = array<i32>} : memref<2x32x768xf32, #tpu.memory_space<vmem>>, vector<16xf32>,
      %mul3A_544 = vector.broadcast %max3A_506 : f32 to vector<16xf32>
      %mul3A_545 = arith.mulf %get3A_543, %mul3A_544 : vector<16xf32>
      %add3A_546 = arith.addf %scan3A_458, %mul3A_545 : vector<16xf32>
      %get3A_547 = arith.constant 1 : i32
      %get3A_548 = arith.index_cast %get3A_547 : i32 to index
      %get3A_549 = arith.index_cast %scan3A_453 : i32 to index
      %get3A_550 = arith.constant 80 : index
      %get3A_551 = tpu.vector_load %arg15[%get3A_548, %get3A_549, %get3A_550] {strides = array<i32>} : memref<2x32x768xf32, #tpu.memory_space<vmem>>, vector<16xf32>,
      %mul3A_552 = vector.broadcast %max3A_506 : f32 to vector<16xf32>
      %mul3A_553 = arith.mulf %get3A_551, %mul3A_552 : vector<16xf32>
      %add3A_554 = arith.addf %scan3A_459, %mul3A_553 : vector<16xf32>
      %get3A_555 = arith.constant 1 : i32
      %get3A_556 = arith.index_cast %get3A_555 : i32 to index
      %get3A_557 = arith.index_cast %scan3A_453 : i32 to index
      %get3A_558 = arith.constant 96 : index
      %get3A_559 = tpu.vector_load %arg15[%get3A_556, %get3A_557, %get3A_558] {strides = array<i32>} : memref<2x32x768xf32, #tpu.memory_space<vmem>>, vector<16xf32>,
      %mul3A_560 = vector.broadcast %max3A_506 : f32 to vector<16xf32>
      %mul3A_561 = arith.mulf %get3A_559, %mul3A_560 : vector<16xf32>
      %add3A_562 = arith.addf %scan3A_460, %mul3A_561 : vector<16xf32>
      %get3A_563 = arith.constant 1 : i32
      %get3A_564 = arith.index_cast %get3A_563 : i32 to index
      %get3A_565 = arith.index_cast %scan3A_453 : i32 to index
      %get3A_566 = arith.constant 112 : index
      %get3A_567 = tpu.vector_load %arg15[%get3A_564, %get3A_565, %get3A_566] {strides = array<i32>} : memref<2x32x768xf32, #tpu.memory_space<vmem>>, vector<16xf32>,
      %mul3A_568 = vector.broadcast %max3A_506 : f32 to vector<16xf32>
      %mul3A_569 = arith.mulf %get3A_567, %mul3A_568 : vector<16xf32>
      %add3A_570 = arith.addf %scan3A_461, %mul3A_569 : vector<16xf32>
      %get3A_571 = arith.constant 1 : i32
      %get3A_572 = arith.index_cast %get3A_571 : i32 to index
      %get3A_573 = arith.index_cast %scan3A_453 : i32 to index
      %get3A_574 = arith.constant 128 : index
      %get3A_575 = tpu.vector_load %arg15[%get3A_572, %get3A_573, %get3A_574] {strides = array<i32>} : memref<2x32x768xf32, #tpu.memory_space<vmem>>, vector<16xf32>,
      %mul3A_576 = vector.broadcast %max3A_506 : f32 to vector<16xf32>
      %mul3A_577 = arith.mulf %get3A_575, %mul3A_576 : vector<16xf32>
      %add3A_578 = arith.addf %scan3A_462, %mul3A_577 : vector<16xf32>
      %get3A_579 = arith.constant 1 : i32
      %get3A_580 = arith.index_cast %get3A_579 : i32 to index
      %get3A_581 = arith.index_cast %scan3A_453 : i32 to index
      %get3A_582 = arith.constant 144 : index
      %get3A_583 = tpu.vector_load %arg15[%get3A_580, %get3A_581, %get3A_582] {strides = array<i32>} : memref<2x32x768xf32, #tpu.memory_space<vmem>>, vector<16xf32>,
      %mul3A_584 = vector.broadcast %max3A_506 : f32 to vector<16xf32>
      %mul3A_585 = arith.mulf %get3A_583, %mul3A_584 : vector<16xf32>
      %add3A_586 = arith.addf %scan3A_463, %mul3A_585 : vector<16xf32>
      %get3A_587 = arith.constant 1 : i32
      %get3A_588 = arith.index_cast %get3A_587 : i32 to index
      %get3A_589 = arith.index_cast %scan3A_453 : i32 to index
      %get3A_590 = arith.constant 160 : index
      %get3A_591 = tpu.vector_load %arg15[%get3A_588, %get3A_589, %get3A_590] {strides = array<i32>} : memref<2x32x768xf32, #tpu.memory_space<vmem>>, vector<16xf32>,
      %mul3A_592 = vector.broadcast %max3A_506 : f32 to vector<16xf32>
      %mul3A_593 = arith.mulf %get3A_591, %mul3A_592 : vector<16xf32>
      %add3A_594 = arith.addf %scan3A_464, %mul3A_593 : vector<16xf32>
      %get3A_595 = arith.constant 1 : i32
      %get3A_596 = arith.index_cast %get3A_595 : i32 to index
      %get3A_597 = arith.index_cast %scan3A_453 : i32 to index
      %get3A_598 = arith.constant 176 : index
      %get3A_599 = tpu.vector_load %arg15[%get3A_596, %get3A_597, %get3A_598] {strides = array<i32>} : memref<2x32x768xf32, #tpu.memory_space<vmem>>, vector<16xf32>,
      %mul3A_600 = vector.broadcast %max3A_506 : f32 to vector<16xf32>
      %mul3A_601 = arith.mulf %get3A_599, %mul3A_600 : vector<16xf32>
      %add3A_602 = arith.addf %scan3A_465, %mul3A_601 : vector<16xf32>
      %get3A_603 = arith.constant 1 : i32
      %get3A_604 = arith.index_cast %get3A_603 : i32 to index
      %get3A_605 = arith.index_cast %scan3A_453 : i32 to index
      %get3A_606 = arith.constant 192 : index
      %get3A_607 = tpu.vector_load %arg15[%get3A_604, %get3A_605, %get3A_606] {strides = array<i32>} : memref<2x32x768xf32, #tpu.memory_space<vmem>>, vector<16xf32>,
      %mul3A_608 = vector.broadcast %max3A_506 : f32 to vector<16xf32>
      %mul3A_609 = arith.mulf %get3A_607, %mul3A_608 : vector<16xf32>
      %add3A_610 = arith.addf %scan3A_466, %mul3A_609 : vector<16xf32>
      %get3A_611 = arith.constant 1 : i32
      %get3A_612 = arith.index_cast %get3A_611 : i32 to index
      %get3A_613 = arith.index_cast %scan3A_453 : i32 to index
      %get3A_614 = arith.constant 208 : index
      %get3A_615 = tpu.vector_load %arg15[%get3A_612, %get3A_613, %get3A_614] {strides = array<i32>} : memref<2x32x768xf32, #tpu.memory_space<vmem>>, vector<16xf32>,
      %mul3A_616 = vector.broadcast %max3A_506 : f32 to vector<16xf32>
      %mul3A_617 = arith.mulf %get3A_615, %mul3A_616 : vector<16xf32>
      %add3A_618 = arith.addf %scan3A_467, %mul3A_617 : vector<16xf32>
      %get3A_619 = arith.constant 1 : i32
      %get3A_620 = arith.index_cast %get3A_619 : i32 to index
      %get3A_621 = arith.index_cast %scan3A_453 : i32 to index
      %get3A_622 = arith.constant 224 : index
      %get3A_623 = tpu.vector_load %arg15[%get3A_620, %get3A_621, %get3A_622] {strides = array<i32>} : memref<2x32x768xf32, #tpu.memory_space<vmem>>, vector<16xf32>,
      %mul3A_624 = vector.broadcast %max3A_506 : f32 to vector<16xf32>
      %mul3A_625 = arith.mulf %get3A_623, %mul3A_624 : vector<16xf32>
      %add3A_626 = arith.addf %scan3A_468, %mul3A_625 : vector<16xf32>
      %get3A_627 = arith.constant 1 : i32
      %get3A_628 = arith.index_cast %get3A_627 : i32 to index
      %get3A_629 = arith.index_cast %scan3A_453 : i32 to index
      %get3A_630 = arith.constant 240 : index
      %get3A_631 = tpu.vector_load %arg15[%get3A_628, %get3A_629, %get3A_630] {strides = array<i32>} : memref<2x32x768xf32, #tpu.memory_space<vmem>>, vector<16xf32>,
      %mul3A_632 = vector.broadcast %max3A_506 : f32 to vector<16xf32>
      %mul3A_633 = arith.mulf %get3A_631, %mul3A_632 : vector<16xf32>
      %add3A_634 = arith.addf %scan3A_469, %mul3A_633 : vector<16xf32>
      %get3A_635 = arith.constant 1 : i32
      %get3A_636 = arith.index_cast %get3A_635 : i32 to index
      %get3A_637 = arith.index_cast %scan3A_453 : i32 to index
      %get3A_638 = arith.constant 256 : index
      %get3A_639 = tpu.vector_load %arg15[%get3A_636, %get3A_637, %get3A_638] {strides = array<i32>} : memref<2x32x768xf32, #tpu.memory_space<vmem>>, vector<16xf32>,
      %mul3A_640 = vector.broadcast %max3A_506 : f32 to vector<16xf32>
      %mul3A_641 = arith.mulf %get3A_639, %mul3A_640 : vector<16xf32>
      %add3A_642 = arith.addf %scan3A_470, %mul3A_641 : vector<16xf32>
      %get3A_643 = arith.constant 1 : i32
      %get3A_644 = arith.index_cast %get3A_643 : i32 to index
      %get3A_645 = arith.index_cast %scan3A_453 : i32 to index
      %get3A_646 = arith.constant 272 : index
      %get3A_647 = tpu.vector_load %arg15[%get3A_644, %get3A_645, %get3A_646] {strides = array<i32>} : memref<2x32x768xf32, #tpu.memory_space<vmem>>, vector<16xf32>,
      %mul3A_648 = vector.broadcast %max3A_506 : f32 to vector<16xf32>
      %mul3A_649 = arith.mulf %get3A_647, %mul3A_648 : vector<16xf32>
      %add3A_650 = arith.addf %scan3A_471, %mul3A_649 : vector<16xf32>
      %get3A_651 = arith.constant 1 : i32
      %get3A_652 = arith.index_cast %get3A_651 : i32 to index
      %get3A_653 = arith.index_cast %scan3A_453 : i32 to index
      %get3A_654 = arith.constant 288 : index
      %get3A_655 = tpu.vector_load %arg15[%get3A_652, %get3A_653, %get3A_654] {strides = array<i32>} : memref<2x32x768xf32, #tpu.memory_space<vmem>>, vector<16xf32>,
      %mul3A_656 = vector.broadcast %max3A_506 : f32 to vector<16xf32>
      %mul3A_657 = arith.mulf %get3A_655, %mul3A_656 : vector<16xf32>
      %add3A_658 = arith.addf %scan3A_472, %mul3A_657 : vector<16xf32>
      %get3A_659 = arith.constant 1 : i32
      %get3A_660 = arith.index_cast %get3A_659 : i32 to index
      %get3A_661 = arith.index_cast %scan3A_453 : i32 to index
      %get3A_662 = arith.constant 304 : index
      %get3A_663 = tpu.vector_load %arg15[%get3A_660, %get3A_661, %get3A_662] {strides = array<i32>} : memref<2x32x768xf32, #tpu.memory_space<vmem>>, vector<16xf32>,
      %mul3A_664 = vector.broadcast %max3A_506 : f32 to vector<16xf32>
      %mul3A_665 = arith.mulf %get3A_663, %mul3A_664 : vector<16xf32>
      %add3A_666 = arith.addf %scan3A_473, %mul3A_665 : vector<16xf32>
      %get3A_667 = arith.constant 1 : i32
      %get3A_668 = arith.index_cast %get3A_667 : i32 to index
      %get3A_669 = arith.index_cast %scan3A_453 : i32 to index
      %get3A_670 = arith.constant 320 : index
      %get3A_671 = tpu.vector_load %arg15[%get3A_668, %get3A_669, %get3A_670] {strides = array<i32>} : memref<2x32x768xf32, #tpu.memory_space<vmem>>, vector<16xf32>,
      %mul3A_672 = vector.broadcast %max3A_506 : f32 to vector<16xf32>
      %mul3A_673 = arith.mulf %get3A_671, %mul3A_672 : vector<16xf32>
      %add3A_674 = arith.addf %scan3A_474, %mul3A_673 : vector<16xf32>
      %get3A_675 = arith.constant 1 : i32
      %get3A_676 = arith.index_cast %get3A_675 : i32 to index
      %get3A_677 = arith.index_cast %scan3A_453 : i32 to index
      %get3A_678 = arith.constant 336 : index
      %get3A_679 = tpu.vector_load %arg15[%get3A_676, %get3A_677, %get3A_678] {strides = array<i32>} : memref<2x32x768xf32, #tpu.memory_space<vmem>>, vector<16xf32>,
      %mul3A_680 = vector.broadcast %max3A_506 : f32 to vector<16xf32>
      %mul3A_681 = arith.mulf %get3A_679, %mul3A_680 : vector<16xf32>
      %add3A_682 = arith.addf %scan3A_475, %mul3A_681 : vector<16xf32>
      %get3A_683 = arith.constant 1 : i32
      %get3A_684 = arith.index_cast %get3A_683 : i32 to index
      %get3A_685 = arith.index_cast %scan3A_453 : i32 to index
      %get3A_686 = arith.constant 352 : index
      %get3A_687 = tpu.vector_load %arg15[%get3A_684, %get3A_685, %get3A_686] {strides = array<i32>} : memref<2x32x768xf32, #tpu.memory_space<vmem>>, vector<16xf32>,
      %mul3A_688 = vector.broadcast %max3A_506 : f32 to vector<16xf32>
      %mul3A_689 = arith.mulf %get3A_687, %mul3A_688 : vector<16xf32>
      %add3A_690 = arith.addf %scan3A_476, %mul3A_689 : vector<16xf32>
      %get3A_691 = arith.constant 1 : i32
      %get3A_692 = arith.index_cast %get3A_691 : i32 to index
      %get3A_693 = arith.index_cast %scan3A_453 : i32 to index
      %get3A_694 = arith.constant 368 : index
      %get3A_695 = tpu.vector_load %arg15[%get3A_692, %get3A_693, %get3A_694] {strides = array<i32>} : memref<2x32x768xf32, #tpu.memory_space<vmem>>, vector<16xf32>,
      %mul3A_696 = vector.broadcast %max3A_506 : f32 to vector<16xf32>
      %mul3A_697 = arith.mulf %get3A_695, %mul3A_696 : vector<16xf32>
      %add3A_698 = arith.addf %scan3A_477, %mul3A_697 : vector<16xf32>
      %get3A_699 = arith.constant 1 : i32
      %get3A_700 = arith.index_cast %get3A_699 : i32 to index
      %get3A_701 = arith.index_cast %scan3A_453 : i32 to index
      %get3A_702 = arith.constant 384 : index
      %get3A_703 = tpu.vector_load %arg15[%get3A_700, %get3A_701, %get3A_702] {strides = array<i32>} : memref<2x32x768xf32, #tpu.memory_space<vmem>>, vector<16xf32>,
      %mul3A_704 = vector.broadcast %max3A_506 : f32 to vector<16xf32>
      %mul3A_705 = arith.mulf %get3A_703, %mul3A_704 : vector<16xf32>
      %add3A_706 = arith.addf %scan3A_478, %mul3A_705 : vector<16xf32>
      %get3A_707 = arith.constant 1 : i32
      %get3A_708 = arith.index_cast %get3A_707 : i32 to index
      %get3A_709 = arith.index_cast %scan3A_453 : i32 to index
      %get3A_710 = arith.constant 400 : index
      %get3A_711 = tpu.vector_load %arg15[%get3A_708, %get3A_709, %get3A_710] {strides = array<i32>} : memref<2x32x768xf32, #tpu.memory_space<vmem>>, vector<16xf32>,
      %mul3A_712 = vector.broadcast %max3A_506 : f32 to vector<16xf32>
      %mul3A_713 = arith.mulf %get3A_711, %mul3A_712 : vector<16xf32>
      %add3A_714 = arith.addf %scan3A_479, %mul3A_713 : vector<16xf32>
      %get3A_715 = arith.constant 1 : i32
      %get3A_716 = arith.index_cast %get3A_715 : i32 to index
      %get3A_717 = arith.index_cast %scan3A_453 : i32 to index
      %get3A_718 = arith.constant 416 : index
      %get3A_719 = tpu.vector_load %arg15[%get3A_716, %get3A_717, %get3A_718] {strides = array<i32>} : memref<2x32x768xf32, #tpu.memory_space<vmem>>, vector<16xf32>,
      %mul3A_720 = vector.broadcast %max3A_506 : f32 to vector<16xf32>
      %mul3A_721 = arith.mulf %get3A_719, %mul3A_720 : vector<16xf32>
      %add3A_722 = arith.addf %scan3A_480, %mul3A_721 : vector<16xf32>
      %get3A_723 = arith.constant 1 : i32
      %get3A_724 = arith.index_cast %get3A_723 : i32 to index
      %get3A_725 = arith.index_cast %scan3A_453 : i32 to index
      %get3A_726 = arith.constant 432 : index
      %get3A_727 = tpu.vector_load %arg15[%get3A_724, %get3A_725, %get3A_726] {strides = array<i32>} : memref<2x32x768xf32, #tpu.memory_space<vmem>>, vector<16xf32>,
      %mul3A_728 = vector.broadcast %max3A_506 : f32 to vector<16xf32>
      %mul3A_729 = arith.mulf %get3A_727, %mul3A_728 : vector<16xf32>
      %add3A_730 = arith.addf %scan3A_481, %mul3A_729 : vector<16xf32>
      %get3A_731 = arith.constant 1 : i32
      %get3A_732 = arith.index_cast %get3A_731 : i32 to index
      %get3A_733 = arith.index_cast %scan3A_453 : i32 to index
      %get3A_734 = arith.constant 448 : index
      %get3A_735 = tpu.vector_load %arg15[%get3A_732, %get3A_733, %get3A_734] {strides = array<i32>} : memref<2x32x768xf32, #tpu.memory_space<vmem>>, vector<16xf32>,
      %mul3A_736 = vector.broadcast %max3A_506 : f32 to vector<16xf32>
      %mul3A_737 = arith.mulf %get3A_735, %mul3A_736 : vector<16xf32>
      %add3A_738 = arith.addf %scan3A_482, %mul3A_737 : vector<16xf32>
      %get3A_739 = arith.constant 1 : i32
      %get3A_740 = arith.index_cast %get3A_739 : i32 to index
      %get3A_741 = arith.index_cast %scan3A_453 : i32 to index
      %get3A_742 = arith.constant 464 : index
      %get3A_743 = tpu.vector_load %arg15[%get3A_740, %get3A_741, %get3A_742] {strides = array<i32>} : memref<2x32x768xf32, #tpu.memory_space<vmem>>, vector<16xf32>,
      %mul3A_744 = vector.broadcast %max3A_506 : f32 to vector<16xf32>
      %mul3A_745 = arith.mulf %get3A_743, %mul3A_744 : vector<16xf32>
      %add3A_746 = arith.addf %scan3A_483, %mul3A_745 : vector<16xf32>
      %get3A_747 = arith.constant 1 : i32
      %get3A_748 = arith.index_cast %get3A_747 : i32 to index
      %get3A_749 = arith.index_cast %scan3A_453 : i32 to index
      %get3A_750 = arith.constant 480 : index
      %get3A_751 = tpu.vector_load %arg15[%get3A_748, %get3A_749, %get3A_750] {strides = array<i32>} : memref<2x32x768xf32, #tpu.memory_space<vmem>>, vector<16xf32>,
      %mul3A_752 = vector.broadcast %max3A_506 : f32 to vector<16xf32>
      %mul3A_753 = arith.mulf %get3A_751, %mul3A_752 : vector<16xf32>
      %add3A_754 = arith.addf %scan3A_484, %mul3A_753 : vector<16xf32>
      %get3A_755 = arith.constant 1 : i32
      %get3A_756 = arith.index_cast %get3A_755 : i32 to index
      %get3A_757 = arith.index_cast %scan3A_453 : i32 to index
      %get3A_758 = arith.constant 496 : index
      %get3A_759 = tpu.vector_load %arg15[%get3A_756, %get3A_757, %get3A_758] {strides = array<i32>} : memref<2x32x768xf32, #tpu.memory_space<vmem>>, vector<16xf32>,
      %mul3A_760 = vector.broadcast %max3A_506 : f32 to vector<16xf32>
      %mul3A_761 = arith.mulf %get3A_759, %mul3A_760 : vector<16xf32>
      %add3A_762 = arith.addf %scan3A_485, %mul3A_761 : vector<16xf32>
      %get3A_763 = arith.constant 1 : i32
      %get3A_764 = arith.index_cast %get3A_763 : i32 to index
      %get3A_765 = arith.index_cast %scan3A_453 : i32 to index
      %get3A_766 = arith.constant 512 : index
      %get3A_767 = tpu.vector_load %arg15[%get3A_764, %get3A_765, %get3A_766] {strides = array<i32>} : memref<2x32x768xf32, #tpu.memory_space<vmem>>, vector<16xf32>,
      %mul3A_768 = vector.broadcast %max3A_506 : f32 to vector<16xf32>
      %mul3A_769 = arith.mulf %get3A_767, %mul3A_768 : vector<16xf32>
      %add3A_770 = arith.addf %scan3A_486, %mul3A_769 : vector<16xf32>
      %get3A_771 = arith.constant 1 : i32
      %get3A_772 = arith.index_cast %get3A_771 : i32 to index
      %get3A_773 = arith.index_cast %scan3A_453 : i32 to index
      %get3A_774 = arith.constant 528 : index
      %get3A_775 = tpu.vector_load %arg15[%get3A_772, %get3A_773, %get3A_774] {strides = array<i32>} : memref<2x32x768xf32, #tpu.memory_space<vmem>>, vector<16xf32>,
      %mul3A_776 = vector.broadcast %max3A_506 : f32 to vector<16xf32>
      %mul3A_777 = arith.mulf %get3A_775, %mul3A_776 : vector<16xf32>
      %add3A_778 = arith.addf %scan3A_487, %mul3A_777 : vector<16xf32>
      %get3A_779 = arith.constant 1 : i32
      %get3A_780 = arith.index_cast %get3A_779 : i32 to index
      %get3A_781 = arith.index_cast %scan3A_453 : i32 to index
      %get3A_782 = arith.constant 544 : index
      %get3A_783 = tpu.vector_load %arg15[%get3A_780, %get3A_781, %get3A_782] {strides = array<i32>} : memref<2x32x768xf32, #tpu.memory_space<vmem>>, vector<16xf32>,
      %mul3A_784 = vector.broadcast %max3A_506 : f32 to vector<16xf32>
      %mul3A_785 = arith.mulf %get3A_783, %mul3A_784 : vector<16xf32>
      %add3A_786 = arith.addf %scan3A_488, %mul3A_785 : vector<16xf32>
      %get3A_787 = arith.constant 1 : i32
      %get3A_788 = arith.index_cast %get3A_787 : i32 to index
      %get3A_789 = arith.index_cast %scan3A_453 : i32 to index
      %get3A_790 = arith.constant 560 : index
      %get3A_791 = tpu.vector_load %arg15[%get3A_788, %get3A_789, %get3A_790] {strides = array<i32>} : memref<2x32x768xf32, #tpu.memory_space<vmem>>, vector<16xf32>,
      %mul3A_792 = vector.broadcast %max3A_506 : f32 to vector<16xf32>
      %mul3A_793 = arith.mulf %get3A_791, %mul3A_792 : vector<16xf32>
      %add3A_794 = arith.addf %scan3A_489, %mul3A_793 : vector<16xf32>
      %get3A_795 = arith.constant 1 : i32
      %get3A_796 = arith.index_cast %get3A_795 : i32 to index
      %get3A_797 = arith.index_cast %scan3A_453 : i32 to index
      %get3A_798 = arith.constant 576 : index
      %get3A_799 = tpu.vector_load %arg15[%get3A_796, %get3A_797, %get3A_798] {strides = array<i32>} : memref<2x32x768xf32, #tpu.memory_space<vmem>>, vector<16xf32>,
      %mul3A_800 = vector.broadcast %max3A_506 : f32 to vector<16xf32>
      %mul3A_801 = arith.mulf %get3A_799, %mul3A_800 : vector<16xf32>
      %add3A_802 = arith.addf %scan3A_490, %mul3A_801 : vector<16xf32>
      %get3A_803 = arith.constant 1 : i32
      %get3A_804 = arith.index_cast %get3A_803 : i32 to index
      %get3A_805 = arith.index_cast %scan3A_453 : i32 to index
      %get3A_806 = arith.constant 592 : index
      %get3A_807 = tpu.vector_load %arg15[%get3A_804, %get3A_805, %get3A_806] {strides = array<i32>} : memref<2x32x768xf32, #tpu.memory_space<vmem>>, vector<16xf32>,
      %mul3A_808 = vector.broadcast %max3A_506 : f32 to vector<16xf32>
      %mul3A_809 = arith.mulf %get3A_807, %mul3A_808 : vector<16xf32>
      %add3A_810 = arith.addf %scan3A_491, %mul3A_809 : vector<16xf32>
      %get3A_811 = arith.constant 1 : i32
      %get3A_812 = arith.index_cast %get3A_811 : i32 to index
      %get3A_813 = arith.index_cast %scan3A_453 : i32 to index
      %get3A_814 = arith.constant 608 : index
      %get3A_815 = tpu.vector_load %arg15[%get3A_812, %get3A_813, %get3A_814] {strides = array<i32>} : memref<2x32x768xf32, #tpu.memory_space<vmem>>, vector<16xf32>,
      %mul3A_816 = vector.broadcast %max3A_506 : f32 to vector<16xf32>
      %mul3A_817 = arith.mulf %get3A_815, %mul3A_816 : vector<16xf32>
      %add3A_818 = arith.addf %scan3A_492, %mul3A_817 : vector<16xf32>
      %get3A_819 = arith.constant 1 : i32
      %get3A_820 = arith.index_cast %get3A_819 : i32 to index
      %get3A_821 = arith.index_cast %scan3A_453 : i32 to index
      %get3A_822 = arith.constant 624 : index
      %get3A_823 = tpu.vector_load %arg15[%get3A_820, %get3A_821, %get3A_822] {strides = array<i32>} : memref<2x32x768xf32, #tpu.memory_space<vmem>>, vector<16xf32>,
      %mul3A_824 = vector.broadcast %max3A_506 : f32 to vector<16xf32>
      %mul3A_825 = arith.mulf %get3A_823, %mul3A_824 : vector<16xf32>
      %add3A_826 = arith.addf %scan3A_493, %mul3A_825 : vector<16xf32>
      %get3A_827 = arith.constant 1 : i32
      %get3A_828 = arith.index_cast %get3A_827 : i32 to index
      %get3A_829 = arith.index_cast %scan3A_453 : i32 to index
      %get3A_830 = arith.constant 640 : index
      %get3A_831 = tpu.vector_load %arg15[%get3A_828, %get3A_829, %get3A_830] {strides = array<i32>} : memref<2x32x768xf32, #tpu.memory_space<vmem>>, vector<16xf32>,
      %mul3A_832 = vector.broadcast %max3A_506 : f32 to vector<16xf32>
      %mul3A_833 = arith.mulf %get3A_831, %mul3A_832 : vector<16xf32>
      %add3A_834 = arith.addf %scan3A_494, %mul3A_833 : vector<16xf32>
      %get3A_835 = arith.constant 1 : i32
      %get3A_836 = arith.index_cast %get3A_835 : i32 to index
      %get3A_837 = arith.index_cast %scan3A_453 : i32 to index
      %get3A_838 = arith.constant 656 : index
      %get3A_839 = tpu.vector_load %arg15[%get3A_836, %get3A_837, %get3A_838] {strides = array<i32>} : memref<2x32x768xf32, #tpu.memory_space<vmem>>, vector<16xf32>,
      %mul3A_840 = vector.broadcast %max3A_506 : f32 to vector<16xf32>
      %mul3A_841 = arith.mulf %get3A_839, %mul3A_840 : vector<16xf32>
      %add3A_842 = arith.addf %scan3A_495, %mul3A_841 : vector<16xf32>
      %get3A_843 = arith.constant 1 : i32
      %get3A_844 = arith.index_cast %get3A_843 : i32 to index
      %get3A_845 = arith.index_cast %scan3A_453 : i32 to index
      %get3A_846 = arith.constant 672 : index
      %get3A_847 = tpu.vector_load %arg15[%get3A_844, %get3A_845, %get3A_846] {strides = array<i32>} : memref<2x32x768xf32, #tpu.memory_space<vmem>>, vector<16xf32>,
      %mul3A_848 = vector.broadcast %max3A_506 : f32 to vector<16xf32>
      %mul3A_849 = arith.mulf %get3A_847, %mul3A_848 : vector<16xf32>
      %add3A_850 = arith.addf %scan3A_496, %mul3A_849 : vector<16xf32>
      %get3A_851 = arith.constant 1 : i32
      %get3A_852 = arith.index_cast %get3A_851 : i32 to index
      %get3A_853 = arith.index_cast %scan3A_453 : i32 to index
      %get3A_854 = arith.constant 688 : index
      %get3A_855 = tpu.vector_load %arg15[%get3A_852, %get3A_853, %get3A_854] {strides = array<i32>} : memref<2x32x768xf32, #tpu.memory_space<vmem>>, vector<16xf32>,
      %mul3A_856 = vector.broadcast %max3A_506 : f32 to vector<16xf32>
      %mul3A_857 = arith.mulf %get3A_855, %mul3A_856 : vector<16xf32>
      %add3A_858 = arith.addf %scan3A_497, %mul3A_857 : vector<16xf32>
      %get3A_859 = arith.constant 1 : i32
      %get3A_860 = arith.index_cast %get3A_859 : i32 to index
      %get3A_861 = arith.index_cast %scan3A_453 : i32 to index
      %get3A_862 = arith.constant 704 : index
      %get3A_863 = tpu.vector_load %arg15[%get3A_860, %get3A_861, %get3A_862] {strides = array<i32>} : memref<2x32x768xf32, #tpu.memory_space<vmem>>, vector<16xf32>,
      %mul3A_864 = vector.broadcast %max3A_506 : f32 to vector<16xf32>
      %mul3A_865 = arith.mulf %get3A_863, %mul3A_864 : vector<16xf32>
      %add3A_866 = arith.addf %scan3A_498, %mul3A_865 : vector<16xf32>
      %get3A_867 = arith.constant 1 : i32
      %get3A_868 = arith.index_cast %get3A_867 : i32 to index
      %get3A_869 = arith.index_cast %scan3A_453 : i32 to index
      %get3A_870 = arith.constant 720 : index
      %get3A_871 = tpu.vector_load %arg15[%get3A_868, %get3A_869, %get3A_870] {strides = array<i32>} : memref<2x32x768xf32, #tpu.memory_space<vmem>>, vector<16xf32>,
      %mul3A_872 = vector.broadcast %max3A_506 : f32 to vector<16xf32>
      %mul3A_873 = arith.mulf %get3A_871, %mul3A_872 : vector<16xf32>
      %add3A_874 = arith.addf %scan3A_499, %mul3A_873 : vector<16xf32>
      %get3A_875 = arith.constant 1 : i32
      %get3A_876 = arith.index_cast %get3A_875 : i32 to index
      %get3A_877 = arith.index_cast %scan3A_453 : i32 to index
      %get3A_878 = arith.constant 736 : index
      %get3A_879 = tpu.vector_load %arg15[%get3A_876, %get3A_877, %get3A_878] {strides = array<i32>} : memref<2x32x768xf32, #tpu.memory_space<vmem>>, vector<16xf32>,
      %mul3A_880 = vector.broadcast %max3A_506 : f32 to vector<16xf32>
      %mul3A_881 = arith.mulf %get3A_879, %mul3A_880 : vector<16xf32>
      %add3A_882 = arith.addf %scan3A_500, %mul3A_881 : vector<16xf32>
      %get3A_883 = arith.constant 1 : i32
      %get3A_884 = arith.index_cast %get3A_883 : i32 to index
      %get3A_885 = arith.index_cast %scan3A_453 : i32 to index
      %get3A_886 = arith.constant 752 : index
      %get3A_887 = tpu.vector_load %arg15[%get3A_884, %get3A_885, %get3A_886] {strides = array<i32>} : memref<2x32x768xf32, #tpu.memory_space<vmem>>, vector<16xf32>,
      %mul3A_888 = vector.broadcast %max3A_506 : f32 to vector<16xf32>
      %mul3A_889 = arith.mulf %get3A_887, %mul3A_888 : vector<16xf32>
      %add3A_890 = arith.addf %scan3A_501, %mul3A_889 : vector<16xf32>
      scf.yield %add3A_514, %add3A_522, %add3A_530, %add3A_538, %add3A_546, %add3A_554, %add3A_562, %add3A_570, %add3A_578, %add3A_586, %add3A_594, %add3A_602, %add3A_610, %add3A_618, %add3A_626, %add3A_634, %add3A_642, %add3A_650, %add3A_658, %add3A_666, %add3A_674, %add3A_682, %add3A_690, %add3A_698, %add3A_706, %add3A_714, %add3A_722, %add3A_730, %add3A_738, %add3A_746, %add3A_754, %add3A_762, %add3A_770, %add3A_778, %add3A_786, %add3A_794, %add3A_802, %add3A_810, %add3A_818, %add3A_826, %add3A_834, %add3A_842, %add3A_850, %add3A_858, %add3A_866, %add3A_874, %add3A_882, %add3A_890 : vector<16xf32>, vector<16xf32>, vector<16xf32>, vector<16xf32>, vector<16xf32>, vector<16xf32>, vector<16xf32>, vector<16xf32>, vector<16xf32>, vector<16xf32>, vector<16xf32>, vector<16xf32>, vector<16xf32>, vector<16xf32>, vector<16xf32>, vector<16xf32>, vector<16xf32>, vector<16xf32>, vector<16xf32>, vector<16xf32>, vector<16xf32>, vector<16xf32>, vector<16xf32>, vector<16xf32>, vector<16xf32>, vector<16xf32>, vector<16xf32>, vector<16xf32>, vector<16xf32>, vector<16xf32>, vector<16xf32>, vector<16xf32>, vector<16xf32>, vector<16xf32>, vector<16xf32>, vector<16xf32>, vector<16xf32>, vector<16xf32>, vector<16xf32>, vector<16xf32>, vector<16xf32>, vector<16xf32>, vector<16xf32>, vector<16xf32>, vector<16xf32>, vector<16xf32>, vector<16xf32>, vector<16xf32>
    }
    %scan3A_163 = arith.constant 32 : i32
    %swap3A = arith.constant 1 : i32
    %swap3A_164 = arith.index_cast %swap3A : i32 to index
    %swap3A_165 = arith.constant 0 : index
    %swap3A_166 = tpu.vector_load %arg16[%swap3A_164, %swap3A_165] {strides = array<i32>} : memref<2x768xf32, #tpu.memory_space<vmem>>, vector<16xf32>,
    tpu.vector_store %arg16[%swap3A_164, %swap3A_165], %scan3A_162#0 {strides = array<i32>} : memref<2x768xf32, #tpu.memory_space<vmem>>, vector<16xf32>,
    %swap3A_167 = arith.constant 1 : i32
    %swap3A_168 = arith.index_cast %swap3A_167 : i32 to index
    %swap3A_169 = arith.constant 16 : index
    %swap3A_170 = tpu.vector_load %arg16[%swap3A_168, %swap3A_169] {strides = array<i32>} : memref<2x768xf32, #tpu.memory_space<vmem>>, vector<16xf32>,
    tpu.vector_store %arg16[%swap3A_168, %swap3A_169], %scan3A_162#1 {strides = array<i32>} : memref<2x768xf32, #tpu.memory_space<vmem>>, vector<16xf32>,
    %swap3A_171 = arith.constant 1 : i32
    %swap3A_172 = arith.index_cast %swap3A_171 : i32 to index
    %swap3A_173 = arith.constant 32 : index
    %swap3A_174 = tpu.vector_load %arg16[%swap3A_172, %swap3A_173] {strides = array<i32>} : memref<2x768xf32, #tpu.memory_space<vmem>>, vector<16xf32>,
    tpu.vector_store %arg16[%swap3A_172, %swap3A_173], %scan3A_162#2 {strides = array<i32>} : memref<2x768xf32, #tpu.memory_space<vmem>>, vector<16xf32>,
    %swap3A_175 = arith.constant 1 : i32
    %swap3A_176 = arith.index_cast %swap3A_175 : i32 to index
    %swap3A_177 = arith.constant 48 : index
    %swap3A_178 = tpu.vector_load %arg16[%swap3A_176, %swap3A_177] {strides = array<i32>} : memref<2x768xf32, #tpu.memory_space<vmem>>, vector<16xf32>,
    tpu.vector_store %arg16[%swap3A_176, %swap3A_177], %scan3A_162#3 {strides = array<i32>} : memref<2x768xf32, #tpu.memory_space<vmem>>, vector<16xf32>,
    %swap3A_179 = arith.constant 1 : i32
    %swap3A_180 = arith.index_cast %swap3A_179 : i32 to index
    %swap3A_181 = arith.constant 64 : index
    %swap3A_182 = tpu.vector_load %arg16[%swap3A_180, %swap3A_181] {strides = array<i32>} : memref<2x768xf32, #tpu.memory_space<vmem>>, vector<16xf32>,
    tpu.vector_store %arg16[%swap3A_180, %swap3A_181], %scan3A_162#4 {strides = array<i32>} : memref<2x768xf32, #tpu.memory_space<vmem>>, vector<16xf32>,
    %swap3A_183 = arith.constant 1 : i32
    %swap3A_184 = arith.index_cast %swap3A_183 : i32 to index
    %swap3A_185 = arith.constant 80 : index
    %swap3A_186 = tpu.vector_load %arg16[%swap3A_184, %swap3A_185] {strides = array<i32>} : memref<2x768xf32, #tpu.memory_space<vmem>>, vector<16xf32>,
    tpu.vector_store %arg16[%swap3A_184, %swap3A_185], %scan3A_162#5 {strides = array<i32>} : memref<2x768xf32, #tpu.memory_space<vmem>>, vector<16xf32>,
    %swap3A_187 = arith.constant 1 : i32
    %swap3A_188 = arith.index_cast %swap3A_187 : i32 to index
    %swap3A_189 = arith.constant 96 : index
    %swap3A_190 = tpu.vector_load %arg16[%swap3A_188, %swap3A_189] {strides = array<i32>} : memref<2x768xf32, #tpu.memory_space<vmem>>, vector<16xf32>,
    tpu.vector_store %arg16[%swap3A_188, %swap3A_189], %scan3A_162#6 {strides = array<i32>} : memref<2x768xf32, #tpu.memory_space<vmem>>, vector<16xf32>,
    %swap3A_191 = arith.constant 1 : i32
    %swap3A_192 = arith.index_cast %swap3A_191 : i32 to index
    %swap3A_193 = arith.constant 112 : index
    %swap3A_194 = tpu.vector_load %arg16[%swap3A_192, %swap3A_193] {strides = array<i32>} : memref<2x768xf32, #tpu.memory_space<vmem>>, vector<16xf32>,
    tpu.vector_store %arg16[%swap3A_192, %swap3A_193], %scan3A_162#7 {strides = array<i32>} : memref<2x768xf32, #tpu.memory_space<vmem>>, vector<16xf32>,
    %swap3A_195 = arith.constant 1 : i32
    %swap3A_196 = arith.index_cast %swap3A_195 : i32 to index
    %swap3A_197 = arith.constant 128 : index
    %swap3A_198 = tpu.vector_load %arg16[%swap3A_196, %swap3A_197] {strides = array<i32>} : memref<2x768xf32, #tpu.memory_space<vmem>>, vector<16xf32>,
    tpu.vector_store %arg16[%swap3A_196, %swap3A_197], %scan3A_162#8 {strides = array<i32>} : memref<2x768xf32, #tpu.memory_space<vmem>>, vector<16xf32>,
    %swap3A_199 = arith.constant 1 : i32
    %swap3A_200 = arith.index_cast %swap3A_199 : i32 to index
    %swap3A_201 = arith.constant 144 : index
    %swap3A_202 = tpu.vector_load %arg16[%swap3A_200, %swap3A_201] {strides = array<i32>} : memref<2x768xf32, #tpu.memory_space<vmem>>, vector<16xf32>,
    tpu.vector_store %arg16[%swap3A_200, %swap3A_201], %scan3A_162#9 {strides = array<i32>} : memref<2x768xf32, #tpu.memory_space<vmem>>, vector<16xf32>,
    %swap3A_203 = arith.constant 1 : i32
    %swap3A_204 = arith.index_cast %swap3A_203 : i32 to index
    %swap3A_205 = arith.constant 160 : index
    %swap3A_206 = tpu.vector_load %arg16[%swap3A_204, %swap3A_205] {strides = array<i32>} : memref<2x768xf32, #tpu.memory_space<vmem>>, vector<16xf32>,
    tpu.vector_store %arg16[%swap3A_204, %swap3A_205], %scan3A_162#10 {strides = array<i32>} : memref<2x768xf32, #tpu.memory_space<vmem>>, vector<16xf32>,
    %swap3A_207 = arith.constant 1 : i32
    %swap3A_208 = arith.index_cast %swap3A_207 : i32 to index
    %swap3A_209 = arith.constant 176 : index
    %swap3A_210 = tpu.vector_load %arg16[%swap3A_208, %swap3A_209] {strides = array<i32>} : memref<2x768xf32, #tpu.memory_space<vmem>>, vector<16xf32>,
    tpu.vector_store %arg16[%swap3A_208, %swap3A_209], %scan3A_162#11 {strides = array<i32>} : memref<2x768xf32, #tpu.memory_space<vmem>>, vector<16xf32>,
    %swap3A_211 = arith.constant 1 : i32
    %swap3A_212 = arith.index_cast %swap3A_211 : i32 to index
    %swap3A_213 = arith.constant 192 : index
    %swap3A_214 = tpu.vector_load %arg16[%swap3A_212, %swap3A_213] {strides = array<i32>} : memref<2x768xf32, #tpu.memory_space<vmem>>, vector<16xf32>,
    tpu.vector_store %arg16[%swap3A_212, %swap3A_213], %scan3A_162#12 {strides = array<i32>} : memref<2x768xf32, #tpu.memory_space<vmem>>, vector<16xf32>,
    %swap3A_215 = arith.constant 1 : i32
    %swap3A_216 = arith.index_cast %swap3A_215 : i32 to index
    %swap3A_217 = arith.constant 208 : index
    %swap3A_218 = tpu.vector_load %arg16[%swap3A_216, %swap3A_217] {strides = array<i32>} : memref<2x768xf32, #tpu.memory_space<vmem>>, vector<16xf32>,
    tpu.vector_store %arg16[%swap3A_216, %swap3A_217], %scan3A_162#13 {strides = array<i32>} : memref<2x768xf32, #tpu.memory_space<vmem>>, vector<16xf32>,
    %swap3A_219 = arith.constant 1 : i32
    %swap3A_220 = arith.index_cast %swap3A_219 : i32 to index
    %swap3A_221 = arith.constant 224 : index
    %swap3A_222 = tpu.vector_load %arg16[%swap3A_220, %swap3A_221] {strides = array<i32>} : memref<2x768xf32, #tpu.memory_space<vmem>>, vector<16xf32>,
    tpu.vector_store %arg16[%swap3A_220, %swap3A_221], %scan3A_162#14 {strides = array<i32>} : memref<2x768xf32, #tpu.memory_space<vmem>>, vector<16xf32>,
    %swap3A_223 = arith.constant 1 : i32
    %swap3A_224 = arith.index_cast %swap3A_223 : i32 to index
    %swap3A_225 = arith.constant 240 : index
    %swap3A_226 = tpu.vector_load %arg16[%swap3A_224, %swap3A_225] {strides = array<i32>} : memref<2x768xf32, #tpu.memory_space<vmem>>, vector<16xf32>,
    tpu.vector_store %arg16[%swap3A_224, %swap3A_225], %scan3A_162#15 {strides = array<i32>} : memref<2x768xf32, #tpu.memory_space<vmem>>, vector<16xf32>,
    %swap3A_227 = arith.constant 1 : i32
    %swap3A_228 = arith.index_cast %swap3A_227 : i32 to index
    %swap3A_229 = arith.constant 256 : index
    %swap3A_230 = tpu.vector_load %arg16[%swap3A_228, %swap3A_229] {strides = array<i32>} : memref<2x768xf32, #tpu.memory_space<vmem>>, vector<16xf32>,
    tpu.vector_store %arg16[%swap3A_228, %swap3A_229], %scan3A_162#16 {strides = array<i32>} : memref<2x768xf32, #tpu.memory_space<vmem>>, vector<16xf32>,
    %swap3A_231 = arith.constant 1 : i32
    %swap3A_232 = arith.index_cast %swap3A_231 : i32 to index
    %swap3A_233 = arith.constant 272 : index
    %swap3A_234 = tpu.vector_load %arg16[%swap3A_232, %swap3A_233] {strides = array<i32>} : memref<2x768xf32, #tpu.memory_space<vmem>>, vector<16xf32>,
    tpu.vector_store %arg16[%swap3A_232, %swap3A_233], %scan3A_162#17 {strides = array<i32>} : memref<2x768xf32, #tpu.memory_space<vmem>>, vector<16xf32>,
    %swap3A_235 = arith.constant 1 : i32
    %swap3A_236 = arith.index_cast %swap3A_235 : i32 to index
    %swap3A_237 = arith.constant 288 : index
    %swap3A_238 = tpu.vector_load %arg16[%swap3A_236, %swap3A_237] {strides = array<i32>} : memref<2x768xf32, #tpu.memory_space<vmem>>, vector<16xf32>,
    tpu.vector_store %arg16[%swap3A_236, %swap3A_237], %scan3A_162#18 {strides = array<i32>} : memref<2x768xf32, #tpu.memory_space<vmem>>, vector<16xf32>,
    %swap3A_239 = arith.constant 1 : i32
    %swap3A_240 = arith.index_cast %swap3A_239 : i32 to index
    %swap3A_241 = arith.constant 304 : index
    %swap3A_242 = tpu.vector_load %arg16[%swap3A_240, %swap3A_241] {strides = array<i32>} : memref<2x768xf32, #tpu.memory_space<vmem>>, vector<16xf32>,
    tpu.vector_store %arg16[%swap3A_240, %swap3A_241], %scan3A_162#19 {strides = array<i32>} : memref<2x768xf32, #tpu.memory_space<vmem>>, vector<16xf32>,
    %swap3A_243 = arith.constant 1 : i32
    %swap3A_244 = arith.index_cast %swap3A_243 : i32 to index
    %swap3A_245 = arith.constant 320 : index
    %swap3A_246 = tpu.vector_load %arg16[%swap3A_244, %swap3A_245] {strides = array<i32>} : memref<2x768xf32, #tpu.memory_space<vmem>>, vector<16xf32>,
    tpu.vector_store %arg16[%swap3A_244, %swap3A_245], %scan3A_162#20 {strides = array<i32>} : memref<2x768xf32, #tpu.memory_space<vmem>>, vector<16xf32>,
    %swap3A_247 = arith.constant 1 : i32
    %swap3A_248 = arith.index_cast %swap3A_247 : i32 to index
    %swap3A_249 = arith.constant 336 : index
    %swap3A_250 = tpu.vector_load %arg16[%swap3A_248, %swap3A_249] {strides = array<i32>} : memref<2x768xf32, #tpu.memory_space<vmem>>, vector<16xf32>,
    tpu.vector_store %arg16[%swap3A_248, %swap3A_249], %scan3A_162#21 {strides = array<i32>} : memref<2x768xf32, #tpu.memory_space<vmem>>, vector<16xf32>,
    %swap3A_251 = arith.constant 1 : i32
    %swap3A_252 = arith.index_cast %swap3A_251 : i32 to index
    %swap3A_253 = arith.constant 352 : index
    %swap3A_254 = tpu.vector_load %arg16[%swap3A_252, %swap3A_253] {strides = array<i32>} : memref<2x768xf32, #tpu.memory_space<vmem>>, vector<16xf32>,
    tpu.vector_store %arg16[%swap3A_252, %swap3A_253], %scan3A_162#22 {strides = array<i32>} : memref<2x768xf32, #tpu.memory_space<vmem>>, vector<16xf32>,
    %swap3A_255 = arith.constant 1 : i32
    %swap3A_256 = arith.index_cast %swap3A_255 : i32 to index
    %swap3A_257 = arith.constant 368 : index
    %swap3A_258 = tpu.vector_load %arg16[%swap3A_256, %swap3A_257] {strides = array<i32>} : memref<2x768xf32, #tpu.memory_space<vmem>>, vector<16xf32>,
    tpu.vector_store %arg16[%swap3A_256, %swap3A_257], %scan3A_162#23 {strides = array<i32>} : memref<2x768xf32, #tpu.memory_space<vmem>>, vector<16xf32>,
    %swap3A_259 = arith.constant 1 : i32
    %swap3A_260 = arith.index_cast %swap3A_259 : i32 to index
    %swap3A_261 = arith.constant 384 : index
    %swap3A_262 = tpu.vector_load %arg16[%swap3A_260, %swap3A_261] {strides = array<i32>} : memref<2x768xf32, #tpu.memory_space<vmem>>, vector<16xf32>,
    tpu.vector_store %arg16[%swap3A_260, %swap3A_261], %scan3A_162#24 {strides = array<i32>} : memref<2x768xf32, #tpu.memory_space<vmem>>, vector<16xf32>,
    %swap3A_263 = arith.constant 1 : i32
    %swap3A_264 = arith.index_cast %swap3A_263 : i32 to index
    %swap3A_265 = arith.constant 400 : index
    %swap3A_266 = tpu.vector_load %arg16[%swap3A_264, %swap3A_265] {strides = array<i32>} : memref<2x768xf32, #tpu.memory_space<vmem>>, vector<16xf32>,
    tpu.vector_store %arg16[%swap3A_264, %swap3A_265], %scan3A_162#25 {strides = array<i32>} : memref<2x768xf32, #tpu.memory_space<vmem>>, vector<16xf32>,
    %swap3A_267 = arith.constant 1 : i32
    %swap3A_268 = arith.index_cast %swap3A_267 : i32 to index
    %swap3A_269 = arith.constant 416 : index
    %swap3A_270 = tpu.vector_load %arg16[%swap3A_268, %swap3A_269] {strides = array<i32>} : memref<2x768xf32, #tpu.memory_space<vmem>>, vector<16xf32>,
    tpu.vector_store %arg16[%swap3A_268, %swap3A_269], %scan3A_162#26 {strides = array<i32>} : memref<2x768xf32, #tpu.memory_space<vmem>>, vector<16xf32>,
    %swap3A_271 = arith.constant 1 : i32
    %swap3A_272 = arith.index_cast %swap3A_271 : i32 to index
    %swap3A_273 = arith.constant 432 : index
    %swap3A_274 = tpu.vector_load %arg16[%swap3A_272, %swap3A_273] {strides = array<i32>} : memref<2x768xf32, #tpu.memory_space<vmem>>, vector<16xf32>,
    tpu.vector_store %arg16[%swap3A_272, %swap3A_273], %scan3A_162#27 {strides = array<i32>} : memref<2x768xf32, #tpu.memory_space<vmem>>, vector<16xf32>,
    %swap3A_275 = arith.constant 1 : i32
    %swap3A_276 = arith.index_cast %swap3A_275 : i32 to index
    %swap3A_277 = arith.constant 448 : index
    %swap3A_278 = tpu.vector_load %arg16[%swap3A_276, %swap3A_277] {strides = array<i32>} : memref<2x768xf32, #tpu.memory_space<vmem>>, vector<16xf32>,
    tpu.vector_store %arg16[%swap3A_276, %swap3A_277], %scan3A_162#28 {strides = array<i32>} : memref<2x768xf32, #tpu.memory_space<vmem>>, vector<16xf32>,
    %swap3A_279 = arith.constant 1 : i32
    %swap3A_280 = arith.index_cast %swap3A_279 : i32 to index
    %swap3A_281 = arith.constant 464 : index
    %swap3A_282 = tpu.vector_load %arg16[%swap3A_280, %swap3A_281] {strides = array<i32>} : memref<2x768xf32, #tpu.memory_space<vmem>>, vector<16xf32>,
    tpu.vector_store %arg16[%swap3A_280, %swap3A_281], %scan3A_162#29 {strides = array<i32>} : memref<2x768xf32, #tpu.memory_space<vmem>>, vector<16xf32>,
    %swap3A_283 = arith.constant 1 : i32
    %swap3A_284 = arith.index_cast %swap3A_283 : i32 to index
    %swap3A_285 = arith.constant 480 : index
    %swap3A_286 = tpu.vector_load %arg16[%swap3A_284, %swap3A_285] {strides = array<i32>} : memref<2x768xf32, #tpu.memory_space<vmem>>, vector<16xf32>,
    tpu.vector_store %arg16[%swap3A_284, %swap3A_285], %scan3A_162#30 {strides = array<i32>} : memref<2x768xf32, #tpu.memory_space<vmem>>, vector<16xf32>,
    %swap3A_287 = arith.constant 1 : i32
    %swap3A_288 = arith.index_cast %swap3A_287 : i32 to index
    %swap3A_289 = arith.constant 496 : index
    %swap3A_290 = tpu.vector_load %arg16[%swap3A_288, %swap3A_289] {strides = array<i32>} : memref<2x768xf32, #tpu.memory_space<vmem>>, vector<16xf32>,
    tpu.vector_store %arg16[%swap3A_288, %swap3A_289], %scan3A_162#31 {strides = array<i32>} : memref<2x768xf32, #tpu.memory_space<vmem>>, vector<16xf32>,
    %swap3A_291 = arith.constant 1 : i32
    %swap3A_292 = arith.index_cast %swap3A_291 : i32 to index
    %swap3A_293 = arith.constant 512 : index
    %swap3A_294 = tpu.vector_load %arg16[%swap3A_292, %swap3A_293] {strides = array<i32>} : memref<2x768xf32, #tpu.memory_space<vmem>>, vector<16xf32>,
    tpu.vector_store %arg16[%swap3A_292, %swap3A_293], %scan3A_162#32 {strides = array<i32>} : memref<2x768xf32, #tpu.memory_space<vmem>>, vector<16xf32>,
    %swap3A_295 = arith.constant 1 : i32
    %swap3A_296 = arith.index_cast %swap3A_295 : i32 to index
    %swap3A_297 = arith.constant 528 : index
    %swap3A_298 = tpu.vector_load %arg16[%swap3A_296, %swap3A_297] {strides = array<i32>} : memref<2x768xf32, #tpu.memory_space<vmem>>, vector<16xf32>,
    tpu.vector_store %arg16[%swap3A_296, %swap3A_297], %scan3A_162#33 {strides = array<i32>} : memref<2x768xf32, #tpu.memory_space<vmem>>, vector<16xf32>,
    %swap3A_299 = arith.constant 1 : i32
    %swap3A_300 = arith.index_cast %swap3A_299 : i32 to index
    %swap3A_301 = arith.constant 544 : index
    %swap3A_302 = tpu.vector_load %arg16[%swap3A_300, %swap3A_301] {strides = array<i32>} : memref<2x768xf32, #tpu.memory_space<vmem>>, vector<16xf32>,
    tpu.vector_store %arg16[%swap3A_300, %swap3A_301], %scan3A_162#34 {strides = array<i32>} : memref<2x768xf32, #tpu.memory_space<vmem>>, vector<16xf32>,
    %swap3A_303 = arith.constant 1 : i32
    %swap3A_304 = arith.index_cast %swap3A_303 : i32 to index
    %swap3A_305 = arith.constant 560 : index
    %swap3A_306 = tpu.vector_load %arg16[%swap3A_304, %swap3A_305] {strides = array<i32>} : memref<2x768xf32, #tpu.memory_space<vmem>>, vector<16xf32>,
    tpu.vector_store %arg16[%swap3A_304, %swap3A_305], %scan3A_162#35 {strides = array<i32>} : memref<2x768xf32, #tpu.memory_space<vmem>>, vector<16xf32>,
    %swap3A_307 = arith.constant 1 : i32
    %swap3A_308 = arith.index_cast %swap3A_307 : i32 to index
    %swap3A_309 = arith.constant 576 : index
    %swap3A_310 = tpu.vector_load %arg16[%swap3A_308, %swap3A_309] {strides = array<i32>} : memref<2x768xf32, #tpu.memory_space<vmem>>, vector<16xf32>,
    tpu.vector_store %arg16[%swap3A_308, %swap3A_309], %scan3A_162#36 {strides = array<i32>} : memref<2x768xf32, #tpu.memory_space<vmem>>, vector<16xf32>,
    %swap3A_311 = arith.constant 1 : i32
    %swap3A_312 = arith.index_cast %swap3A_311 : i32 to index
    %swap3A_313 = arith.constant 592 : index
    %swap3A_314 = tpu.vector_load %arg16[%swap3A_312, %swap3A_313] {strides = array<i32>} : memref<2x768xf32, #tpu.memory_space<vmem>>, vector<16xf32>,
    tpu.vector_store %arg16[%swap3A_312, %swap3A_313], %scan3A_162#37 {strides = array<i32>} : memref<2x768xf32, #tpu.memory_space<vmem>>, vector<16xf32>,
    %swap3A_315 = arith.constant 1 : i32
    %swap3A_316 = arith.index_cast %swap3A_315 : i32 to index
    %swap3A_317 = arith.constant 608 : index
    %swap3A_318 = tpu.vector_load %arg16[%swap3A_316, %swap3A_317] {strides = array<i32>} : memref<2x768xf32, #tpu.memory_space<vmem>>, vector<16xf32>,
    tpu.vector_store %arg16[%swap3A_316, %swap3A_317], %scan3A_162#38 {strides = array<i32>} : memref<2x768xf32, #tpu.memory_space<vmem>>, vector<16xf32>,
    %swap3A_319 = arith.constant 1 : i32
    %swap3A_320 = arith.index_cast %swap3A_319 : i32 to index
    %swap3A_321 = arith.constant 624 : index
    %swap3A_322 = tpu.vector_load %arg16[%swap3A_320, %swap3A_321] {strides = array<i32>} : memref<2x768xf32, #tpu.memory_space<vmem>>, vector<16xf32>,
    tpu.vector_store %arg16[%swap3A_320, %swap3A_321], %scan3A_162#39 {strides = array<i32>} : memref<2x768xf32, #tpu.memory_space<vmem>>, vector<16xf32>,
    %swap3A_323 = arith.constant 1 : i32
    %swap3A_324 = arith.index_cast %swap3A_323 : i32 to index
    %swap3A_325 = arith.constant 640 : index
    %swap3A_326 = tpu.vector_load %arg16[%swap3A_324, %swap3A_325] {strides = array<i32>} : memref<2x768xf32, #tpu.memory_space<vmem>>, vector<16xf32>,
    tpu.vector_store %arg16[%swap3A_324, %swap3A_325], %scan3A_162#40 {strides = array<i32>} : memref<2x768xf32, #tpu.memory_space<vmem>>, vector<16xf32>,
    %swap3A_327 = arith.constant 1 : i32
    %swap3A_328 = arith.index_cast %swap3A_327 : i32 to index
    %swap3A_329 = arith.constant 656 : index
    %swap3A_330 = tpu.vector_load %arg16[%swap3A_328, %swap3A_329] {strides = array<i32>} : memref<2x768xf32, #tpu.memory_space<vmem>>, vector<16xf32>,
    tpu.vector_store %arg16[%swap3A_328, %swap3A_329], %scan3A_162#41 {strides = array<i32>} : memref<2x768xf32, #tpu.memory_space<vmem>>, vector<16xf32>,
    %swap3A_331 = arith.constant 1 : i32
    %swap3A_332 = arith.index_cast %swap3A_331 : i32 to index
    %swap3A_333 = arith.constant 672 : index
    %swap3A_334 = tpu.vector_load %arg16[%swap3A_332, %swap3A_333] {strides = array<i32>} : memref<2x768xf32, #tpu.memory_space<vmem>>, vector<16xf32>,
    tpu.vector_store %arg16[%swap3A_332, %swap3A_333], %scan3A_162#42 {strides = array<i32>} : memref<2x768xf32, #tpu.memory_space<vmem>>, vector<16xf32>,
    %swap3A_335 = arith.constant 1 : i32
    %swap3A_336 = arith.index_cast %swap3A_335 : i32 to index
    %swap3A_337 = arith.constant 688 : index
    %swap3A_338 = tpu.vector_load %arg16[%swap3A_336, %swap3A_337] {strides = array<i32>} : memref<2x768xf32, #tpu.memory_space<vmem>>, vector<16xf32>,
    tpu.vector_store %arg16[%swap3A_336, %swap3A_337], %scan3A_162#43 {strides = array<i32>} : memref<2x768xf32, #tpu.memory_space<vmem>>, vector<16xf32>,
    %swap3A_339 = arith.constant 1 : i32
    %swap3A_340 = arith.index_cast %swap3A_339 : i32 to index
    %swap3A_341 = arith.constant 704 : index
    %swap3A_342 = tpu.vector_load %arg16[%swap3A_340, %swap3A_341] {strides = array<i32>} : memref<2x768xf32, #tpu.memory_space<vmem>>, vector<16xf32>,
    tpu.vector_store %arg16[%swap3A_340, %swap3A_341], %scan3A_162#44 {strides = array<i32>} : memref<2x768xf32, #tpu.memory_space<vmem>>, vector<16xf32>,
    %swap3A_343 = arith.constant 1 : i32
    %swap3A_344 = arith.index_cast %swap3A_343 : i32 to index
    %swap3A_345 = arith.constant 720 : index
    %swap3A_346 = tpu.vector_load %arg16[%swap3A_344, %swap3A_345] {strides = array<i32>} : memref<2x768xf32, #tpu.memory_space<vmem>>, vector<16xf32>,
    tpu.vector_store %arg16[%swap3A_344, %swap3A_345], %scan3A_162#45 {strides = array<i32>} : memref<2x768xf32, #tpu.memory_space<vmem>>, vector<16xf32>,
    %swap3A_347 = arith.constant 1 : i32
    %swap3A_348 = arith.index_cast %swap3A_347 : i32 to index
    %swap3A_349 = arith.constant 736 : index
    %swap3A_350 = tpu.vector_load %arg16[%swap3A_348, %swap3A_349] {strides = array<i32>} : memref<2x768xf32, #tpu.memory_space<vmem>>, vector<16xf32>,
    tpu.vector_store %arg16[%swap3A_348, %swap3A_349], %scan3A_162#46 {strides = array<i32>} : memref<2x768xf32, #tpu.memory_space<vmem>>, vector<16xf32>,
    %swap3A_351 = arith.constant 1 : i32
    %swap3A_352 = arith.index_cast %swap3A_351 : i32 to index
    %swap3A_353 = arith.constant 752 : index
    %swap3A_354 = tpu.vector_load %arg16[%swap3A_352, %swap3A_353] {strides = array<i32>} : memref<2x768xf32, #tpu.memory_space<vmem>>, vector<16xf32>,
    tpu.vector_store %arg16[%swap3A_352, %swap3A_353], %scan3A_162#47 {strides = array<i32>} : memref<2x768xf32, #tpu.memory_space<vmem>>, vector<16xf32>,
    %dma_start3A_355 = arith.constant 1 : i32
    %dma_start3A_356 = arith.constant 1 : i32
    %dma_start3A_357 = arith.constant 0 : i32
    %dma_start3A_358 = tpu.memref_slice %arg16[%dma_start3A_355, %dma_start3A_357] : memref<2x768xf32, #tpu.memory_space<vmem>> -> memref<1x768xf32, #tpu.memory_space<vmem>>
    %dma_start3A_359 = tpu.memref_squeeze %dma_start3A_358 : memref<1x768xf32, #tpu.memory_space<vmem>> -> memref<768xf32, #tpu.memory_space<vmem>>
    %dma_start3A_360 = arith.constant 0 : i32
    %dma_start3A_361 = tpu.memref_slice %arg8[%sub3A_48, %dma_start3A_360] : memref<2048x768xf32, #tpu.memory_space<hbm>> -> memref<1x768xf32, #tpu.memory_space<hbm>>
    %dma_start3A_362 = tpu.memref_squeeze %dma_start3A_361 : memref<1x768xf32, #tpu.memory_space<hbm>> -> memref<768xf32, #tpu.memory_space<hbm>>
    %dma_start3A_363 = tpu.memref_slice %arg23[%dma_start3A_356] : memref<2x!tpu.dma_semaphore, #tpu.memory_space<semaphore_mem>> -> memref<1x!tpu.dma_semaphore, #tpu.memory_space<semaphore_mem>>
    %dma_start3A_364 = tpu.memref_squeeze %dma_start3A_363 : memref<1x!tpu.dma_semaphore, #tpu.memory_space<semaphore_mem>> -> memref<!tpu.dma_semaphore, #tpu.memory_space<semaphore_mem>>
    %dma_start3A_365 = arith.constant 0 : i32
    %dma_start3A_366 = tpu.memref_slice %arg8[%sub3A_48, %dma_start3A_365] : memref<2048x768xf32, #tpu.memory_space<hbm>> -> memref<1x768xf32, #tpu.memory_space<hbm>>
    %dma_start3A_367 = tpu.memref_squeeze %dma_start3A_366 : memref<1x768xf32, #tpu.memory_space<hbm>> -> memref<768xf32, #tpu.memory_space<hbm>>
    %dma_start3A_368 = arith.constant 0 : i32
    %dma_start3A_369 = tpu.memref_slice %arg16[%dma_start3A_355, %dma_start3A_368] : memref<2x768xf32, #tpu.memory_space<vmem>> -> memref<1x768xf32, #tpu.memory_space<vmem>>
    %dma_start3A_370 = tpu.memref_squeeze %dma_start3A_369 : memref<1x768xf32, #tpu.memory_space<vmem>> -> memref<768xf32, #tpu.memory_space<vmem>>
    tpu.enqueue_dma source(%dma_start3A_370 : memref<768xf32, #tpu.memory_space<vmem>>) target(%dma_start3A_367 : memref<768xf32, #tpu.memory_space<hbm>>) target_semaphore(%dma_start3A_364 : memref<!tpu.dma_semaphore, #tpu.memory_space<semaphore_mem>>)
    %add3A_371 = arith.constant 64 : i32
    %add3A_372 = arith.addi %mul3A_2, %add3A_371 : i32
    %sub3A_373 = arith.constant 2 : i32
    %sub3A_374 = arith.subi %add3A_372, %sub3A_373 : i32
    %add3A_375 = arith.constant 0 : i32
    %add3A_376 = arith.addi %sub3A_374, %add3A_375 : i32
    %dma_wait3A_377 = arith.constant 0 : i32
    %dma_wait3A_378 = arith.constant 0 : i32
    %dma_wait3A_379 = tpu.memref_slice %arg14[%dma_wait3A_378] : memref<49152xf32, #tpu.memory_space<vmem>> -> memref<24576xf32, #tpu.memory_space<vmem>>
    %dma_wait3A_380 = arith.constant 0 : i32
    %dma_wait3A_381 = tpu.memref_slice %arg7[%add3A_376, %dma_wait3A_380] : memref<2048x24576xf32, #tpu.memory_space<hbm>> -> memref<1x24576xf32, #tpu.memory_space<hbm>>
    %dma_wait3A_382 = tpu.memref_squeeze %dma_wait3A_381 : memref<1x24576xf32, #tpu.memory_space<hbm>> -> memref<24576xf32, #tpu.memory_space<hbm>>
    %dma_wait3A_383 = tpu.memref_slice %arg22[%dma_wait3A_377] : memref<2x!tpu.dma_semaphore, #tpu.memory_space<semaphore_mem>> -> memref<1x!tpu.dma_semaphore, #tpu.memory_space<semaphore_mem>>
    %dma_wait3A_384 = tpu.memref_squeeze %dma_wait3A_383 : memref<1x!tpu.dma_semaphore, #tpu.memory_space<semaphore_mem>> -> memref<!tpu.dma_semaphore, #tpu.memory_space<semaphore_mem>>
    %dma_wait3A_385 = arith.constant 0 : i32
    %dma_wait3A_386 = tpu.memref_slice %arg7[%add3A_376, %dma_wait3A_385] : memref<2048x24576xf32, #tpu.memory_space<hbm>> -> memref<1x24576xf32, #tpu.memory_space<hbm>>
    %dma_wait3A_387 = tpu.memref_squeeze %dma_wait3A_386 : memref<1x24576xf32, #tpu.memory_space<hbm>> -> memref<24576xf32, #tpu.memory_space<hbm>>
    %dma_wait3A_388 = arith.constant 0 : i32
    %dma_wait3A_389 = tpu.memref_slice %arg14[%dma_wait3A_388] : memref<49152xf32, #tpu.memory_space<vmem>> -> memref<24576xf32, #tpu.memory_space<vmem>>
    tpu.wait_dma2 semaphore(%dma_wait3A_384 : memref<!tpu.dma_semaphore, #tpu.memory_space<semaphore_mem>>) src(%dma_wait3A_389 : memref<24576xf32, #tpu.memory_space<vmem>>) dst(%dma_wait3A_387 : memref<24576xf32, #tpu.memory_space<hbm>>)
    %add3A_390 = arith.constant 64 : i32
    %add3A_391 = arith.addi %mul3A_2, %add3A_390 : i32
    %sub3A_392 = arith.constant 2 : i32
    %sub3A_393 = arith.subi %add3A_391, %sub3A_392 : i32
    %add3A_394 = arith.constant 0 : i32
    %add3A_395 = arith.addi %sub3A_393, %add3A_394 : i32
    %dma_wait3A_396 = arith.constant 0 : i32
    %dma_wait3A_397 = arith.constant 0 : i32
    %dma_wait3A_398 = arith.constant 0 : i32
    %dma_wait3A_399 = tpu.memref_slice %arg16[%dma_wait3A_396, %dma_wait3A_398] : memref<2x768xf32, #tpu.memory_space<vmem>> -> memref<1x768xf32, #tpu.memory_space<vmem>>
    %dma_wait3A_400 = tpu.memref_squeeze %dma_wait3A_399 : memref<1x768xf32, #tpu.memory_space<vmem>> -> memref<768xf32, #tpu.memory_space<vmem>>
    %dma_wait3A_401 = arith.constant 0 : i32
    %dma_wait3A_402 = tpu.memref_slice %arg8[%add3A_395, %dma_wait3A_401] : memref<2048x768xf32, #tpu.memory_space<hbm>> -> memref<1x768xf32, #tpu.memory_space<hbm>>
    %dma_wait3A_403 = tpu.memref_squeeze %dma_wait3A_402 : memref<1x768xf32, #tpu.memory_space<hbm>> -> memref<768xf32, #tpu.memory_space<hbm>>
    %dma_wait3A_404 = tpu.memref_slice %arg23[%dma_wait3A_397] : memref<2x!tpu.dma_semaphore, #tpu.memory_space<semaphore_mem>> -> memref<1x!tpu.dma_semaphore, #tpu.memory_space<semaphore_mem>>
    %dma_wait3A_405 = tpu.memref_squeeze %dma_wait3A_404 : memref<1x!tpu.dma_semaphore, #tpu.memory_space<semaphore_mem>> -> memref<!tpu.dma_semaphore, #tpu.memory_space<semaphore_mem>>
    %dma_wait3A_406 = arith.constant 0 : i32
    %dma_wait3A_407 = tpu.memref_slice %arg8[%add3A_395, %dma_wait3A_406] : memref<2048x768xf32, #tpu.memory_space<hbm>> -> memref<1x768xf32, #tpu.memory_space<hbm>>
    %dma_wait3A_408 = tpu.memref_squeeze %dma_wait3A_407 : memref<1x768xf32, #tpu.memory_space<hbm>> -> memref<768xf32, #tpu.memory_space<hbm>>
    %dma_wait3A_409 = arith.constant 0 : i32
    %dma_wait3A_410 = tpu.memref_slice %arg16[%dma_wait3A_396, %dma_wait3A_409] : memref<2x768xf32, #tpu.memory_space<vmem>> -> memref<1x768xf32, #tpu.memory_space<vmem>>
    %dma_wait3A_411 = tpu.memref_squeeze %dma_wait3A_410 : memref<1x768xf32, #tpu.memory_space<vmem>> -> memref<768xf32, #tpu.memory_space<vmem>>
    tpu.wait_dma2 semaphore(%dma_wait3A_405 : memref<!tpu.dma_semaphore, #tpu.memory_space<semaphore_mem>>) src(%dma_wait3A_411 : memref<768xf32, #tpu.memory_space<vmem>>) dst(%dma_wait3A_408 : memref<768xf32, #tpu.memory_space<hbm>>)
    %add3A_412 = arith.constant 64 : i32
    %add3A_413 = arith.addi %mul3A_2, %add3A_412 : i32
    %sub3A_414 = arith.constant 2 : i32
    %sub3A_415 = arith.subi %add3A_413, %sub3A_414 : i32
    %add3A_416 = arith.constant 1 : i32
    %add3A_417 = arith.addi %sub3A_415, %add3A_416 : i32
    %dma_wait3A_418 = arith.constant 1 : i32
    %dma_wait3A_419 = arith.constant 24576 : i32
    %dma_wait3A_420 = tpu.memref_slice %arg14[%dma_wait3A_419] : memref<49152xf32, #tpu.memory_space<vmem>> -> memref<24576xf32, #tpu.memory_space<vmem>>
    %dma_wait3A_421 = arith.constant 0 : i32
    %dma_wait3A_422 = tpu.memref_slice %arg7[%add3A_417, %dma_wait3A_421] : memref<2048x24576xf32, #tpu.memory_space<hbm>> -> memref<1x24576xf32, #tpu.memory_space<hbm>>
    %dma_wait3A_423 = tpu.memref_squeeze %dma_wait3A_422 : memref<1x24576xf32, #tpu.memory_space<hbm>> -> memref<24576xf32, #tpu.memory_space<hbm>>
    %dma_wait3A_424 = tpu.memref_slice %arg22[%dma_wait3A_418] : memref<2x!tpu.dma_semaphore, #tpu.memory_space<semaphore_mem>> -> memref<1x!tpu.dma_semaphore, #tpu.memory_space<semaphore_mem>>
    %dma_wait3A_425 = tpu.memref_squeeze %dma_wait3A_424 : memref<1x!tpu.dma_semaphore, #tpu.memory_space<semaphore_mem>> -> memref<!tpu.dma_semaphore, #tpu.memory_space<semaphore_mem>>
    %dma_wait3A_426 = arith.constant 0 : i32
    %dma_wait3A_427 = tpu.memref_slice %arg7[%add3A_417, %dma_wait3A_426] : memref<2048x24576xf32, #tpu.memory_space<hbm>> -> memref<1x24576xf32, #tpu.memory_space<hbm>>
    %dma_wait3A_428 = tpu.memref_squeeze %dma_wait3A_427 : memref<1x24576xf32, #tpu.memory_space<hbm>> -> memref<24576xf32, #tpu.memory_space<hbm>>
    %dma_wait3A_429 = arith.constant 24576 : i32
    %dma_wait3A_430 = tpu.memref_slice %arg14[%dma_wait3A_429] : memref<49152xf32, #tpu.memory_space<vmem>> -> memref<24576xf32, #tpu.memory_space<vmem>>
    tpu.wait_dma2 semaphore(%dma_wait3A_425 : memref<!tpu.dma_semaphore, #tpu.memory_space<semaphore_mem>>) src(%dma_wait3A_430 : memref<24576xf32, #tpu.memory_space<vmem>>) dst(%dma_wait3A_428 : memref<24576xf32, #tpu.memory_space<hbm>>)
    %add3A_431 = arith.constant 64 : i32
    %add3A_432 = arith.addi %mul3A_2, %add3A_431 : i32
    %sub3A_433 = arith.constant 2 : i32
    %sub3A_434 = arith.subi %add3A_432, %sub3A_433 : i32
    %add3A_435 = arith.constant 1 : i32
    %add3A_436 = arith.addi %sub3A_434, %add3A_435 : i32
    %dma_wait3A_437 = arith.constant 1 : i32
    %dma_wait3A_438 = arith.constant 1 : i32
    %dma_wait3A_439 = arith.constant 0 : i32
    %dma_wait3A_440 = tpu.memref_slice %arg16[%dma_wait3A_437, %dma_wait3A_439] : memref<2x768xf32, #tpu.memory_space<vmem>> -> memref<1x768xf32, #tpu.memory_space<vmem>>
    %dma_wait3A_441 = tpu.memref_squeeze %dma_wait3A_440 : memref<1x768xf32, #tpu.memory_space<vmem>> -> memref<768xf32, #tpu.memory_space<vmem>>
    %dma_wait3A_442 = arith.constant 0 : i32
    %dma_wait3A_443 = tpu.memref_slice %arg8[%add3A_436, %dma_wait3A_442] : memref<2048x768xf32, #tpu.memory_space<hbm>> -> memref<1x768xf32, #tpu.memory_space<hbm>>
    %dma_wait3A_444 = tpu.memref_squeeze %dma_wait3A_443 : memref<1x768xf32, #tpu.memory_space<hbm>> -> memref<768xf32, #tpu.memory_space<hbm>>
    %dma_wait3A_445 = tpu.memref_slice %arg23[%dma_wait3A_438] : memref<2x!tpu.dma_semaphore, #tpu.memory_space<semaphore_mem>> -> memref<1x!tpu.dma_semaphore, #tpu.memory_space<semaphore_mem>>
    %dma_wait3A_446 = tpu.memref_squeeze %dma_wait3A_445 : memref<1x!tpu.dma_semaphore, #tpu.memory_space<semaphore_mem>> -> memref<!tpu.dma_semaphore, #tpu.memory_space<semaphore_mem>>
    %dma_wait3A_447 = arith.constant 0 : i32
    %dma_wait3A_448 = tpu.memref_slice %arg8[%add3A_436, %dma_wait3A_447] : memref<2048x768xf32, #tpu.memory_space<hbm>> -> memref<1x768xf32, #tpu.memory_space<hbm>>
    %dma_wait3A_449 = tpu.memref_squeeze %dma_wait3A_448 : memref<1x768xf32, #tpu.memory_space<hbm>> -> memref<768xf32, #tpu.memory_space<hbm>>
    %dma_wait3A_450 = arith.constant 0 : i32
    %dma_wait3A_451 = tpu.memref_slice %arg16[%dma_wait3A_437, %dma_wait3A_450] : memref<2x768xf32, #tpu.memory_space<vmem>> -> memref<1x768xf32, #tpu.memory_space<vmem>>
    %dma_wait3A_452 = tpu.memref_squeeze %dma_wait3A_451 : memref<1x768xf32, #tpu.memory_space<vmem>> -> memref<768xf32, #tpu.memory_space<vmem>>
    tpu.wait_dma2 semaphore(%dma_wait3A_446 : memref<!tpu.dma_semaphore, #tpu.memory_space<semaphore_mem>>) src(%dma_wait3A_452 : memref<768xf32, #tpu.memory_space<vmem>>) dst(%dma_wait3A_449 : memref<768xf32, #tpu.memory_space<hbm>>)
    return
  }
}

module attributes {stable_mosaic.version = 14 : i64} {
  func.func @_enc_body(%arg0: i32, %arg1: i32, %arg2: memref<256x768xf32, #tpu.memory_space<vmem>>, %arg3: memref<1x768xf32, #tpu.memory_space<vmem>>, %arg4: memref<2048x768xbf16, #tpu.memory_space<vmem>>, %arg5: memref<1x2048xf32, #tpu.memory_space<vmem>>, %arg6: memref<256x2048xf32, #tpu.memory_space<vmem>>, %arg7: memref<1x256x16xf32, #tpu.memory_space<vmem>>) attributes {dimension_semantics = [#tpu.dimension_semantics<arbitrary>, #tpu.dimension_semantics<arbitrary>], iteration_bounds = array<i64: 12, 8>, scalar_prefetch = 0 : i64, scratch_operands = 0 : i64, tpu.core_type = #tpu.core_type<tc>, window_params = [{transform_indices = @transform_0, window_bounds = array<i64: 256, 768>}, {pipeline_mode = #tpu.pipeline_mode<synchronous>, transform_indices = @transform_1, window_bounds = array<i64: 1, 768>}, {transform_indices = @transform_2, window_bounds = array<i64: 2048, 768>}, {transform_indices = @transform_3, window_bounds = array<i64: 1, 2048>}, {transform_indices = @transform_4, window_bounds = array<i64: 256, 2048>}, {transform_indices = @transform_5, window_bounds = array<i64: 1, 256, 16>}]} {
    %get3A = arith.constant 0 : index
    %get3A_0 = arith.constant 0 : index
    %get3A_1 = vector.load %arg2[%get3A, %get3A_0] : memref<256x768xf32, #tpu.memory_space<vmem>>, vector<256x768xf32>
    %get3A_2 = arith.constant 0 : index
    %get3A_3 = arith.constant 0 : index
    %get3A_4 = vector.load %arg3[%get3A_2, %get3A_3] : memref<1x768xf32, #tpu.memory_space<vmem>>, vector<1x768xf32>
    %sub3A = vector.broadcast %get3A_4 : vector<1x768xf32> to vector<256x768xf32>
    %sub3A_5 = arith.subf %get3A_1, %sub3A : vector<256x768xf32>
    %convert_element_type3A = arith.truncf %sub3A_5 : vector<256x768xf32> to vector<256x768xbf16>
    %get3A_6 = arith.constant 0 : index
    %get3A_7 = arith.constant 0 : index
    %get3A_8 = vector.load %arg4[%get3A_6, %get3A_7] : memref<2048x768xbf16, #tpu.memory_space<vmem>>, vector<2048x768xbf16>
    %dot_general3A = arith.constant dense<0.000000e+00> : vector<256x2048xf32>
    %dot_general3A_9 = tpu.matmul %convert_element_type3A, %get3A_8, %dot_general3A {dimension_numbers = #tpu.dot_dimension_numbers<[1], [1], [0], [0], [0, 0, 1, 0], [], []>, transpose_lhs_hint = false} : vector<256x768xbf16>, vector<2048x768xbf16>, vector<256x2048xf32> -> vector<256x2048xf32>
    %get3A_10 = arith.constant 0 : index
    %get3A_11 = arith.constant 0 : index
    %get3A_12 = vector.load %arg5[%get3A_10, %get3A_11] : memref<1x2048xf32, #tpu.memory_space<vmem>>, vector<1x2048xf32>
    %add3A = vector.broadcast %get3A_12 : vector<1x2048xf32> to vector<256x2048xf32>
    %add3A_13 = arith.addf %dot_general3A_9, %add3A : vector<256x2048xf32>
    %swap3A = arith.constant 0 : index
    %swap3A_14 = arith.constant 0 : index
    %swap3A_15 = vector.load %arg6[%swap3A, %swap3A_14] : memref<256x2048xf32, #tpu.memory_space<vmem>>, vector<256x2048xf32>
    tpu.vector_store %arg6[%swap3A, %swap3A_14], %add3A_13 {strides = array<i32>} : memref<256x2048xf32, #tpu.memory_space<vmem>>, vector<256x2048xf32>,
    %slice3A = vector.extract_strided_slice %add3A_13 {offsets = [0, 0], sizes = [256, 128], strides = [1, 1]} : vector<256x2048xf32> to vector<256x128xf32>
    %reduce_max3A = arith.constant dense<0xFF800000> : vector<256xf32>
    %reduce_max3A_16 = vector.multi_reduction <maximumf>, %slice3A, %reduce_max3A [1] : vector<256x128xf32> to vector<256xf32>
    %broadcast_in_dim3A = vector.shape_cast %reduce_max3A_16 : vector<256xf32> to vector<256x1xf32>
    %slice3A_17 = vector.extract_strided_slice %add3A_13 {offsets = [0, 128], sizes = [256, 128], strides = [1, 1]} : vector<256x2048xf32> to vector<256x128xf32>
    %reduce_max3A_18 = arith.constant dense<0xFF800000> : vector<256xf32>
    %reduce_max3A_19 = vector.multi_reduction <maximumf>, %slice3A_17, %reduce_max3A_18 [1] : vector<256x128xf32> to vector<256xf32>
    %broadcast_in_dim3A_20 = vector.shape_cast %reduce_max3A_19 : vector<256xf32> to vector<256x1xf32>
    %slice3A_21 = vector.extract_strided_slice %add3A_13 {offsets = [0, 256], sizes = [256, 128], strides = [1, 1]} : vector<256x2048xf32> to vector<256x128xf32>
    %reduce_max3A_22 = arith.constant dense<0xFF800000> : vector<256xf32>
    %reduce_max3A_23 = vector.multi_reduction <maximumf>, %slice3A_21, %reduce_max3A_22 [1] : vector<256x128xf32> to vector<256xf32>
    %broadcast_in_dim3A_24 = vector.shape_cast %reduce_max3A_23 : vector<256xf32> to vector<256x1xf32>
    %slice3A_25 = vector.extract_strided_slice %add3A_13 {offsets = [0, 384], sizes = [256, 128], strides = [1, 1]} : vector<256x2048xf32> to vector<256x128xf32>
    %reduce_max3A_26 = arith.constant dense<0xFF800000> : vector<256xf32>
    %reduce_max3A_27 = vector.multi_reduction <maximumf>, %slice3A_25, %reduce_max3A_26 [1] : vector<256x128xf32> to vector<256xf32>
    %broadcast_in_dim3A_28 = vector.shape_cast %reduce_max3A_27 : vector<256xf32> to vector<256x1xf32>
    %slice3A_29 = vector.extract_strided_slice %add3A_13 {offsets = [0, 512], sizes = [256, 128], strides = [1, 1]} : vector<256x2048xf32> to vector<256x128xf32>
    %reduce_max3A_30 = arith.constant dense<0xFF800000> : vector<256xf32>
    %reduce_max3A_31 = vector.multi_reduction <maximumf>, %slice3A_29, %reduce_max3A_30 [1] : vector<256x128xf32> to vector<256xf32>
    %broadcast_in_dim3A_32 = vector.shape_cast %reduce_max3A_31 : vector<256xf32> to vector<256x1xf32>
    %slice3A_33 = vector.extract_strided_slice %add3A_13 {offsets = [0, 640], sizes = [256, 128], strides = [1, 1]} : vector<256x2048xf32> to vector<256x128xf32>
    %reduce_max3A_34 = arith.constant dense<0xFF800000> : vector<256xf32>
    %reduce_max3A_35 = vector.multi_reduction <maximumf>, %slice3A_33, %reduce_max3A_34 [1] : vector<256x128xf32> to vector<256xf32>
    %broadcast_in_dim3A_36 = vector.shape_cast %reduce_max3A_35 : vector<256xf32> to vector<256x1xf32>
    %slice3A_37 = vector.extract_strided_slice %add3A_13 {offsets = [0, 768], sizes = [256, 128], strides = [1, 1]} : vector<256x2048xf32> to vector<256x128xf32>
    %reduce_max3A_38 = arith.constant dense<0xFF800000> : vector<256xf32>
    %reduce_max3A_39 = vector.multi_reduction <maximumf>, %slice3A_37, %reduce_max3A_38 [1] : vector<256x128xf32> to vector<256xf32>
    %broadcast_in_dim3A_40 = vector.shape_cast %reduce_max3A_39 : vector<256xf32> to vector<256x1xf32>
    %slice3A_41 = vector.extract_strided_slice %add3A_13 {offsets = [0, 896], sizes = [256, 128], strides = [1, 1]} : vector<256x2048xf32> to vector<256x128xf32>
    %reduce_max3A_42 = arith.constant dense<0xFF800000> : vector<256xf32>
    %reduce_max3A_43 = vector.multi_reduction <maximumf>, %slice3A_41, %reduce_max3A_42 [1] : vector<256x128xf32> to vector<256xf32>
    %broadcast_in_dim3A_44 = vector.shape_cast %reduce_max3A_43 : vector<256xf32> to vector<256x1xf32>
    %slice3A_45 = vector.extract_strided_slice %add3A_13 {offsets = [0, 1024], sizes = [256, 128], strides = [1, 1]} : vector<256x2048xf32> to vector<256x128xf32>
    %reduce_max3A_46 = arith.constant dense<0xFF800000> : vector<256xf32>
    %reduce_max3A_47 = vector.multi_reduction <maximumf>, %slice3A_45, %reduce_max3A_46 [1] : vector<256x128xf32> to vector<256xf32>
    %broadcast_in_dim3A_48 = vector.shape_cast %reduce_max3A_47 : vector<256xf32> to vector<256x1xf32>
    %slice3A_49 = vector.extract_strided_slice %add3A_13 {offsets = [0, 1152], sizes = [256, 128], strides = [1, 1]} : vector<256x2048xf32> to vector<256x128xf32>
    %reduce_max3A_50 = arith.constant dense<0xFF800000> : vector<256xf32>
    %reduce_max3A_51 = vector.multi_reduction <maximumf>, %slice3A_49, %reduce_max3A_50 [1] : vector<256x128xf32> to vector<256xf32>
    %broadcast_in_dim3A_52 = vector.shape_cast %reduce_max3A_51 : vector<256xf32> to vector<256x1xf32>
    %slice3A_53 = vector.extract_strided_slice %add3A_13 {offsets = [0, 1280], sizes = [256, 128], strides = [1, 1]} : vector<256x2048xf32> to vector<256x128xf32>
    %reduce_max3A_54 = arith.constant dense<0xFF800000> : vector<256xf32>
    %reduce_max3A_55 = vector.multi_reduction <maximumf>, %slice3A_53, %reduce_max3A_54 [1] : vector<256x128xf32> to vector<256xf32>
    %broadcast_in_dim3A_56 = vector.shape_cast %reduce_max3A_55 : vector<256xf32> to vector<256x1xf32>
    %slice3A_57 = vector.extract_strided_slice %add3A_13 {offsets = [0, 1408], sizes = [256, 128], strides = [1, 1]} : vector<256x2048xf32> to vector<256x128xf32>
    %reduce_max3A_58 = arith.constant dense<0xFF800000> : vector<256xf32>
    %reduce_max3A_59 = vector.multi_reduction <maximumf>, %slice3A_57, %reduce_max3A_58 [1] : vector<256x128xf32> to vector<256xf32>
    %broadcast_in_dim3A_60 = vector.shape_cast %reduce_max3A_59 : vector<256xf32> to vector<256x1xf32>
    %slice3A_61 = vector.extract_strided_slice %add3A_13 {offsets = [0, 1536], sizes = [256, 128], strides = [1, 1]} : vector<256x2048xf32> to vector<256x128xf32>
    %reduce_max3A_62 = arith.constant dense<0xFF800000> : vector<256xf32>
    %reduce_max3A_63 = vector.multi_reduction <maximumf>, %slice3A_61, %reduce_max3A_62 [1] : vector<256x128xf32> to vector<256xf32>
    %broadcast_in_dim3A_64 = vector.shape_cast %reduce_max3A_63 : vector<256xf32> to vector<256x1xf32>
    %slice3A_65 = vector.extract_strided_slice %add3A_13 {offsets = [0, 1664], sizes = [256, 128], strides = [1, 1]} : vector<256x2048xf32> to vector<256x128xf32>
    %reduce_max3A_66 = arith.constant dense<0xFF800000> : vector<256xf32>
    %reduce_max3A_67 = vector.multi_reduction <maximumf>, %slice3A_65, %reduce_max3A_66 [1] : vector<256x128xf32> to vector<256xf32>
    %broadcast_in_dim3A_68 = vector.shape_cast %reduce_max3A_67 : vector<256xf32> to vector<256x1xf32>
    %slice3A_69 = vector.extract_strided_slice %add3A_13 {offsets = [0, 1792], sizes = [256, 128], strides = [1, 1]} : vector<256x2048xf32> to vector<256x128xf32>
    %reduce_max3A_70 = arith.constant dense<0xFF800000> : vector<256xf32>
    %reduce_max3A_71 = vector.multi_reduction <maximumf>, %slice3A_69, %reduce_max3A_70 [1] : vector<256x128xf32> to vector<256xf32>
    %broadcast_in_dim3A_72 = vector.shape_cast %reduce_max3A_71 : vector<256xf32> to vector<256x1xf32>
    %slice3A_73 = vector.extract_strided_slice %add3A_13 {offsets = [0, 1920], sizes = [256, 128], strides = [1, 1]} : vector<256x2048xf32> to vector<256x128xf32>
    %reduce_max3A_74 = arith.constant dense<0xFF800000> : vector<256xf32>
    %reduce_max3A_75 = vector.multi_reduction <maximumf>, %slice3A_73, %reduce_max3A_74 [1] : vector<256x128xf32> to vector<256xf32>
    %broadcast_in_dim3A_76 = vector.shape_cast %reduce_max3A_75 : vector<256xf32> to vector<256x1xf32>
    %concatenate3A = tpu.concatenate %broadcast_in_dim3A, %broadcast_in_dim3A_20, %broadcast_in_dim3A_24, %broadcast_in_dim3A_28, %broadcast_in_dim3A_32, %broadcast_in_dim3A_36, %broadcast_in_dim3A_40, %broadcast_in_dim3A_44, %broadcast_in_dim3A_48, %broadcast_in_dim3A_52, %broadcast_in_dim3A_56, %broadcast_in_dim3A_60, %broadcast_in_dim3A_64, %broadcast_in_dim3A_68, %broadcast_in_dim3A_72, %broadcast_in_dim3A_76 in 1 : vector<256x1xf32>, vector<256x1xf32>, vector<256x1xf32>, vector<256x1xf32>, vector<256x1xf32>, vector<256x1xf32>, vector<256x1xf32>, vector<256x1xf32>, vector<256x1xf32>, vector<256x1xf32>, vector<256x1xf32>, vector<256x1xf32>, vector<256x1xf32>, vector<256x1xf32>, vector<256x1xf32>, vector<256x1xf32> -> vector<256x16xf32>
    %swap3A_77 = arith.constant 0 : index
    %swap3A_78 = arith.constant 0 : index
    %swap3A_79 = arith.constant 0 : index
    %swap3A_80 = vector.load %arg7[%swap3A_77, %swap3A_78, %swap3A_79] : memref<1x256x16xf32, #tpu.memory_space<vmem>>, vector<1x256x16xf32>
    %swap3A_81 = vector.shape_cast %swap3A_80 : vector<1x256x16xf32> to vector<256x16xf32>
    %swap3A_82 = vector.shape_cast %concatenate3A : vector<256x16xf32> to vector<1x256x16xf32>
    tpu.vector_store %arg7[%swap3A_77, %swap3A_78, %swap3A_79], %swap3A_82 {strides = array<i32>} : memref<1x256x16xf32, #tpu.memory_space<vmem>>, vector<1x256x16xf32>,
    return
  }
  func.func @transform_0(%arg0: i32, %arg1: i32) -> (i32, i32) {
    %c0_i32 = arith.constant 0 : i32
    %c0_i32_0 = arith.constant 0 : i32
    return %arg1, %c0_i32 : i32, i32
  }
  func.func @transform_1(%arg0: i32, %arg1: i32) -> (i32, i32) {
    %c0_i32 = arith.constant 0 : i32
    %c0_i32_0 = arith.constant 0 : i32
    %c0_i32_1 = arith.constant 0 : i32
    return %c0_i32, %c0_i32_0 : i32, i32
  }
  func.func @transform_2(%arg0: i32, %arg1: i32) -> (i32, i32) {
    %c0_i32 = arith.constant 0 : i32
    %c0_i32_0 = arith.constant 0 : i32
    return %arg0, %c0_i32 : i32, i32
  }
  func.func @transform_3(%arg0: i32, %arg1: i32) -> (i32, i32) {
    %c0_i32 = arith.constant 0 : i32
    %c0_i32_0 = arith.constant 0 : i32
    return %c0_i32, %arg0 : i32, i32
  }
  func.func @transform_4(%arg0: i32, %arg1: i32) -> (i32, i32) {
    %c0_i32 = arith.constant 0 : i32
    return %arg1, %arg0 : i32, i32
  }
  func.func @transform_5(%arg0: i32, %arg1: i32) -> (i32, i32, i32) {
    %c0_i32 = arith.constant 0 : i32
    %c0_i32_0 = arith.constant 0 : i32
    return %arg0, %arg1, %c0_i32 : i32, i32, i32
  }
}

module attributes {stable_mosaic.version = 14 : i64} {
  func.func @_ctop_body(%arg0: i32, %arg1: memref<12x1024x16xf32, #tpu.memory_space<vmem>>, %arg2: memref<1024x32xi32, #tpu.memory_space<vmem>>, %arg3: memref<1024x1xf32, #tpu.memory_space<vmem>>) attributes {dimension_semantics = [#tpu.dimension_semantics<arbitrary>], iteration_bounds = array<i64: 2>, scalar_prefetch = 0 : i64, scratch_operands = 0 : i64, tpu.core_type = #tpu.core_type<tc>, window_params = [{transform_indices = @transform_0, window_bounds = array<i64: 12, 1024, 16>}, {transform_indices = @transform_1, window_bounds = array<i64: 1024, 32>}, {transform_indices = @transform_2, window_bounds = array<i64: 1024, 1>}]} {
    %get3A = arith.constant 0 : index
    %get3A_0 = arith.constant 0 : index
    %get3A_1 = arith.constant 0 : index
    %get3A_2 = vector.load %arg1[%get3A, %get3A_0, %get3A_1] : memref<12x1024x16xf32, #tpu.memory_space<vmem>>, vector<1x1024x16xf32>
    %get3A_3 = vector.shape_cast %get3A_2 : vector<1x1024x16xf32> to vector<1024x16xf32>
    %get3A_4 = arith.constant 1 : index
    %get3A_5 = arith.constant 0 : index
    %get3A_6 = arith.constant 0 : index
    %get3A_7 = vector.load %arg1[%get3A_4, %get3A_5, %get3A_6] : memref<12x1024x16xf32, #tpu.memory_space<vmem>>, vector<1x1024x16xf32>
    %get3A_8 = vector.shape_cast %get3A_7 : vector<1x1024x16xf32> to vector<1024x16xf32>
    %get3A_9 = arith.constant 2 : index
    %get3A_10 = arith.constant 0 : index
    %get3A_11 = arith.constant 0 : index
    %get3A_12 = vector.load %arg1[%get3A_9, %get3A_10, %get3A_11] : memref<12x1024x16xf32, #tpu.memory_space<vmem>>, vector<1x1024x16xf32>
    %get3A_13 = vector.shape_cast %get3A_12 : vector<1x1024x16xf32> to vector<1024x16xf32>
    %get3A_14 = arith.constant 3 : index
    %get3A_15 = arith.constant 0 : index
    %get3A_16 = arith.constant 0 : index
    %get3A_17 = vector.load %arg1[%get3A_14, %get3A_15, %get3A_16] : memref<12x1024x16xf32, #tpu.memory_space<vmem>>, vector<1x1024x16xf32>
    %get3A_18 = vector.shape_cast %get3A_17 : vector<1x1024x16xf32> to vector<1024x16xf32>
    %get3A_19 = arith.constant 4 : index
    %get3A_20 = arith.constant 0 : index
    %get3A_21 = arith.constant 0 : index
    %get3A_22 = vector.load %arg1[%get3A_19, %get3A_20, %get3A_21] : memref<12x1024x16xf32, #tpu.memory_space<vmem>>, vector<1x1024x16xf32>
    %get3A_23 = vector.shape_cast %get3A_22 : vector<1x1024x16xf32> to vector<1024x16xf32>
    %get3A_24 = arith.constant 5 : index
    %get3A_25 = arith.constant 0 : index
    %get3A_26 = arith.constant 0 : index
    %get3A_27 = vector.load %arg1[%get3A_24, %get3A_25, %get3A_26] : memref<12x1024x16xf32, #tpu.memory_space<vmem>>, vector<1x1024x16xf32>
    %get3A_28 = vector.shape_cast %get3A_27 : vector<1x1024x16xf32> to vector<1024x16xf32>
    %get3A_29 = arith.constant 6 : index
    %get3A_30 = arith.constant 0 : index
    %get3A_31 = arith.constant 0 : index
    %get3A_32 = vector.load %arg1[%get3A_29, %get3A_30, %get3A_31] : memref<12x1024x16xf32, #tpu.memory_space<vmem>>, vector<1x1024x16xf32>
    %get3A_33 = vector.shape_cast %get3A_32 : vector<1x1024x16xf32> to vector<1024x16xf32>
    %get3A_34 = arith.constant 7 : index
    %get3A_35 = arith.constant 0 : index
    %get3A_36 = arith.constant 0 : index
    %get3A_37 = vector.load %arg1[%get3A_34, %get3A_35, %get3A_36] : memref<12x1024x16xf32, #tpu.memory_space<vmem>>, vector<1x1024x16xf32>
    %get3A_38 = vector.shape_cast %get3A_37 : vector<1x1024x16xf32> to vector<1024x16xf32>
    %get3A_39 = arith.constant 8 : index
    %get3A_40 = arith.constant 0 : index
    %get3A_41 = arith.constant 0 : index
    %get3A_42 = vector.load %arg1[%get3A_39, %get3A_40, %get3A_41] : memref<12x1024x16xf32, #tpu.memory_space<vmem>>, vector<1x1024x16xf32>
    %get3A_43 = vector.shape_cast %get3A_42 : vector<1x1024x16xf32> to vector<1024x16xf32>
    %get3A_44 = arith.constant 9 : index
    %get3A_45 = arith.constant 0 : index
    %get3A_46 = arith.constant 0 : index
    %get3A_47 = vector.load %arg1[%get3A_44, %get3A_45, %get3A_46] : memref<12x1024x16xf32, #tpu.memory_space<vmem>>, vector<1x1024x16xf32>
    %get3A_48 = vector.shape_cast %get3A_47 : vector<1x1024x16xf32> to vector<1024x16xf32>
    %get3A_49 = arith.constant 10 : index
    %get3A_50 = arith.constant 0 : index
    %get3A_51 = arith.constant 0 : index
    %get3A_52 = vector.load %arg1[%get3A_49, %get3A_50, %get3A_51] : memref<12x1024x16xf32, #tpu.memory_space<vmem>>, vector<1x1024x16xf32>
    %get3A_53 = vector.shape_cast %get3A_52 : vector<1x1024x16xf32> to vector<1024x16xf32>
    %get3A_54 = arith.constant 11 : index
    %get3A_55 = arith.constant 0 : index
    %get3A_56 = arith.constant 0 : index
    %get3A_57 = vector.load %arg1[%get3A_54, %get3A_55, %get3A_56] : memref<12x1024x16xf32, #tpu.memory_space<vmem>>, vector<1x1024x16xf32>
    %get3A_58 = vector.shape_cast %get3A_57 : vector<1x1024x16xf32> to vector<1024x16xf32>
    %concatenate3A = tpu.concatenate %get3A_3, %get3A_8, %get3A_13, %get3A_18, %get3A_23, %get3A_28, %get3A_33, %get3A_38, %get3A_43, %get3A_48, %get3A_53, %get3A_58 in 1 : vector<1024x16xf32>, vector<1024x16xf32>, vector<1024x16xf32>, vector<1024x16xf32>, vector<1024x16xf32>, vector<1024x16xf32>, vector<1024x16xf32>, vector<1024x16xf32>, vector<1024x16xf32>, vector<1024x16xf32>, vector<1024x16xf32>, vector<1024x16xf32> -> vector<1024x192xf32>
    %iota3A = tpu.iota {dimensions = array<i32: 1>} : vector<1024x192xi32>
    %iota3A_59 = tpu.iota {dimensions = array<i32: 1>} : vector<1024x32xi32>
    %broadcast_in_dim3A = arith.constant 0 : i32
    %broadcast_in_dim3A_60 = vector.broadcast %broadcast_in_dim3A : i32 to vector<1024x32xi32>
    %scan3A = arith.constant 0 : i32
    %scan3A_61 = arith.constant 32 : i32
    %scan3A_62 = arith.addi %scan3A, %scan3A_61 : i32
    %scan3A_63 = arith.constant 1 : i32
    %scan3A_64:2 = scf.for %scan3A_81 = %scan3A to %scan3A_62 step %scan3A_63 iter_args(%scan3A_82 = %concatenate3A, %scan3A_83 = %broadcast_in_dim3A_60) -> (vector<1024x192xf32>, vector<1024x32xi32>)  : i32 {
      %reduce_max3A = arith.constant dense<0xFF800000> : vector<1024xf32>
      %reduce_max3A_84 = vector.multi_reduction <maximumf>, %scan3A_82, %reduce_max3A [1] : vector<1024x192xf32> to vector<1024xf32>
      %broadcast_in_dim3A_85 = vector.shape_cast %reduce_max3A_84 : vector<1024xf32> to vector<1024x1xf32>
      %eq3A = vector.broadcast %broadcast_in_dim3A_85 : vector<1024x1xf32> to vector<1024x192xf32>
      %eq3A_86 = arith.cmpf oeq, %scan3A_82, %eq3A : vector<1024x192xf32>
      %jit3A = arith.constant 192 : i32
      %broadcast_in_dim3A_87 = vector.broadcast %jit3A : i32 to vector<1024x192xi32>
      %select_n3A = arith.select %eq3A_86, %iota3A, %broadcast_in_dim3A_87 : vector<1024x192xi1>, vector<1024x192xi32>
      %reduce_min3A = arith.constant dense<2147483647> : vector<1024xi32>
      %reduce_min3A_88 = vector.multi_reduction <minsi>, %select_n3A, %reduce_min3A [1] : vector<1024x192xi32> to vector<1024xi32>
      %broadcast_in_dim3A_89 = vector.shape_cast %reduce_min3A_88 : vector<1024xi32> to vector<1024x1xi32>
      %eq3A_90 = vector.broadcast %broadcast_in_dim3A_89 : vector<1024x1xi32> to vector<1024x192xi32>
      %eq3A_91 = arith.cmpi eq, %iota3A, %eq3A_90 : vector<1024x192xi32>
      %jit3A_92 = arith.constant 0xFF800000 : f32
      %broadcast_in_dim3A_93 = vector.broadcast %jit3A_92 : f32 to vector<1024x192xf32>
      %select_n3A_94 = arith.select %eq3A_91, %broadcast_in_dim3A_93, %scan3A_82 : vector<1024x192xi1>, vector<1024x192xf32>
      %eq3A_95 = vector.broadcast %scan3A_81 : i32 to vector<1024x32xi32>
      %eq3A_96 = arith.cmpi eq, %iota3A_59, %eq3A_95 : vector<1024x32xi32>
      %broadcast_in_dim3A_97 = vector.shape_cast %broadcast_in_dim3A_89 : vector<1024x1xi32> to vector<1024x1xi32>
      %broadcast_in_dim3A_98 = vector.broadcast %broadcast_in_dim3A_97 : vector<1024x1xi32> to vector<1024x32xi32>
      %select_n3A_99 = arith.select %eq3A_96, %broadcast_in_dim3A_98, %scan3A_83 : vector<1024x32xi1>, vector<1024x32xi32>
      %swap3A_100 = arith.constant 0 : index
      %swap3A_101 = arith.constant 0 : index
      %swap3A_102 = vector.load %arg3[%swap3A_100, %swap3A_101] : memref<1024x1xf32, #tpu.memory_space<vmem>>, vector<1024x1xf32>
      tpu.vector_store %arg3[%swap3A_100, %swap3A_101], %broadcast_in_dim3A_85 {strides = array<i32>} : memref<1024x1xf32, #tpu.memory_space<vmem>>, vector<1024x1xf32>,
      scf.yield %select_n3A_94, %select_n3A_99 : vector<1024x192xf32>, vector<1024x32xi32>
    }
    %scan3A_65 = arith.constant 32 : i32
    %scan3A_66 = arith.constant 0 : i32
    %scan3A_67 = arith.constant 32 : i32
    %scan3A_68 = arith.addi %scan3A_66, %scan3A_67 : i32
    %scan3A_69 = arith.constant 1 : i32
    %scan3A_70:2 = scf.for %scan3A_81 = %scan3A_66 to %scan3A_68 step %scan3A_69 iter_args(%scan3A_82 = %scan3A_64#1, %scan3A_83 = %scan3A_64#1) -> (vector<1024x32xi32>, vector<1024x32xi32>)  : i32 {
      %reduce_min3A = arith.constant dense<2147483647> : vector<1024xi32>
      %reduce_min3A_84 = vector.multi_reduction <minsi>, %scan3A_82, %reduce_min3A [1] : vector<1024x32xi32> to vector<1024xi32>
      %broadcast_in_dim3A_85 = vector.shape_cast %reduce_min3A_84 : vector<1024xi32> to vector<1024x1xi32>
      %eq3A = vector.broadcast %scan3A_81 : i32 to vector<1024x32xi32>
      %eq3A_86 = arith.cmpi eq, %iota3A_59, %eq3A : vector<1024x32xi32>
      %broadcast_in_dim3A_87 = vector.shape_cast %broadcast_in_dim3A_85 : vector<1024x1xi32> to vector<1024x1xi32>
      %broadcast_in_dim3A_88 = vector.broadcast %broadcast_in_dim3A_87 : vector<1024x1xi32> to vector<1024x32xi32>
      %select_n3A = arith.select %eq3A_86, %broadcast_in_dim3A_88, %scan3A_83 : vector<1024x32xi1>, vector<1024x32xi32>
      %eq3A_89 = vector.broadcast %broadcast_in_dim3A_85 : vector<1024x1xi32> to vector<1024x32xi32>
      %eq3A_90 = arith.cmpi eq, %scan3A_82, %eq3A_89 : vector<1024x32xi32>
      %jit3A = arith.constant 192 : i32
      %broadcast_in_dim3A_91 = vector.broadcast %jit3A : i32 to vector<1024x32xi32>
      %select_n3A_92 = arith.select %eq3A_90, %broadcast_in_dim3A_91, %scan3A_82 : vector<1024x32xi1>, vector<1024x32xi32>
      scf.yield %select_n3A_92, %select_n3A : vector<1024x32xi32>, vector<1024x32xi32>
    }
    %scan3A_71 = arith.constant 32 : i32
    %iota3A_72 = tpu.iota {dimensions = array<i32: 0>} : vector<1024x32xi32>
    %mul3A = arith.constant 1024 : i32
    %mul3A_73 = arith.muli %arg0, %mul3A : i32
    %add3A = vector.broadcast %mul3A_73 : i32 to vector<1024x32xi32>
    %add3A_74 = arith.addi %iota3A_72, %add3A : vector<1024x32xi32>
    %mul3A_75 = arith.constant 192 : i32
    %mul3A_76 = vector.broadcast %mul3A_75 : i32 to vector<1024x32xi32>
    %mul3A_77 = arith.muli %add3A_74, %mul3A_76 : vector<1024x32xi32>
    %add3A_78 = arith.addi %scan3A_70#1, %mul3A_77 : vector<1024x32xi32>
    %swap3A = arith.constant 0 : index
    %swap3A_79 = arith.constant 0 : index
    %swap3A_80 = vector.load %arg2[%swap3A, %swap3A_79] : memref<1024x32xi32, #tpu.memory_space<vmem>>, vector<1024x32xi32>
    tpu.vector_store %arg2[%swap3A, %swap3A_79], %add3A_78 {strides = array<i32>} : memref<1024x32xi32, #tpu.memory_space<vmem>>, vector<1024x32xi32>,
    return
  }
  func.func @transform_0(%arg0: i32) -> (i32, i32, i32) {
    %c0_i32 = arith.constant 0 : i32
    %c0_i32_0 = arith.constant 0 : i32
    %c0_i32_1 = arith.constant 0 : i32
    return %c0_i32, %arg0, %c0_i32_0 : i32, i32, i32
  }
  func.func @transform_1(%arg0: i32) -> (i32, i32) {
    %c0_i32 = arith.constant 0 : i32
    %c0_i32_0 = arith.constant 0 : i32
    return %arg0, %c0_i32 : i32, i32
  }
  func.func @transform_2(%arg0: i32) -> (i32, i32) {
    %c0_i32 = arith.constant 0 : i32
    %c0_i32_0 = arith.constant 0 : i32
    return %arg0, %c0_i32 : i32, i32
  }
}

</mosaic_0001>

<sc_bundles>
// kernel: kernel.5.cloned.1.call-start
scs
__scs_entry_jumppad:
0x0: {  	(pc) =	sbr.rel $0x88, $3  }
0x1: {  	(tag) =	ssettag $0x0;
	lr =	simm.s32 $0x1  }
0x2: {  	[smem:$0x3F9B] =	sst lr;
	_ =	strace $0xD0000000  }
0x3: {  	_ = 	snop  }
0x4: {  	_ = 	snop  }
0x5: {  	_ = 	snop  }
0x6: {  	_ = 	snop  }
0x7: {  	_ = 	snop  }
__scs_overlays_trampoline_lowered:
0x8: {  	[smem:$0x3FAA] =	sst s0  }
0x9: {  	[smem:$0x3FAB] =	sst s1  }
0xa: {  	[smem:$0x3FAC] =	sst s2  }
0xb: {  	[smem:$0x3FAD] =	sst s3  }
0xc: {  	[smem:$0x3FAE] =	sst s4  }
0xd: {  	[smem:$0x3FAF] =	sst s5  }
0xe: {  	[smem:$0x3FB0] =	sst s6  }
0xf: {  	[smem:$0x3FB1] =	sst s7  }
0x10: {  	[smem:$0x3FB2] =	sst s8  }
0x11: {  	[smem:$0x3FB3] =	sst s9;
	s0 =	simm.s32 @!p0 $0x0  }
0x12: {  	s1 =	sld [smem:$0x3F99];
	s0 =	simm.s32 @p0 $0x1  }
0x13: {  	[smem:$0x3FB4] =	sst s0;
	s0 =	simm.s32 @!p1 $0x0  }
0x14: {  	s2 =	sld [smem:$0x3F98];
	s0 =	simm.s32 @p1 $0x1  }
0x15: {  	[smem:$0x3FB5] =	sst s0;
	s0 =	simm.s32 @!p2 $0x0  }
0x16: {  	s3 =	sld [smem:$0x3FDB];
	s0 =	simm.s32 @p2 $0x1  }
0x17: {  	s4 =	simm.s32 $0x1BF5;
	[smem:$0x3FB7] =	sst s0  }
0x18: {  	s0 =	sld [smem:$0x3F9A];
	_ =	swait.ge [sflag:s4], $0x0  }
0x19: {  	s7 =	sld [smem:$0x3F9B]  }
0x1a: {  	s8 =	sadd.s32 $0xFFFFE003, lr  }
0x1b: {  	s9 =	sadd.s32 $0xFFFFFEF7, lr;
	s5 =	simm.s32 $0xFFFFFFFF;
	p2 =	slt.u32 s8, $0xFFFFF086  }
0x1c: {  	p1 =	slt.u32 s9, $0xF7A;
	s5 =	simm.s32 @!p2 $0x0  }
0x1d: {  	s5 =	simm.s32 @p1 $0x1;
	p0 =	seq.s32 s7, s2  }
0x1e: {  	s7 =	smul.u32 @!p0 $0xF7A, s2;
	p2 =	seq.s32 @!p0 s5, $0x0  }
0x1f: {  	s9 =	smul.u32 $0xF7A, s1;
	s8 =	simm.s32 @!p0 $0x1BF5;
	p2 =	por !p2, p0  }
0x20: {  	[sflag:s8] =	ssyncset.s32 @!p0 $0xFFFFF086;
	s6 =	sadd.s32 @!p0 s3, s7;
	s7 =	simm.s32 @!p0 $0x108  }
0x21: {  	s3 =	sadd.s32 s3, s9;
	s6 =	sadd.s32 @!p0 $0x88, s6;
	s7 =	simm.s32 @p2 $0x1082  }
0x22: {  	[simem:s7], [sflag:s8] =	dma.local @!p0 [hbm:s6], $0xF7A  }
0x23: {  	s9 =	sor.u32 $0xD0000000, s2;
	s6 =	simm.s32 $0x108;
	_ =	swait.ge @!p0 [sflag:s8], $0x0  }
0x24: {  	s3 =	sadd.s32 $0x88, s3;
	s6 =	simm.s32 @!p1 $0x1082;
	[sflag:s4] =	ssyncset.s32 $0xFFFFF086  }
0x25: {  	[simem:s6], [sflag:s4] =	dma.local [hbm:s3], $0xF7A  }
0x26: {  	[smem:$0x3F9B] =	sst s1;
	(tag) =	ssettag s2;
	_ =	strace s9  }
0x27: {  	s1 =	sld [smem:$0x3FAB]  }
0x28: {  	s2 =	sld [smem:$0x3FAC]  }
0x29: {  	s4 =	sld [smem:$0x3FAE]  }
0x2a: {  	p0 =	seq.s32 s5, $0x0;
	s5 =	sld [smem:$0x3FAF]  }
0x2b: {  	s6 =	sld [smem:$0x3FB0]  }
0x2c: {  	s7 =	sld [smem:$0x3FB1]  }
0x2d: {  	s3 =	simm.s32 $0x108;
	s8 =	sld [smem:$0x3FB2]  }
0x2e: {  	s3 =	simm.s32 @!p0 $0x1082;
	s9 =	sld [smem:$0x3FB3]  }
0x2f: {  	lr =	sadd.s32 s0, s3;
	s0 =	sld [smem:$0x3FAA]  }
0x30: {  	s3 =	sld [smem:$0x3FAD]  }
0x31: {  	[smem:$0x3FB6] =	sst s10  }
0x32: {  	s10 =	sld [smem:$0x3FB4];
	_ =	sdelay $0x3  }
0x33: {  	p0 =	seq.s32 s10, $0x1;
	s10 =	sld [smem:$0x3FB6];
	_ =	sdelay $0x3  }
0x34: {  	[smem:$0x3FB6] =	sst s10  }
0x35: {  	s10 =	sld [smem:$0x3FB5];
	_ =	sdelay $0x3  }
0x36: {  	p1 =	seq.s32 s10, $0x1;
	s10 =	sld [smem:$0x3FB6];
	_ =	sdelay $0x3  }
0x37: {  	[smem:$0x3FB6] =	sst s10  }
0x38: {  	s10 =	sld [smem:$0x3FB7]  }
0x39: {  	_ = 	snop;
	(pc) =	sbr.ind lr, $3  }
0x3a: {  	_ = 	snop  }
0x3b: {  	_ = 	snop  }
0x3c: {  	p2 =	seq.s32 s10, $0x1;
	s10 =	sld [smem:$0x3FB6]  }
0x3d: {  	_ =	shalt  }
0x3e: {  	_ =	shalt  }
0x3f: {  	_ =	shalt  }
0x40: {  	_ =	shalt  }
0x41: {  	_ =	shalt  }
0x42: {  	_ =	shalt  }
0x43: {  	_ =	shalt  }
0x44: {  	_ =	shalt  }
0x45: {  	_ =	shalt  }
0x46: {  	_ =	shalt  }
0x47: {  	_ =	shalt  }
0x48: {  	_ =	shalt  }
0x49: {  	_ =	shalt  }
0x4a: {  	_ =	shalt  }
0x4b: {  	_ =	shalt  }
0x4c: {  	_ =	shalt  }
0x4d: {  	_ =	shalt  }
0x4e: {  	_ =	shalt  }
0x4f: {  	_ =	shalt  }
0x50: {  	_ =	shalt  }
0x51: {  	_ =	shalt  }
0x52: {  	_ =	shalt  }
0x53: {  	_ =	shalt  }
0x54: {  	_ =	shalt  }
0x55: {  	_ =	shalt  }
0x56: {  	_ =	shalt  }
0x57: {  	_ =	shalt  }
0x58: {  	_ =	shalt  }
0x59: {  	_ =	shalt  }
0x5a: {  	_ =	shalt  }
0x5b: {  	_ =	shalt  }
0x5c: {  	_ =	shalt  }
0x5d: {  	_ =	shalt  }
0x5e: {  	_ =	shalt  }
0x5f: {  	_ =	shalt  }
0x60: {  	_ =	shalt  }
0x61: {  	_ =	shalt  }
0x62: {  	_ =	shalt  }
0x63: {  	_ =	shalt  }
0x64: {  	_ =	shalt  }
0x65: {  	_ =	shalt  }
0x66: {  	_ =	shalt  }
0x67: {  	_ =	shalt  }
0x68: {  	_ =	shalt  }
0x69: {  	_ =	shalt  }
0x6a: {  	_ =	shalt  }
0x6b: {  	_ =	shalt  }
0x6c: {  	_ =	shalt  }
0x6d: {  	_ =	shalt  }
0x6e: {  	_ =	shalt  }
0x6f: {  	_ =	shalt  }
0x70: {  	_ =	shalt  }
0x71: {  	_ =	shalt  }
0x72: {  	_ =	shalt  }
0x73: {  	_ =	shalt  }
0x74: {  	_ =	shalt  }
0x75: {  	_ =	shalt  }
0x76: {  	_ =	shalt  }
0x77: {  	_ =	shalt  }
0x78: {  	_ =	shalt  }
0x79: {  	_ =	shalt  }
0x7a: {  	_ =	shalt  }
0x7b: {  	_ =	shalt  }
0x7c: {  	_ =	shalt  }
0x7d: {  	_ =	shalt  }
0x7e: {  	_ =	shalt  }
0x7f: {  	_ =	shalt  }
0x80: {  	_ =	shalt  }
0x81: {  	_ =	shalt  }
0x82: {  	_ =	shalt  }
0x83: {  	_ =	shalt  }
0x84: {  	_ =	shalt  }
0x85: {  	_ =	shalt  }
0x86: {  	_ =	shalt  }
0x87: {  	_ =	shalt  }
.Lfunc_end0:
.L_simem_size_0:
called_computation_lowered:
.L_overlay_start_0:
0x88: {  	s2 =	sld [smem:$0x3FD9]  }
0x89: {  	s3 =	sld [smem:$0x3FFE];
	_ =	sdelay $0x1  }
0x8a: {  	s1 =	srdreg.scid  }
0x8b: {  	s0 =	sand.u32 $0x1, s1  }
0x8c: {  	s14 =	sshll.u32 s0, $0xA;
	s2 =	sadd.s32 s3, s2  }
0x8d: {  	s2 =	sadd.s32 s2, s14  }
0x8e: {  	[smem:$0x3FC2] =	sst s2  }
0x8f: {  	_ = 	snop  }
0x90: {  	s2 =	sld [smem:$0x3FD0];
	_ =	sdelay $0x2  }
0x91: {  	s15 =	simm.s32 $0xA;
	s4 =	simm.s32 $0x10  }
0x92: {  	[smem:s4], [sflag:s15] =	dma.local [hbm:s2], $0x1  }
0x93: {  	_ =	swait.eq [sflag:s15], $0x1  }
0x94: {  	[sflag:s15] =	ssyncset.done $0x0  }
0x95: {  	s16 =	sld [smem:$0x11];
	[sflag:s15] =	ssyncadd.s32 $0xFFFFFFFF  }
0x96: {  	s17 =	sld [smem:$0x12];
	(tm) =	ssettm $0x1  }
0x97: {  	s18 =	sld [smem:$0x3FFB];
	_ =	sdelay $0x3  }
0x98: {  	_ =	strace s18  }
0x99: {  	s4 =	sld [smem:$0x3FFC];
	_ =	sdelay $0x3  }
0x9a: {  	_ =	strace s4  }
0x9b: {  	s4 =	sld [smem:$0x3FFD];
	_ =	sdelay $0x3  }
0x9c: {  	_ =	strace s4  }
0x9d: {  	_ =	strace $0x8FFFFFFF  }
0x9e: {  	s19 =	sld [smem:$0x3FDB];
	_ =	sdelay $0x1  }
0x9f: {  	s5 =	simm.s32 $_scs_section_size  }
0xa0: {  	s6 =	simm.s32 $_size__tile_overlayer_lowered;
	s7 =	simm.s32 $_tile_overlayer_lowered  }
0xa1: {  	s22 =	simm.s32 $0x1BFF;
	s21 =	sshll.u32 s7, $0x1;
	s4 =	sadd.s32 s5, s19  }
0xa2: {  	s8 =	simm.s32 $0x0;
	s20 =	sshll.u32 s6, $0x1;
	s6 =	sadd.s32 s21, s4  }
0xa3: {  	[timem:s8], [sflag:s22] =	dma.local [hbm:s6], s20  }
0xa4: {  	_ =	swait.ge [sflag:s22], s20  }
0xa5: {  	s5 =	ssub.s32 $0x0, s20;
	[sflag:s22] =	ssyncset.done $0x0  }
0xa6: {  	[sflag:s22] =	ssyncadd.s32 s5;
	_ =	sdelay $0x1  }
0xa7: {  	s23 =	simm.s32 $0x1B8B  }
0xa8: {  	_ =	swait.ge [sflag:s23], $0x1  }
0xa9: {  	[sflag:s23] =	ssyncset.done $0x0  }
0xaa: {  	s25 =	simm.s32 $0x1B8E;
	s24 =	sld [smem:$0x3FFE];
	[sflag:s23] =	ssyncadd.s32 $0xFFFFFFFF  }
0xab: {  	s26 =	simm.s32 $execute0_lowered;
	[smem:$0x3FD2] =	sst s25  }
0xac: {  	s6 =	sshll.u32 s26, $0x1;
	_ =	strace $0x80000046;
	[dreg:$0x1] =	wrdreg $0xFFFFFFFF  }
0xad: {  	s28 =	simm.s32 $_size_execute0_lowered;
	s4 =	sadd.s32 s4, s6;
	[dreg:$0x0] =	wrdreg $0x0  }
0xae: {  	s6 =	sshll.u32 s28, $0x1;
	[dreg:$0x2] =	wrdreg s4  }
0xaf: {  	[dreg:$0x3] =	wrdreg s6  }
0xb0: {  	[dreg:$0x4] =	wrdreg $0xC0  }
0xb1: {  	_ =	task [dreg:s8], $0x5FFFF  }
0xb2: {  	[dreg:$0x1] =	wrdreg $0xFFFFFFFF  }
0xb3: {  	[dreg:$0x0] =	wrdreg $0x60  }
0xb4: {  	[dreg:$0x2] =	wrdreg s24  }
0xb5: {  	[dreg:$0x3] =	wrdreg s16  }
0xb6: {  	[dreg:$0x4] =	wrdreg s17  }
0xb7: {  	[dreg:$0x5] =	wrdreg $0x9  }
0xb8: {  	_ =	task.clear_ibuf [dreg:s8], $0x6FFFF;
	_ =	strace $0x90000046  }
0xb9: {  	s29 =	simm.s32 $0x9;
	_ =	strace $0x80000048  }
0xba: {  	_ =	swait.ge [sflag:s29], $0x1  }
0xbb: {  	[sflag:s29] =	ssyncadd.s32 $0xFFFFFFFF  }
0xbc: {  	_ =	strace $0x90000048  }
0xbd: {  	_ =	sfence  }
0xbe: {  	s30 =	sld [smem:$0x0];
	_ =	sdelay $0x2  }
0xbf: {  	s31 =	sshll.u32 s1, $0xD;
	s1 =	sshrl.u32 s1, $0x2  }
0xc0: {  	s3 =	sand.u32 $0x4000, s31;
	s1 =	sadd.s32 s1, s30  }
0xc1: {  	s0 =	sor.u32 s3, s0;
	s1 =	sshll.u32 s1, $0x11  }
0xc2: {  	s0 =	sor.u32 s1, s0  }
0xc3: {  	s0 =	sadd.s32 $0x8F2B, s0  }
0xc4: {  	[sflag:s0] =	ssyncadd.remote.s32 $0x1  }
0xc5: {  	_ =	sfence.sel $0xFFFF  }
0xc6: {  	[dreg:$0x0] =	wrdreg $0xFFFFFFFF;
	(pc) =	sbr.abs _section_cstart, $3  }
0xc7: {  	[dreg:$0x1] =	wrdreg $0xFFFFFFFF  }
0xc8: {  	_ =	task.clear_ibuf [dreg:s8], $0x2FFFF;
	_ =	strace $0x9FFFFFFF  }
0xc9: {  	(tm) =	ssettm $0x7FFFFFFF  }
tec
execute0_lowered:
.L_overlay_start_1:
0x0: {  	(tag) =	ssettag $0x1  }
0x1: {  	s0 =	rddreg [dreg:$0x0]  }
0x2: {  	s10 =	rddreg [dreg:$0x2]  }
0x3: {  	s1 =	srdreg.scid;
	s2 =	stileid.u32;
	s4 =	simm.s32 $0x0  }
0x4: {  	s22 =	simm.s32 $0x4080;
	s23 =	simm.s32 $0x5100;
	s24 =	simm.s32 $0x1E880  }
0x5: {  	s25 =	simm.s32 $0x1E900;
	s1 =	sand.u32 $0x1, s1;
	s2 =	sshll.u32 s2, $0x7  }
0x6: {  	[smem:$0x7FF] =	sst s4;
	s6 =	sadd.s32 $0x249600, s0;
	s7 =	sadd.s32 $0x1600, s0  }
0x7: {  	s11 =	sadd.s32 $0x1400, s0;
	s12 =	sadd.s32 $0x1800, s0;
	s3 =	sshll.u32 s1, $0x6  }
0x8: {  	_ =	strace $0x80000047;
	s1 =	ssub.s32 $0x2, s1;
	s5 =	sor.u32 s3, s2  }
0x9: {  	s9 =	sshrl.u32 s1, $0x1;
	s2 =	sshll.u32 s5, $0x4;
	s3 =	sshrl.u32 s5, $0x3  }
0xa: {  	v1 =	vlaneseq.u32;
	s1 =	ssub.s32 s1, s9;
	s8 =	sadd.s32 s3, s0;
	s3 =	smul.u32 $0x1800, s3  }
0xb: {  	v4 =	vshrl.u32 v1, $0x3;
	[dreg:$0x5] =	wrdreg s11;
	s2 =	sadd.s32 s2, s0;
	s31 =	smax.u32 s1, $0x1  }
0xc: {  	v5 =	vand.u32 $0x7, v1;
	v4 =	vmul.u32 $0x8, v4;
	s2 =	sadd.s32 $0x241600, s2;
	[dreg:$0x9] =	wrdreg s31;
	s29 =	sshrl.u32 s3, $0x3  }
0xd: {  	[tilespmem:$0x1FFD0] =	vst v5;
	s28 =	sadd.s32 $0x849600, s8;
	[dreg:$0x6] =	wrdreg s2;
	s30 =	sadd.s32 s10, s29  }
0xe: {  	v0 =	vimm.f32 $0.0e+00;
	s11 =	sadd.s32 $0x1700, s0;
	[tilespmem:$0x1FFE0] =	vst v4;
	v4 =	vor.u32 $0x8, v1;
	[dreg:$0x7] =	wrdreg s28;
	s0 =	sadd.s32 $0x1570, s30  }
0xf: {  	s26 =	simm.s32 $0x6180;
	v2 =	vimm.s32 $0x0;
	v3 =	vimm.f32 $-Inf;
	vm0 =	vmmov $0xffff;
	[tilespmem:$0x1FFF0] =	vst v4;
	s2 =	simm.s32 $0x0;
	[dreg:$0x8] =	wrdreg s0  }
.LBB2_1:
0x10: {  	[dreg:$0xa] =	wrdreg s2  }
0x11: {  	s0 =	rddreg [dreg:$0x6];
	s1 =	simm.s32 $0x9  }
0x12: {  	[tilespmem:s4], [sflag:$0x9] =	stream.linear.gather [hbm4b:s0+s4], $0x2000, $0x38;
	[tilespmem:$0x1EC80] =	vst v63  }
0x13: {  	_ =	swait.ge [sflag:s1], $0x2000  }
0x14: {  	[sflag:s1] =	ssyncset.done $0x0  }
0x15: {  	s29 =	simm.s32 $0x2000;
	s28 =	rddreg [dreg:$0x7];
	[sflag:s1] =	ssyncadd.s32 $0xFFFFE000  }
0x16: {  	[tilespmem:s29], [sflag:$0x9] =	stream.linear.gather [hbm4b:s28+s4], $0x50, $0x38;
	[tilespmem:$0x1EC80] =	vst v63  }
0x17: {  	_ =	swait.ge [sflag:s1], $0x50  }
0x18: {  	[sflag:s1] =	ssyncset.done $0x0  }
0x19: {  	s31 =	simm.s32 $0x1E980;
	s30 =	rddreg [dreg:$0x5];
	[sflag:s1] =	ssyncadd.s32 $0xFFFFFFB0  }
0x1a: {  	[tilespmem:s31], [sflag:$0x9] =	stream.linear.gather [hbm4b:s30+s4], $0x300, $0x38;
	[tilespmem:$0x1EC80] =	vst v63  }
0x1b: {  	_ =	swait.ge [sflag:s1], $0x300  }
0x1c: {  	[sflag:s1] =	ssyncset.done $0x0  }
0x1d: {  	s0 =	simm.s32 $0x40;
	[sflag:s1] =	ssyncadd.s32 $0xFFFFFD00;
	s1 =	simm.s32 $0x0  }
.LBB2_2:
0x1e: {  	p0 =	sne.s32 s0, $0x2FFC0;
	[tilespmem:s1+$0x6180] =	vst v0;
	s1 =	smov.u32 s0;
	s0 =	sadd.s32 $0x40, s0  }
.Ltmp0:
0x1f: {  	(pc) =	sbr.rel @p0 .LBB2_2-.Ltmp0, $2  }
0x20: {  	_ =	sdelay $0x2  }
0x21: {  	s1 =	sshra.s32 s1, $0x2  }
.Ltmp1:
0x22: {  	[tilespmem:s1+$0x6180] =	vst v0;
	s1 =	simm.s32 $0x0;
	(pc) =	sbr.rel .LBB2_4-.Ltmp1, $4  }
0x23: {  	s0 =	simm.s32 $0x20;
	s2 =	simm.s32 $0x2080;
	s31 =	simm.s32 $0x80  }
0x24: {  	[tilespmem:s2], [sflag:$0x1] =	stream.indirect.gather [hbm4b:s6+s0], $0x80, s1, s0, $0xb8;
	[tilespmem:$0x1EC80] =	vst v63  }
0x25: {  	s3 =	simm.s32 $0x3080;
	p0 =	por $0x1, $0x1;
	s16 =	simm.s32 $0x0  }
0x26: {  	[tilespmem:s3], [sflag:$0x2] =	stream.indirect.gather [hbm4b:s6+s0], $0x80, s31, s0, $0xb8;
	[tilespmem:$0x1EC80] =	vst v63  }
.LBB2_25:
0x27: {  	s16 =	sadd.s32 $0x1, s16  }
0x28: {  	p1 =	sne.s32 s16, $0x40  }
.Ltmp2:
0x29: {  	_ = 	snop;
	(pc) =	sbr.rel @!p1 .LBB2_26-.Ltmp2, $2  }
0x2a: {  	_ =	sdelay $0x2  }
0x2b: {  	p0 =	por !p0, !p0  }
.LBB2_4:
0x2c: {  	s9 =	sand.u32 $0x1, s16  }
0x2d: {  	s10 =	sadd.s32 $0x1, s9  }
0x2e: {  	_ =	swait.ge [sflag:s10], $0x1000  }
0x2f: {  	p1 =	slt.u32 s16, $0x2;
	[sflag:s10] =	ssyncset.done $0x0  }
0x30: {  	s0 =	sadd.s32 @!p1 $0x3, s9;
	[sflag:s10] =	ssyncadd.s32 $0xFFFFF000  }
0x31: {  	v4 =	vld [tilespmem:s16+$0x2000];
	_ =	swait.ge @!p1 [sflag:s0], $0x6000  }
0x32: {  	[sflag:s0] =	ssyncset.done @!p1 $0x0  }
0x33: {  	[sflag:s0] =	ssyncadd.s32 @!p1 $0xFFFFA000;
	s0 =	sadd.s32 @!p1 $0x5, s9  }
0x34: {  	_ =	swait.ge @!p1 [sflag:s0], $0x300  }
0x35: {  	[sflag:s0] =	ssyncset.done @!p1 $0x0  }
0x36: {  	[sflag:s0] =	ssyncadd.s32 @!p1 $0xFFFFFD00;
	s0 =	sshll.u32 @!p1 s9, $0x7  }
0x37: {  	v5 =	vld @!p1 [tilespmem:s0+$0x1E780]  }
0x38: {  	v6 =	vld @!p1 [tilespmem:s0+$0x1E790];
	_ =	sdelay $0x1  }
0x39: {  	s0 =	smul.u32 @!p1 $0x6000, s9;
	_ =	sdelay $0x1  }
0x3a: {  	v5 =	vadd.s32 @!p1 s0, v5  }
0x3b: {  	v6 =	vadd.s32 @!p1 s0, v6;
	_ =	sdelay $0x1  }
0x3c: {  	s2 =	sand.u32 $0x3E00, s1;
	s20 =	sshll.u32 s9, $0xC  }
0x3d: {  	v7 =	vimm.f32 @!p1 $0.0e+00;
	s3 =	simm.s32 @!p1 $0x6180;
	s21 =	sshrl.u32 s2, $0x2;
	s14 =	sor.u32 $0x2080, s20  }
0x3e: {  	s28 =	sand.u32 $0x70, s1;
	s0 =	sadd.s32 s21, s14;
	[tilespmem:v5+s3+$0x0] =	vst.idx.msk @!p1 $0xffff, v7  }
0x3f: {  	s0 =	sadd.s32 s28, s0;
	[tilespmem:v6+s3+$0x0] =	vst.idx.msk @!p1 $0xffff, v7  }
0x40: {  	v5 =	vld [tilespmem:s0+$0x0];
	_ =	sdelay $0x2  }
0x41: {  	v4 =	vbroadcast v4, $0x0;
	_ =	sdelay $0x1  }
0x42: {  	vm1 =	vge.f32 v5, v4  }
0x43: {  	v6 =	vmpcnt.ones.xlane vm1  }
0x44: {  	v7 =	vsel vm1, $0x1, v2  }
0x45: {  	(xrf0) =	vadd.scan.msk.s32 $0xffff, v7;
	(v2sf) =	vpush v6, $0x0;
	_ =	sdelay $0x2  }
0x46: {  	v6 =	vmov s1  }
0x47: {  	v6 =	vadd.s32 $0xFFFFFFFF, v6  }
0x48: {  	v6 =	vbroadcast v6, $0x0  }
0x49: {  	v7, _, _ =	vpop (xrf0)  }
0x4a: {  	s0 =	simm.s32 $0x1;
	v6 =	vadd.s32 v7, v6  }
0x4b: {  	s0 =	simm.s32 @!p0 $0x0  }
0x4c: {  	s29 =	simm.s32 $0x40;
	s0 =	smul.u32 $0xC0, s0  }
0x4d: {  	s2 =	sand.u32 $0x3E00, s29  }
0x4e: {  	s2 =	sshrl.u32 s2, $0x2;
	s30 =	sshrl.u32 s0, $0x2;
	s0 =	simm.s32 $0x10  }
0x4f: {  	s2 =	sadd.s32 s2, s14;
	s31 =	sand.u32 $0x70, s0;
	v7 =	vor.u32 s1, v1;
	[tilespmem:v6+s22+$0x0] =	vst.idx.msk vm1, v5  }
0x50: {  	s2 =	sadd.s32 s31, s2;
	[tilespmem:v6+s23+$0x0] =	vst.idx.msk vm1, v7  }
0x51: {  	s17 =	sor.u32 s5, s16;
	s18 =	simm.s32 $0x80;
	s15 =	simm.s32 $0x0;
	v5 =	vld [tilespmem:s2+$0x0]  }
0x52: {  	s13 =	simm.s32 $0x10;
	s8 =	sor.u32 $0x1E900, s30;
	s2 =	spop (v2sf)  }
.LBB2_5:
0x53: {  	p1 =	sne.s32 s18, $0x3FC0  }
0x54: {  	s15 =	sadd.s32 s15, s2;
	s2 =	smov.u32 s18;
	s18 =	sadd.s32 $0x40, s18  }
0x55: {  	v6 =	vmov s15  }
0x56: {  	vm1 =	vge.f32 v5, v4;
	v6 =	vadd.s32 $0xFFFFFFFF, v6  }
0x57: {  	v7 =	vsel vm1, $0x1, v2;
	v8 =	vmpcnt.ones.xlane vm1  }
0x58: {  	(xrf0) =	vadd.scan.msk.s32 $0xffff, v7  }
0x59: {  	(v2sf) =	vpush v8, $0x0;
	_ =	sdelay $0x3  }
0x5a: {  	v6 =	vbroadcast v6, $0x0  }
0x5b: {  	v7, _, _ =	vpop (xrf0)  }
0x5c: {  	v6 =	vadd.s32 v7, v6;
	_ =	sdelay $0x2  }
0x5d: {  	s2 =	sand.u32 $0x3E00, s2  }
0x5e: {  	s0 =	sadd.s32 $0x10, s0;
	s2 =	sshrl.u32 s2, $0x2  }
.Ltmp3:
0x5f: {  	s3 =	sand.u32 $0x70, s0;
	s2 =	sadd.s32 s2, s14;
	v7 =	vor.u32 s13, v1;
	[tilespmem:v6+s22+$0x0] =	vst.idx.msk vm1, v5;
	(pc) =	sbr.rel @p1 .LBB2_5-.Ltmp3, $3  }
0x60: {  	s2 =	sadd.s32 s3, s2;
	s13 =	smov.u32 s0;
	[tilespmem:v6+s23+$0x0] =	vst.idx.msk vm1, v7  }
0x61: {  	v5 =	vld [tilespmem:s2+$0x0];
	_ =	sdelay $0x1  }
0x62: {  	s2 =	spop (v2sf)  }
0x63: {  	_ =	sdelay $0x1  }
0x64: {  	vm1 =	vge.f32 v5, v4  }
0x65: {  	v4 =	vmpcnt.ones.xlane vm1;
	_ =	sdelay $0x1  }
0x66: {  	(v2sf) =	vpush v4, $0x0;
	_ =	sdelay $0x1  }
0x67: {  	v4 =	vsel vm1, $0x1, v2  }
0x68: {  	(xrf0) =	vadd.scan.msk.s32 $0xffff, v4;
	_ =	sdelay $0x1  }
0x69: {  	s0 =	sadd.s32 s15, s2  }
0x6a: {  	v4 =	vmov s0  }
0x6b: {  	v4 =	vadd.s32 $0xFFFFFFFF, v4  }
0x6c: {  	v4 =	vbroadcast v4, $0x0  }
0x6d: {  	v6, _, _ =	vpop (xrf0)  }
0x6e: {  	v4 =	vadd.s32 v6, v4;
	_ =	sdelay $0x2  }
0x6f: {  	p1 =	sgt.u32 s16, $0x3D  }
0x70: {  	s2 =	sshll.u32 @!p1 s16, $0x7  }
0x71: {  	v63 =	vor.u32 s13, v1;
	s2 =	sand.u32 @!p1 $0x3FFFFF80, s2;
	[tilespmem:v4+s22+$0x0] =	vst.idx.msk vm1, v5;
	s3 =	spop (v2sf)  }
0x72: {  	s2 =	sadd.s32 @!p1 $0x100, s2;
	[tilespmem:v4+s23+$0x0] =	vst.idx.msk vm1, v63;
	s0 =	sadd.s32 s0, s3;
	s3 =	simm.s32 @!p1 $0x20  }
0x73: {  	[tilespmem:s14], [sflag:s10] =	stream.indirect.gather @!p1 [hbm4b:s6+s3], $0x80, s2, s3, $0xb8;
	[tilespmem:$0x1EC80] =	vst v63  }
0x74: {  	s28 =	sadd.s32 $0xF, s0  }
0x75: {  	s29 =	sand.u32 $0xF, s28  }
0x76: {  	s30 =	sshra.s32 s28, $0x1F;
	p6 =	slt.s32 s28, $0x1;
	p2 =	sne.s32 s29, $0x0  }
.Ltmp4:
0x77: {  	s31 =	sshrl.u32 s30, $0x1C;
	p1 =	por !p6, !p2;
	(pc) =	sbr.rel .LBB2_7-.Ltmp4, $4  }
0x78: {  	s3 =	simm.s32 $0x1;
	s2 =	sadd.s32 s31, s28;
	p1 =	por !p1, !p1  }
0x79: {  	s2 =	sshra.s32 s2, $0x4;
	s3 =	simm.s32 @!p1 $0x0  }
0x7a: {  	s19 =	simm.s32 $0x0;
	s14 =	ssub.s32 s2, s3  }
0x7b: {  	s10 =	smul.u32 $0x30, s9;
	[tilespmem:s0+$0x4080] =	vst v3;
	s3 =	simm.s32 $0x0;
	p1 =	slt.s32 s14, $0x1  }
.LBB2_8:
0x7c: {  	s0 =	smov.u32 s3  }
.LBB2_20:
0x7d: {  	v4 =	vld [tilespmem:s0+$0x4080];
	_ =	sdelay $0x4  }
0x7e: {  	vm1 =	veq.f32 v4, s29  }
0x7f: {  	v4 =	vmctz.xlane vm1;
	_ =	sdelay $0x1  }
0x80: {  	(v2sf) =	vpush v4, $0x0;
	_ =	sdelay $0xe  }
0x81: {  	s2 =	spop (v2sf)  }
0x82: {  	s30 =	sadd.s32 s0, s2  }
0x83: {  	v4 =	vmov s30  }
0x84: {  	v5 =	vmov s19;
	s31 =	sadd.s32 s10, s19;
	s19 =	sadd.s32 $0x1, s19  }
0x85: {  	v6 =	vmov s31;
	p2 =	sne.s32 s19, $0x20  }
.Ltmp5:
0x86: {  	_ = 	snop;
	(pc) =	sbr.rel @!p2 .LBB2_21-.Ltmp5, $4  }
0x87: {  	_ = 	snop  }
0x88: {  	[tilespmem:v4+s22+$0x0] =	vst.idx.msk $0x1, v3  }
0x89: {  	[tilespmem:v5+s24+$0x0] =	vst.idx.msk $0x1, v4;
	v4 =	vmov s29  }
0x8a: {  	[tilespmem:v6+s25+$0x0] =	vst.idx.msk $0x1, v4  }
.LBB2_7:
.Ltmp6:
0x8b: {  	(pc) =	sbr.rel @p1 .LBB2_8-.Ltmp6, $2  }
0x8c: {  	_ =	sdelay $0x2  }
0x8d: {  	s29 =	simm.f32 $-Inf;
	s0 =	simm.s32 $0x4080  }
0x8e: {  	v4 =	vld [tilespmem:s0+$0x0];
	p5 =	sne.s32 s14, $0x1  }
.Ltmp7:
0x8f: {  	_ = 	snop;
	(pc) =	sbr.rel @!p5 .LBB2_10-.Ltmp7, $3  }
0x90: {  	_ =	sdelay $0x1  }
0x91: {  	s30 =	simm.s32 $0x1;
	s0 =	simm.s32 $0x4090  }
0x92: {  	p2 =	por $0x0, $0x0;
	p3 =	por $0x0, $0x0;
	p4 =	por $0x0, $0x0;
	(xrf0) =	vmax.scan.msk.f32 $0xffff, v4  }
0x93: {  	_ = 	snop  }
0x94: {  	v4 =	vld [tilespmem:s0+$0x0];
	p5 =	sne.s32 s14, $0x2  }
.Ltmp8:
0x95: {  	_ = 	snop;
	(pc) =	sbr.rel @!p5 .LBB2_12-.Ltmp8, $3  }
0x96: {  	_ =	sdelay $0x1  }
0x97: {  	v5, _, _ =	vpop (xrf0)  }
0x98: {  	s0 =	simm.s32 $0x2;
	s2 =	simm.s32 $0x40A0;
	p2 =	por $0x1, $0x1;
	(xrf0) =	vmax.scan.msk.f32 $0xffff, v4;
	(v2sf) =	vpush v5, $0xF  }
0x99: {  	_ =	sdelay $0x4  }
0x9a: {  	v5, _, _ =	vpop (xrf0)  }
0x9b: {  	(v2sf) =	vpush v5, $0xF;
	_ =	sdelay $0x2  }
0x9c: {  	v4 =	vld [tilespmem:s2+$0x0];
	p5 =	sne.s32 s14, $0x3  }
.Ltmp9:
0x9d: {  	_ = 	snop;
	(pc) =	sbr.rel @!p5 .LBB2_14-.Ltmp9, $2  }
0x9e: {  	_ =	sdelay $0x2  }
0x9f: {  	s18 =	simm.s32 $0x3;
	s2 =	simm.s32 $0x40B0;
	p3 =	por $0x1, $0x1;
	(xrf0) =	vmax.scan.msk.f32 $0xffff, v4  }
0xa0: {  	_ =	sdelay $0x4  }
0xa1: {  	v5, _, _ =	vpop (xrf0)  }
0xa2: {  	(v2sf) =	vpush v5, $0xF  }
0xa3: {  	v4 =	vld [tilespmem:s2+$0x0]  }
0xa4: {  	p5 =	sne.s32 s14, $0x4  }
.Ltmp10:
0xa5: {  	_ = 	snop;
	(pc) =	sbr.rel @!p5 .LBB2_16-.Ltmp10, $4  }
0xa6: {  	_ = 	snop  }
0xa7: {  	s2 =	simm.s32 $0x4  }
0xa8: {  	s28 =	simm.s32 $0x40C0;
	s13 =	spop (v2sf);
	p4 =	por $0x1, $0x1;
	(xrf0) =	vmax.scan.msk.f32 $0xffff, v4  }
0xa9: {  	s15 =	simm.f32 $-Inf;
	s21 =	simm.s32 $0x0;
	s31 =	simm.s32 $0x0  }
.LBB2_17:
0xaa: {  	v4 =	vld [tilespmem:s28+$0x0];
	p6 =	sgt.f32 s13, s15;
	s20 =	smov.u32 s2;
	s2 =	sadd.s32 $0x1, s2  }
0xab: {  	p5 =	sne.s32 s14, s2  }
.Ltmp11:
0xac: {  	s15 =	smov.u32 @p6 s13;
	s31 =	smov.u32 @p6 s21;
	(pc) =	sbr.rel @p5 .LBB2_17-.Ltmp11, $4  }
0xad: {  	s21 =	smov.u32 s30;
	s30 =	smov.u32 s0;
	s0 =	smov.u32 s18  }
0xae: {  	s18 =	smov.u32 s20;
	v5, _, _ =	vpop (xrf0)  }
0xaf: {  	(xrf0) =	vmax.scan.msk.f32 $0xffff, v4;
	(v2sf) =	vpush v5, $0xF;
	_ =	sdelay $0x1  }
0xb0: {  	s28 =	sadd.s32 $0x10, s28;
	s13 =	spop (v2sf)  }
0xb1: {  	s2 =	smov.u32 s0;
	s0 =	smov.u32 s18  }
.LBB2_19:
0xb2: {  	_ =	sdelay $0x1  }
0xb3: {  	v4, _, _ =	vpop (xrf0)  }
0xb4: {  	p5 =	sgt.f32 @p4 s13, s15;
	(v2sf) =	vpush v4, $0xF;
	_ =	sdelay $0x1  }
0xb5: {  	p5 =	por !p5, !p4  }
0xb6: {  	s18 =	simm.f32 $-Inf;
	s13 =	smov.u32 @p5 s15;
	s15 =	spop @p3 (v2sf)  }
0xb7: {  	s18 =	smov.u32 @p4 s13;
	s13 =	smov.u32 @p3 s15  }
0xb8: {  	p6 =	sgt.f32 @p3 s13, s18;
	_ =	sdelay $0x1  }
0xb9: {  	s21 =	smov.u32 @p5 s31;
	p5 =	por !p6, !p3  }
0xba: {  	s20 =	smov.u32 @p3 s30;
	s13 =	smov.u32 @p5 s18;
	s18 =	simm.f32 $-Inf  }
0xbb: {  	s18 =	smov.u32 @p3 s13;
	s13 =	smov.u32 s3;
	s15 =	spop @p2 (v2sf)  }
0xbc: {  	s13 =	smov.u32 @p2 s2;
	s2 =	smov.u32 s3;
	s15 =	smov.u32 @p2 s15  }
0xbd: {  	s20 =	smov.u32 @p3 s20;
	s2 =	smov.u32 @p4 s21;
	p6 =	sgt.f32 @p2 s15, s18  }
0xbe: {  	s20 =	smov.u32 @p5 s2  }
0xbf: {  	s2 =	smov.u32 @p2 s13;
	s13 =	smov.u32 s3;
	p4 =	por !p6, !p2  }
0xc0: {  	s13 =	smov.u32 @p3 s20;
	s15 =	smov.u32 @p4 s18  }
.Ltmp12:
0xc1: {  	s29 =	smov.u32 @p2 s15;
	s18 =	spop (v2sf);
	(pc) =	sbr.rel .LBB2_20-.Ltmp12, $4  }
0xc2: {  	s2 =	smov.u32 @p4 s13;
	s13 =	smov.u32 s3;
	p3 =	sgt.f32 s18, s29  }
0xc3: {  	s13 =	smov.u32 @p2 s2  }
0xc4: {  	s13 =	smov.u32 @p3 s0  }
0xc5: {  	s29 =	smov.u32 @p3 s18;
	s0 =	sshll.u32 s13, $0x4  }
.LBB2_10:
.Ltmp13:
0xc6: {  	(pc) =	sbr.rel .LBB2_19-.Ltmp13, $2  }
0xc7: {  	_ =	sdelay $0x2  }
0xc8: {  	s15 =	simm.f32 $-Inf;
	s31 =	smov.u32 s3;
	s0 =	smov.u32 s3  }
.LBB2_12:
.Ltmp14:
0xc9: {  	(pc) =	sbr.rel .LBB2_19-.Ltmp14, $3  }
0xca: {  	_ =	sdelay $0x1  }
0xcb: {  	s15 =	simm.f32 $-Inf  }
0xcc: {  	s31 =	smov.u32 s3;
	s2 =	smov.u32 s3;
	s0 =	simm.s32 $0x1  }
.LBB2_14:
.Ltmp15:
0xcd: {  	(pc) =	sbr.rel .LBB2_19-.Ltmp15, $3  }
0xce: {  	_ =	sdelay $0x1  }
0xcf: {  	s15 =	simm.f32 $-Inf  }
0xd0: {  	s31 =	simm.s32 $0x0;
	s30 =	simm.s32 $0x0;
	s2 =	simm.s32 $0x1  }
.LBB2_16:
.Ltmp16:
0xd1: {  	(pc) =	sbr.rel .LBB2_19-.Ltmp16, $3  }
0xd2: {  	_ =	sdelay $0x1  }
0xd3: {  	s15 =	simm.f32 $-Inf;
	s21 =	smov.u32 s3  }
0xd4: {  	s31 =	smov.u32 s3;
	s2 =	simm.s32 $0x2;
	s0 =	simm.s32 $0x3  }
.LBB2_21:
0xd5: {  	v4 =	vld [tilespmem:$0x1E880];
	_ =	sdelay $0x7  }
0xd6: {  	v4 =	vld.idx.msk [tilespmem:v4+s23+$0x0], $0xffff;
	_ =	sdelay $0x1  }
0xd7: {  	v5 =	vld [tilespmem:$0x1E890];
	_ =	sdelay $0x2  }
0xd8: {  	v6 =	vshrl.u32 v4, $0x7  }
0xd9: {  	s14 =	sshll.u32 s16, $0x7;
	v7 =	vand.u32 $0x1FFFF80, v6  }
0xda: {  	v6 =	vand.u32 $0x7F, v6;
	v7 =	vadd.s32 s14, v7  }
0xdb: {  	v6 =	vor.u32 v6, v7;
	_ =	sdelay $0x1  }
0xdc: {  	v5 =	vld.idx.msk [tilespmem:v5+s23+$0x0], $0xffff;
	_ =	sdelay $0x2  }
0xdd: {  	v6 =	vld.idx.msk [tilespmem:v6+s4+$0x0], $0xffff;
	_ =	sdelay $0x1  }
0xde: {  	v56 =	vshrl.u32 v5, $0x7  }
0xdf: {  	s0 =	smul.u32 $0x6000, s17;
	v8 =	vand.u32 $0x1FFFF80, v56  }
0xe0: {  	v8 =	vadd.s32 s14, v8;
	v7 =	vand.u32 $0x7F, v56  }
0xe1: {  	v57 =	vmov s0;
	v7 =	vor.u32 v7, v8;
	v6 =	vshll.u32 v6, $0x7  }
0xe2: {  	v9 =	vand.u32 $0x7F, v4;
	v6 =	vsub.s32 v6, v57  }
0xe3: {  	v0 =	vld [tilespmem:$0x1FFD0];
	v10 =	vor.u32 v9, v6  }
0xe4: {  	v11 =	vshrl.u32 v10, $0x3  }
0xe5: {  	v13 =	vld [tilespmem:$0x1FFE0];
	v11 =	vmul.u32 $0x30, v11  }
0xe6: {  	v4 =	vand.u32 $0x7, v4;
	v7 =	vld.idx.msk [tilespmem:v7+s4+$0x0], $0xffff  }
0xe7: {  	v4 =	vor.u32 v4, v11  }
0xe8: {  	v11 =	vperm.xlane v4, v0  }
0xe9: {  	v14 =	vld [tilespmem:$0x1FFF0]  }
0xea: {  	v11 =	vadd.s32 v13, v11  }
0xeb: {  	v7 =	vshll.u32 v7, $0x7  }
0xec: {  	v12 =	vld [tilespmem:s10+$0x1E900];
	s18 =	sshll.u32 s9, $0x7;
	s2 =	smul.u32 $0x6000, s9;
	v5 =	vand.u32 $0x7F, v5;
	v7 =	vsub.s32 v7, v57  }
0xed: {  	v58 =	vld [tilespmem:s10+$0x1E910];
	[tilespmem:s18+$0x1E780] =	vst v10;
	v59 =	vor.u32 v5, v7  }
0xee: {  	s10 =	sadd.s32 $0x7, s9;
	s3 =	sadd.s32 $0x12180, s2;
	[tilespmem:s18+$0x1E790] =	vst v59;
	v4 =	vperm.xlane v4, v14  }
0xef: {  	[tilespmem:s3], [sflag:s10] =	stream.indirect_vreg.gather [hbm4b:s7+s4], $0x80, v11, vm0, $0xb8;
	[tilespmem:$0x1EC80] =	vst v63  }
0xf0: {  	s19 =	sadd.s32 $0x12980, s2;
	v4 =	vadd.s32 v13, v4  }
0xf1: {  	[tilespmem:s19], [sflag:s10] =	stream.indirect_vreg.gather [hbm4b:s11+s4], $0x80, v11, vm0, $0xb8;
	[tilespmem:$0x1EC80] =	vst v63  }
0xf2: {  	s20 =	sadd.s32 $0x13180, s2  }
0xf3: {  	[tilespmem:s20], [sflag:s10] =	stream.indirect_vreg.gather [hbm4b:s12+s4], $0x80, v11, vm0, $0xb8;
	[tilespmem:$0x1EC80] =	vst v63  }
0xf4: {  	s21 =	sadd.s32 $0x13980, s2  }
0xf5: {  	[tilespmem:s21], [sflag:s10] =	stream.indirect_vreg.gather [hbm4b:s7+s4], $0x80, v4, vm0, $0xb8;
	[tilespmem:$0x1EC80] =	vst v63  }
0xf6: {  	s28 =	sadd.s32 $0x14180, s2  }
0xf7: {  	[tilespmem:s28], [sflag:s10] =	stream.indirect_vreg.gather [hbm4b:s11+s4], $0x80, v4, vm0, $0xb8;
	[tilespmem:$0x1EC80] =	vst v63  }
0xf8: {  	s29 =	sadd.s32 $0x14980, s2  }
0xf9: {  	[tilespmem:s29], [sflag:s10] =	stream.indirect_vreg.gather [hbm4b:s12+s4], $0x80, v4, vm0, $0xb8;
	[tilespmem:$0x1EC80] =	vst v63  }
0xfa: {  	v4 =	vld [tilespmem:s18+$0x1E790];
	_ =	sdelay $0x4  }
0xfb: {  	v60 =	vshrl.u32 v4, $0x3  }
0xfc: {  	v10 =	vmul.u32 $0x30, v60  }
0xfd: {  	v4 =	vand.u32 $0x7, v4  }
0xfe: {  	v4 =	vor.u32 v4, v10  }
0xff: {  	v10 =	vperm.xlane v4, v0;
	_ =	sdelay $0x1  }
0x100: {  	v10 =	vadd.s32 v13, v10;
	_ =	sdelay $0x3  }
0x101: {  	s30 =	sadd.s32 $0x15180, s2;
	v4 =	vperm.xlane v4, v14  }
0x102: {  	[tilespmem:s30], [sflag:s10] =	stream.indirect_vreg.gather [hbm4b:s7+s4], $0x80, v10, vm0, $0xb8;
	[tilespmem:$0x1EC80] =	vst v63  }
0x103: {  	s31 =	sadd.s32 $0x15980, s2;
	v4 =	vadd.s32 v13, v4  }
0x104: {  	[tilespmem:s31], [sflag:s10] =	stream.indirect_vreg.gather [hbm4b:s11+s4], $0x80, v10, vm0, $0xb8;
	[tilespmem:$0x1EC80] =	vst v63  }
0x105: {  	s3 =	sadd.s32 $0x16180, s2  }
0x106: {  	[tilespmem:s3], [sflag:s10] =	stream.indirect_vreg.gather [hbm4b:s12+s4], $0x80, v10, vm0, $0xb8;
	[tilespmem:$0x1EC80] =	vst v63  }
0x107: {  	s13 =	sadd.s32 $0x16980, s2  }
0x108: {  	[tilespmem:s13], [sflag:s10] =	stream.indirect_vreg.gather [hbm4b:s7+s4], $0x80, v4, vm0, $0xb8;
	[tilespmem:$0x1EC80] =	vst v63  }
0x109: {  	s15 =	sadd.s32 $0x17180, s2  }
0x10a: {  	[tilespmem:s15], [sflag:s10] =	stream.indirect_vreg.gather [hbm4b:s11+s4], $0x80, v4, vm0, $0xb8;
	[tilespmem:$0x1EC80] =	vst v63  }
0x10b: {  	v6 =	vadd.s32 s2, v6;
	s19 =	sshrl.u32 s17, $0x3;
	s18 =	sadd.s32 $0x17980, s2  }
0x10c: {  	v61 =	vadd.s32 s2, v7;
	[tilespmem:s18], [sflag:s10] =	stream.indirect_vreg.gather [hbm4b:s12+s4], $0x80, v4, vm0, $0xb8;
	v4 =	vor.u32 v9, v6;
	[tilespmem:$0x1EC80] =	vst v63  }
0x10d: {  	v5 =	vor.u32 v5, v61;
	s0 =	smul.u32 $0x30000, s19  }
0x10e: {  	p1 =	seq.s32 s16, $0x0;
	s20 =	sand.u32 $0x380, s14;
	s21 =	smul.u32 $0x18000, s9  }
.Ltmp17:
0x10f: {  	s0 =	sor.u32 s20, s0;
	(pc) =	sbr.rel @p1 .LBB2_25-.Ltmp17, $4  }
0x110: {  	v62 =	vmax.f32 v12, $0.0e+00;
	s0 =	sshrl.u32 s0, $0x3;
	s28 =	sshrl.u32 s21, $0x2  }
0x111: {  	v63 =	vmax.f32 v58, $0.0e+00;
	s29 =	sadd.s32 $0x3, s9;
	s2 =	sadd.s32 $0x6180, s28;
	s30 =	rddreg [dreg:$0x1];
	[tilespmem:v4+s26+$0x0] =	vst.idx.msk $0xffff, v62  }
0x112: {  	s0 =	sadd.s32 s30, s0;
	s31 =	simm.s32 $0x80;
	s13 =	simm.s32 $0x400;
	[tilespmem:v5+s26+$0x0] =	vst.idx.msk $0xffff, v63  }
0x113: {  	[hbm4b:s0+s31] =	stream.strided.scatter [tilespmem:s2], [sflag:s29], $0x6000, s13, s31, $0x38;
	[tilespmem:$0x1EC80] =	vst v63  }
0x114: {  	s18 =	sxor.u32 $0x1, s9  }
0x115: {  	s0 =	sadd.s32 $0x7, s18  }
0x116: {  	_ =	swait.ge [sflag:s0], $0x6000  }
0x117: {  	[sflag:s0] =	ssyncset.done $0x0  }
0x118: {  	[sflag:s0] =	ssyncadd.s32 $0xFFFFA000  }
0x119: {  	v52 =	vld [tilespmem:$0x1E980]  }
0x11a: {  	v53 =	vld [tilespmem:$0x1E990]  }
0x11b: {  	v51 =	vld [tilespmem:$0x1E9A0]  }
0x11c: {  	v33 =	vld [tilespmem:$0x1E9B0]  }
0x11d: {  	v50 =	vld [tilespmem:$0x1E9C0]  }
0x11e: {  	v35 =	vld [tilespmem:$0x1E9D0]  }
0x11f: {  	v36 =	vld [tilespmem:$0x1E9E0]  }
0x120: {  	v37 =	vld [tilespmem:$0x1E9F0]  }
0x121: {  	v39 =	vld [tilespmem:$0x1EA00]  }
0x122: {  	v38 =	vld [tilespmem:$0x1EA10]  }
0x123: {  	v43 =	vld [tilespmem:$0x1EA20]  }
0x124: {  	v42 =	vld [tilespmem:$0x1EA30]  }
0x125: {  	v55 =	vld [tilespmem:$0x1EA40]  }
0x126: {  	v56 =	vld [tilespmem:$0x1EA50]  }
0x127: {  	v58 =	vld [tilespmem:$0x1EA60]  }
0x128: {  	v57 =	vld [tilespmem:$0x1EA70]  }
0x129: {  	v60 =	vld [tilespmem:$0x1EA80]  }
0x12a: {  	v59 =	vld [tilespmem:$0x1EA90]  }
0x12b: {  	v62 =	vld [tilespmem:$0x1EAA0]  }
0x12c: {  	v0 =	vld [tilespmem:$0x1EAB0]  }
0x12d: {  	v29 =	vld [tilespmem:$0x1EB10]  }
0x12e: {  	v28 =	vld [tilespmem:$0x1EB20]  }
0x12f: {  	v27 =	vld [tilespmem:$0x1EB30]  }
0x130: {  	v26 =	vld [tilespmem:$0x1EB40]  }
0x131: {  	v25 =	vld [tilespmem:$0x1EB50]  }
0x132: {  	v24 =	vld [tilespmem:$0x1EB60]  }
0x133: {  	v23 =	vld [tilespmem:$0x1EB70]  }
0x134: {  	v22 =	vld [tilespmem:$0x1EB80]  }
0x135: {  	s28 =	smul.u32 $0x18000, s18;
	v7 =	vld [tilespmem:s8+$0x0]  }
0x136: {  	[tilespmem:$0x1FF70] =	vst v0;
	v0 =	vld [tilespmem:$0x1EAC0]  }
0x137: {  	s0 =	sshrl.u32 s28, $0x2;
	v21 =	vld [tilespmem:$0x1EB90]  }
0x138: {  	s30 =	simm.s32 $0x0;
	v20 =	vld [tilespmem:$0x1EBA0];
	s0 =	sadd.s32 $0x12180, s0  }
0x139: {  	v19 =	vld [tilespmem:$0x1EBB0];
	[dreg:$0x4] =	wrdreg s0;
	s0 =	smul.u32 $0x6000, s30  }
0x13a: {  	v18 =	vld [tilespmem:$0x1EBC0];
	(v2sf) =	vpush v7, $0x0  }
0x13b: {  	s10 =	simm.s32 $0x0;
	s2 =	rddreg [dreg:$0x4];
	s0 =	sshra.s32 s0, $0x2;
	[tilespmem:$0x1FF80] =	vst v0;
	v0 =	vld [tilespmem:$0x1EAD0]  }
0x13c: {  	s3 =	sand.u32 $0x380, s10;
	v17 =	vld [tilespmem:$0x1EBD0];
	s0 =	sadd.s32 s0, s2  }
0x13d: {  	v10 =	vld [tilespmem:$0x1EC70];
	s14 =	sadd.s32 s3, s0  }
0x13e: {  	v40 =	vld [tilespmem:s14+$0x1470]  }
0x13f: {  	v41 =	vld [tilespmem:s14+$0x0]  }
0x140: {  	[tilespmem:$0x1FF90] =	vst v0;
	v0 =	vld [tilespmem:$0x1EAE0]  }
0x141: {  	v44 =	vld [tilespmem:s14+$0x10]  }
0x142: {  	v45 =	vld [tilespmem:s14+$0x20]  }
0x143: {  	v46 =	vld [tilespmem:s14+$0x30]  }
0x144: {  	v47 =	vld [tilespmem:s14+$0x40]  }
0x145: {  	[tilespmem:$0x1FFA0] =	vst v0;
	v0 =	vld [tilespmem:$0x1EAF0]  }
0x146: {  	v48 =	vld [tilespmem:s14+$0x50]  }
0x147: {  	v49 =	vld [tilespmem:s14+$0x60]  }
0x148: {  	v4 =	vld [tilespmem:s14+$0x410]  }
0x149: {  	v61 =	vld [tilespmem:s14+$0x70];
	s31 =	spop (v2sf)  }
0x14a: {  	s9 =	smax.f32 s31, $0.0e+00;
	[tilespmem:$0x1FFB0] =	vst v0;
	v0 =	vld [tilespmem:$0x1EB00]  }
0x14b: {  	v63 =	vld [tilespmem:s14+$0x400];
	v40 =	vmul.f32 s9, v40  }
0x14c: {  	v30 =	vld [tilespmem:s14+$0x440];
	v41 =	vmul.f32 s9, v41;
	v44 =	vmul.f32 s9, v44  }
0x14d: {  	v5 =	vld [tilespmem:s14+$0x420];
	v4 =	vmul.f32 s9, v4;
	v10 =	vadd.f32 v40, v10;
	v40 =	vmul.f32 s9, v45  }
0x14e: {  	v34 =	vld [tilespmem:s14+$0x460];
	v52 =	vadd.f32 v41, v52;
	v41 =	vmul.f32 s9, v46;
	v45 =	vmul.f32 s9, v48  }
0x14f: {  	v53 =	vadd.f32 v44, v53;
	v44 =	vmul.f32 s9, v47;
	v47 =	vmul.f32 s9, v49;
	[tilespmem:$0x1FFC0] =	vst v0;
	v0 =	vld [tilespmem:s14+$0x810]  }
0x150: {  	v54 =	vadd.f32 v40, v51;
	v49 =	vadd.f32 v45, v35;
	v40 =	vmul.f32 s9, v61;
	v61 =	vld [tilespmem:s14+$0x820]  }
0x151: {  	v48 =	vadd.f32 v47, v36;
	v36 =	vld [tilespmem:s14+$0x830];
	v45 =	vadd.f32 v4, v38;
	v4 =	vmul.f32 s9, v30  }
0x152: {  	v5 =	vmul.f32 s9, v5;
	v51 =	vadd.f32 v41, v33;
	v41 =	vmul.f32 s9, v63;
	v63 =	vld [tilespmem:s14+$0x840]  }
0x153: {  	v31 =	vld [tilespmem:s14+$0x430];
	v46 =	vadd.f32 v40, v37;
	v40 =	vadd.f32 v4, v55;
	v4 =	vmul.f32 s9, v34  }
0x154: {  	v32 =	vld [tilespmem:s14+$0x450];
	v50 =	vadd.f32 v44, v50;
	v0 =	vmul.f32 s9, v0  }
0x155: {  	v16 =	vld [tilespmem:$0x1EBE0];
	v44 =	vadd.f32 v5, v43;
	v43 =	vadd.f32 v4, v58;
	v4 =	vmul.f32 s9, v61  }
0x156: {  	v15 =	vld [tilespmem:$0x1EBF0];
	v37 =	vadd.f32 v0, v59  }
0x157: {  	v0 =	vmul.f32 s9, v36;
	v36 =	vadd.f32 v4, v62;
	v4 =	vmul.f32 s9, v63;
	v63 =	vld [tilespmem:$0x1FF80]  }
0x158: {  	v14 =	vld [tilespmem:$0x1EC00]  }
0x159: {  	v13 =	vld [tilespmem:$0x1EC10];
	v31 =	vmul.f32 s9, v31;
	v5 =	vmul.f32 s9, v32  }
0x15a: {  	v30 =	vld [tilespmem:s14+$0x850];
	v47 =	vadd.f32 v41, v39  }
0x15b: {  	v41 =	vadd.f32 v31, v42;
	v42 =	vadd.f32 v5, v56;
	v5 =	vld [tilespmem:s14+$0xC00]  }
0x15c: {  	v35 =	vadd.f32 v4, v63;
	v4 =	vld [tilespmem:$0x1FF90]  }
0x15d: {  	v12 =	vld [tilespmem:$0x1EC20]  }
0x15e: {  	v31 =	vld [tilespmem:s14+$0x860]  }
0x15f: {  	v30 =	vmul.f32 s9, v30;
	v62 =	vld [tilespmem:$0x1FF70]  }
0x160: {  	v11 =	vld [tilespmem:$0x1EC30]  }
0x161: {  	v33 =	vadd.f32 v30, v4;
	v4 =	vmul.f32 s9, v5;
	v5 =	vld [tilespmem:$0x1FFA0]  }
0x162: {  	v3 =	vld [tilespmem:s14+$0x800]  }
0x163: {  	v6 =	vld [tilespmem:s14+$0x470]  }
0x164: {  	v55 =	vld [tilespmem:s14+$0x870];
	v34 =	vadd.f32 v0, v62;
	v0 =	vmul.f32 s9, v31  }
0x165: {  	v9 =	vld [tilespmem:$0x1EC40]  }
0x166: {  	v32 =	vadd.f32 v0, v5;
	v0 =	vld [tilespmem:$0x1FFB0]  }
0x167: {  	v8 =	vld [tilespmem:$0x1EC50];
	v3 =	vmul.f32 s9, v3  }
0x168: {  	v7 =	vld [tilespmem:$0x1EC60];
	v6 =	vmul.f32 s9, v6  }
0x169: {  	v38 =	vadd.f32 v3, v60;
	v3 =	vld [tilespmem:s14+$0xC20];
	v31 =	vmul.f32 s9, v55  }
0x16a: {  	v39 =	vadd.f32 v6, v57;
	v6 =	vld [tilespmem:s14+$0xC10]  }
0x16b: {  	v30 =	vadd.f32 v31, v0;
	v0 =	vld [tilespmem:$0x1FFC0]  }
0x16c: {  	v61 =	vld [tilespmem:s14+$0xC30]  }
0x16d: {  	v59 =	vld [tilespmem:s14+$0xC40]  }
0x16e: {  	v63 =	vld [tilespmem:s14+$0xC50]  }
0x16f: {  	s29 =	sadd.s32 $0x1, s8;
	v62 =	vld [tilespmem:s14+$0xC60]  }
0x170: {  	s19 =	simm.s32 $0x2;
	s8 =	simm.s32 $0x1;
	v58 =	vmul.f32 s9, v3;
	v60 =	vmul.f32 s9, v6;
	v5 =	vld [tilespmem:s29+$0x0];
	v31 =	vadd.f32 v4, v0  }
.LBB2_23:
0x171: {  	_ = 	snop  }
0x172: {  	v3 =	vld [tilespmem:s14+$0xC70];
	v0 =	vmul.f32 s9, v61  }
0x173: {  	v6 =	vld [tilespmem:s14+$0x1000];
	v4 =	vmul.f32 s9, v59  }
0x174: {  	v55 =	vld [tilespmem:s14+$0x1010];
	v27 =	vadd.f32 v0, v27;
	v0 =	vmul.f32 s9, v63  }
0x175: {  	v56 =	vld [tilespmem:s14+$0x1020];
	v26 =	vadd.f32 v4, v26;
	v4 =	vmul.f32 s9, v62  }
0x176: {  	v25 =	vadd.f32 v0, v25;
	v0 =	vld [tilespmem:s14+$0x1030]  }
0x177: {  	(v2sf) =	vpush v5, $0x0;
	v3 =	vmul.f32 s9, v3;
	v24 =	vadd.f32 v4, v24;
	v4 =	vld [tilespmem:s14+$0x1040]  }
0x178: {  	v5 =	vmul.f32 s9, v6;
	v6 =	vld [tilespmem:s14+$0x1050]  }
0x179: {  	v62 =	vld [tilespmem:s14+$0x1060];
	v23 =	vadd.f32 v3, v23;
	v3 =	vmul.f32 s9, v55  }
0x17a: {  	v63 =	vld [tilespmem:s14+$0x1070];
	v22 =	vadd.f32 v5, v22;
	v5 =	vmul.f32 s9, v56  }
0x17b: {  	v21 =	vadd.f32 v3, v21;
	v3 =	vld [tilespmem:s14+$0x1400];
	v0 =	vmul.f32 s9, v0  }
0x17c: {  	s0 =	sshrl.u32 s8, $0x3;
	v20 =	vadd.f32 v5, v20;
	v5 =	vld [tilespmem:s14+$0x1410];
	v4 =	vmul.f32 s9, v4  }
0x17d: {  	v29 =	vadd.f32 v60, v29;
	s0 =	smul.u32 $0x6000, s0;
	v60 =	vld [tilespmem:s14+$0x1430];
	v19 =	vadd.f32 v0, v19;
	v0 =	vmul.f32 s9, v6  }
0x17e: {  	v6 =	vld [tilespmem:s14+$0x1420];
	v18 =	vadd.f32 v4, v18;
	v4 =	vmul.f32 s9, v62  }
0x17f: {  	s2 =	rddreg [dreg:$0x4];
	s10 =	sadd.s32 $0x80, s10;
	s0 =	sshra.s32 s0, $0x2;
	v61 =	vld [tilespmem:s14+$0x1440];
	v17 =	vadd.f32 v0, v17;
	v0 =	vmul.f32 s9, v63  }
0x180: {  	s3 =	sand.u32 $0x380, s10;
	s0 =	sadd.s32 s0, s2;
	v16 =	vadd.f32 v4, v16;
	v4 =	vld [tilespmem:s14+$0x1450]  }
0x181: {  	v3 =	vmul.f32 s9, v3;
	v15 =	vadd.f32 v0, v15;
	v0 =	vmul.f32 s9, v5;
	v5 =	vld [tilespmem:s14+$0x1460];
	s14 =	sadd.s32 s3, s0  }
0x182: {  	v57 =	vld [tilespmem:s14+$0x1470]  }
0x183: {  	v14 =	vadd.f32 v3, v14;
	v3 =	vmul.f32 s9, v6;
	v6 =	vld [tilespmem:s14+$0x0]  }
0x184: {  	v62 =	vld [tilespmem:s14+$0x10];
	v13 =	vadd.f32 v0, v13;
	v0 =	vmul.f32 s9, v60  }
0x185: {  	v63 =	vld [tilespmem:s14+$0x20];
	v12 =	vadd.f32 v3, v12;
	v3 =	vmul.f32 s9, v61  }
0x186: {  	s31 =	spop (v2sf);
	v11 =	vadd.f32 v0, v11;
	v0 =	vmul.f32 s9, v4;
	v4 =	vld [tilespmem:s14+$0x30]  }
0x187: {  	v9 =	vadd.f32 v3, v9;
	v3 =	vmul.f32 s9, v5;
	s9 =	smax.f32 s31, $0.0e+00;
	v5 =	vld [tilespmem:s14+$0x40]  }
0x188: {  	v8 =	vadd.f32 v0, v8;
	v0 =	vmul.f32 s9, v6;
	v6 =	vld [tilespmem:s14+$0x50]  }
0x189: {  	v60 =	vld [tilespmem:s14+$0x60];
	v7 =	vadd.f32 v3, v7;
	v3 =	vmul.f32 s9, v62  }
0x18a: {  	v61 =	vld [tilespmem:s14+$0x70];
	v52 =	vadd.f32 v0, v52;
	v0 =	vmul.f32 s9, v63  }
0x18b: {  	v53 =	vadd.f32 v3, v53;
	v3 =	vmul.f32 s9, v4;
	v4 =	vld [tilespmem:s14+$0x400]  }
0x18c: {  	v54 =	vadd.f32 v0, v54;
	v0 =	vmul.f32 s9, v5;
	v5 =	vld [tilespmem:s14+$0x410]  }
0x18d: {  	v51 =	vadd.f32 v3, v51;
	v3 =	vmul.f32 s9, v6;
	v6 =	vld [tilespmem:s14+$0x420]  }
0x18e: {  	v62 =	vld [tilespmem:s14+$0x430];
	v50 =	vadd.f32 v0, v50;
	v0 =	vmul.f32 s9, v60  }
0x18f: {  	v63 =	vld [tilespmem:s14+$0x440];
	v49 =	vadd.f32 v3, v49;
	v3 =	vmul.f32 s9, v61  }
0x190: {  	v48 =	vadd.f32 v0, v48;
	v0 =	vmul.f32 s9, v4;
	v4 =	vld [tilespmem:s14+$0x450]  }
0x191: {  	v46 =	vadd.f32 v3, v46;
	v3 =	vmul.f32 s9, v5;
	v5 =	vld [tilespmem:s14+$0x460]  }
0x192: {  	v47 =	vadd.f32 v0, v47;
	v0 =	vmul.f32 s9, v6;
	v6 =	vld [tilespmem:s14+$0x470]  }
0x193: {  	v60 =	vld [tilespmem:s14+$0x800];
	v45 =	vadd.f32 v3, v45;
	v3 =	vmul.f32 s9, v62  }
0x194: {  	v61 =	vld [tilespmem:s14+$0x810];
	v44 =	vadd.f32 v0, v44;
	v0 =	vmul.f32 s9, v63  }
0x195: {  	v41 =	vadd.f32 v3, v41;
	v3 =	vmul.f32 s9, v4;
	v4 =	vld [tilespmem:s14+$0x820]  }
0x196: {  	v40 =	vadd.f32 v0, v40;
	v0 =	vmul.f32 s9, v5;
	v5 =	vld [tilespmem:s14+$0x830]  }
0x197: {  	v42 =	vadd.f32 v3, v42;
	v3 =	vmul.f32 s9, v6;
	v6 =	vld [tilespmem:s14+$0x840]  }
0x198: {  	v62 =	vld [tilespmem:s14+$0x850];
	v43 =	vadd.f32 v0, v43;
	v0 =	vmul.f32 s9, v60  }
0x199: {  	v63 =	vld [tilespmem:s14+$0x860];
	v39 =	vadd.f32 v3, v39;
	v3 =	vmul.f32 s9, v61  }
0x19a: {  	v38 =	vadd.f32 v0, v38;
	v0 =	vmul.f32 s9, v4;
	v4 =	vld [tilespmem:s14+$0x870]  }
0x19b: {  	v37 =	vadd.f32 v3, v37;
	v3 =	vmul.f32 s9, v5;
	v5 =	vld [tilespmem:s14+$0xC00]  }
0x19c: {  	v55 =	vld [tilespmem:s14+$0xC20];
	v36 =	vadd.f32 v0, v36;
	v0 =	vmul.f32 s9, v6  }
0x19d: {  	p1 =	sne.s32 s19, $0x1F;
	v6 =	vld [tilespmem:s14+$0xC10];
	v34 =	vadd.f32 v3, v34;
	v3 =	vmul.f32 s9, v62  }
.Ltmp18:
0x19e: {  	v59 =	vld [tilespmem:s14+$0xC40];
	v35 =	vadd.f32 v0, v35;
	v0 =	vmul.f32 s9, v63;
	(pc) =	sbr.rel @p1 .LBB2_23-.Ltmp18, $4  }
0x19f: {  	v57 =	vmul.f32 s9, v57;
	v61 =	vld [tilespmem:s14+$0xC30];
	v33 =	vadd.f32 v3, v33  }
0x1a0: {  	v62 =	vld [tilespmem:s14+$0xC60];
	v3 =	vmul.f32 s9, v4;
	v32 =	vadd.f32 v0, v32;
	v0 =	vmul.f32 s9, v5  }
0x1a1: {  	s29 =	sadd.s32 $0x1, s29;
	v28 =	vadd.f32 v58, v28;
	v58 =	vmul.f32 s9, v55;
	v10 =	vadd.f32 v57, v10;
	v63 =	vld [tilespmem:s14+$0xC50]  }
0x1a2: {  	s8 =	smov.u32 s19;
	s19 =	sadd.s32 $0x1, s19;
	v5 =	vld [tilespmem:s29+$0x0];
	v30 =	vadd.f32 v3, v30;
	v60 =	vmul.f32 s9, v6;
	v31 =	vadd.f32 v0, v31  }
0x1a3: {  	s0 =	sshrl.u32 s8, $0x3  }
0x1a4: {  	s0 =	smul.u32 $0x6000, s0;
	_ =	sdelay $0x1  }
0x1a5: {  	s2 =	rddreg [dreg:$0x4];
	s3 =	sadd.s32 $0x80, s10;
	s0 =	sshra.s32 s0, $0x2  }
0x1a6: {  	s3 =	sand.u32 $0x380, s3;
	s0 =	sadd.s32 s0, s2  }
0x1a7: {  	s0 =	sadd.s32 s3, s0  }
0x1a8: {  	(v2sf) =	vpush v5, $0x0;
	v5 =	vld [tilespmem:s0+$0xC20];
	_ =	sdelay $0x4  }
0x1a9: {  	[tilespmem:$0x1FD90] =	vst v5;
	v5 =	vld [tilespmem:s0+$0xC30];
	_ =	sdelay $0x2  }
0x1aa: {  	v57 =	vld [tilespmem:s0+$0x60]  }
0x1ab: {  	v0 =	vld [tilespmem:s14+$0xC70]  }
0x1ac: {  	[tilespmem:$0x1FDB0] =	vst v5;
	v5 =	vld [tilespmem:s0+$0xC40];
	_ =	sdelay $0x2  }
0x1ad: {  	[tilespmem:$0x1FBF0] =	vst v57;
	v57 =	vld [tilespmem:s0+$0x70]  }
0x1ae: {  	[tilespmem:$0x1FC80] =	vst v0;
	v0 =	vld [tilespmem:s14+$0x1000]  }
0x1af: {  	[tilespmem:$0x1FDD0] =	vst v5;
	v5 =	vld [tilespmem:s0+$0xC50];
	_ =	sdelay $0x2  }
0x1b0: {  	[tilespmem:$0x1FC00] =	vst v57;
	v57 =	vld [tilespmem:s0+$0x400]  }
0x1b1: {  	[tilespmem:$0x1FCA0] =	vst v0;
	v0 =	vld [tilespmem:s14+$0x1010]  }
0x1b2: {  	[tilespmem:$0x1FDE0] =	vst v5;
	v5 =	vld [tilespmem:s0+$0xC60];
	_ =	sdelay $0x2  }
0x1b3: {  	[tilespmem:$0x1FC10] =	vst v57;
	v57 =	vld [tilespmem:s0+$0x410]  }
0x1b4: {  	[tilespmem:$0x1FCE0] =	vst v0;
	v0 =	vld [tilespmem:s14+$0x1020]  }
0x1b5: {  	[tilespmem:$0x1FE00] =	vst v5;
	v5 =	vld [tilespmem:s0+$0xC70];
	_ =	sdelay $0x2  }
0x1b6: {  	[tilespmem:$0x1FC20] =	vst v57;
	v57 =	vld [tilespmem:s0+$0x420]  }
0x1b7: {  	[tilespmem:$0x1FD00] =	vst v0;
	v0 =	vld [tilespmem:s14+$0x1030]  }
0x1b8: {  	[tilespmem:$0x1FE10] =	vst v5;
	v5 =	vld [tilespmem:s0+$0x1000];
	_ =	sdelay $0x2  }
0x1b9: {  	[tilespmem:$0x1FC30] =	vst v57;
	v57 =	vld [tilespmem:s0+$0x430]  }
0x1ba: {  	[tilespmem:$0x1FD40] =	vst v0;
	v0 =	vld [tilespmem:s14+$0x1040]  }
0x1bb: {  	[tilespmem:$0x1FE30] =	vst v5;
	v5 =	vld [tilespmem:s0+$0x1010];
	_ =	sdelay $0x2  }
0x1bc: {  	[tilespmem:$0x1FC40] =	vst v57;
	v57 =	vld [tilespmem:s0+$0x440]  }
0x1bd: {  	[tilespmem:$0x1FD60] =	vst v0;
	v0 =	vld [tilespmem:s14+$0x1050]  }
0x1be: {  	[tilespmem:$0x1FE40] =	vst v5;
	v5 =	vld [tilespmem:s0+$0x1020];
	_ =	sdelay $0x2  }
0x1bf: {  	[tilespmem:$0x1FC50] =	vst v57;
	v57 =	vld [tilespmem:s0+$0x450]  }
0x1c0: {  	[tilespmem:$0x1FDA0] =	vst v0;
	v0 =	vld [tilespmem:s14+$0x1060]  }
0x1c1: {  	[tilespmem:$0x1FE60] =	vst v5;
	v5 =	vld [tilespmem:s0+$0x1030];
	_ =	sdelay $0x2  }
0x1c2: {  	[tilespmem:$0x1FC60] =	vst v57;
	v57 =	vld [tilespmem:s0+$0x460]  }
0x1c3: {  	[tilespmem:$0x1FDC0] =	vst v0;
	v0 =	vld [tilespmem:s14+$0x1070]  }
0x1c4: {  	[tilespmem:$0x1FE70] =	vst v5;
	v5 =	vld [tilespmem:s0+$0x1040];
	_ =	sdelay $0x2  }
0x1c5: {  	[tilespmem:$0x1FC70] =	vst v57;
	v57 =	vld [tilespmem:s0+$0x470]  }
0x1c6: {  	[tilespmem:$0x1FDF0] =	vst v0;
	v0 =	vld [tilespmem:s14+$0x1400]  }
0x1c7: {  	[tilespmem:$0x1FE90] =	vst v5;
	v5 =	vld [tilespmem:s0+$0x1050];
	_ =	sdelay $0x2  }
0x1c8: {  	[tilespmem:$0x1FC90] =	vst v57;
	v57 =	vld [tilespmem:s0+$0x800]  }
0x1c9: {  	[tilespmem:$0x1FE20] =	vst v0;
	v0 =	vld [tilespmem:s14+$0x1410]  }
0x1ca: {  	[tilespmem:$0x1FEA0] =	vst v5;
	v5 =	vld [tilespmem:s0+$0x1060];
	_ =	sdelay $0x2  }
0x1cb: {  	[tilespmem:$0x1FCB0] =	vst v57;
	v57 =	vld [tilespmem:s0+$0x810]  }
0x1cc: {  	[tilespmem:$0x1FE50] =	vst v0;
	v0 =	vld [tilespmem:s14+$0x1420]  }
0x1cd: {  	[tilespmem:$0x1FEC0] =	vst v5;
	v5 =	vld [tilespmem:s0+$0x1070];
	_ =	sdelay $0x2  }
0x1ce: {  	[tilespmem:$0x1FCC0] =	vst v57;
	v57 =	vld [tilespmem:s0+$0x820]  }
0x1cf: {  	[tilespmem:$0x1FE80] =	vst v0;
	v0 =	vld [tilespmem:s14+$0x1430]  }
0x1d0: {  	[tilespmem:$0x1FED0] =	vst v5;
	v5 =	vld [tilespmem:s0+$0x1400];
	_ =	sdelay $0x2  }
0x1d1: {  	[tilespmem:$0x1FCD0] =	vst v57;
	v57 =	vld [tilespmem:s0+$0x830]  }
0x1d2: {  	[tilespmem:$0x1FEB0] =	vst v0;
	v0 =	vld [tilespmem:s14+$0x1440]  }
0x1d3: {  	[tilespmem:$0x1FEF0] =	vst v5;
	v5 =	vld [tilespmem:s0+$0x1410];
	_ =	sdelay $0x2  }
0x1d4: {  	[tilespmem:$0x1FCF0] =	vst v57;
	v57 =	vld [tilespmem:s0+$0x840]  }
0x1d5: {  	[tilespmem:$0x1FEE0] =	vst v0;
	v0 =	vld [tilespmem:s14+$0x1450]  }
0x1d6: {  	[tilespmem:$0x1FF00] =	vst v5;
	v5 =	vld [tilespmem:s0+$0x1420];
	_ =	sdelay $0x2  }
0x1d7: {  	[tilespmem:$0x1FD10] =	vst v57;
	v57 =	vld [tilespmem:s0+$0x850]  }
0x1d8: {  	[tilespmem:$0x1FF10] =	vst v0;
	v0 =	vld [tilespmem:s14+$0x1460]  }
0x1d9: {  	[tilespmem:$0x1FF20] =	vst v5;
	v5 =	vld [tilespmem:s0+$0x1430];
	_ =	sdelay $0x2  }
0x1da: {  	[tilespmem:$0x1FD20] =	vst v57;
	v57 =	vld [tilespmem:s0+$0x860]  }
0x1db: {  	[tilespmem:$0x1FF40] =	vst v0;
	v0 =	vld [tilespmem:s0+$0x1470]  }
0x1dc: {  	[tilespmem:$0x1FF30] =	vst v5;
	v5 =	vld [tilespmem:s0+$0x1440]  }
0x1dd: {  	v3 =	vld [tilespmem:s0+$0x0]  }
0x1de: {  	v4 =	vld [tilespmem:s0+$0x20]  }
0x1df: {  	[tilespmem:$0x1FD30] =	vst v57;
	v57 =	vld [tilespmem:s0+$0x870]  }
0x1e0: {  	[tilespmem:$0x1FF60] =	vst v0;
	v0 =	vld [tilespmem:s0+$0x10]  }
0x1e1: {  	[tilespmem:$0x1FF50] =	vst v5;
	v5 =	vld [tilespmem:$0x1FC00]  }
0x1e2: {  	v6 =	vld [tilespmem:s0+$0x30];
	s31 =	spop (v2sf)  }
0x1e3: {  	v55 =	vld [tilespmem:s0+$0x40];
	s2 =	smax.f32 s31, $0.0e+00  }
0x1e4: {  	v4 =	vmul.f32 s2, v4;
	[tilespmem:$0x1FD50] =	vst v57;
	v57 =	vld [tilespmem:s0+$0xC00]  }
0x1e5: {  	v56 =	vld [tilespmem:s0+$0x50];
	v3 =	vmul.f32 s2, v3  }
0x1e6: {  	v4 =	vadd.f32 v4, v54;
	v0 =	vmul.f32 s2, v0;
	v54 =	vmul.f32 s2, v5;
	v5 =	vld [tilespmem:$0x1FC10]  }
0x1e7: {  	v3 =	vadd.f32 v3, v52;
	v52 =	vld [tilespmem:s0+$0x1450]  }
0x1e8: {  	v0 =	vadd.f32 v0, v53;
	v53 =	vld [tilespmem:s0+$0x1460]  }
0x1e9: {  	s3 =	sshll.u32 s18, $0x7;
	[tilespmem:$0x1FD70] =	vst v57;
	v57 =	vld [tilespmem:s0+$0xC10]  }
0x1ea: {  	[tilespmem:s3+$0x1E1A0] =	vst v4;
	v4 =	vld [tilespmem:$0x1FBF0]  }
0x1eb: {  	[tilespmem:s3+$0x1E180] =	vst v3;
	v3 =	vmul.f32 s2, v55;
	v55 =	vmul.f32 s2, v5;
	v5 =	vld [tilespmem:$0x1FC40];
	_ =	sdelay $0x2  }
0x1ec: {  	v3 =	vadd.f32 v3, v50  }
0x1ed: {  	v4 =	vmul.f32 s2, v4  }
0x1ee: {  	[tilespmem:s3+$0x1E1C0] =	vst v3;
	v3 =	vmul.f32 s9, v59;
	v59 =	vmul.f32 s2, v5;
	v5 =	vld [tilespmem:$0x1FC50]  }
0x1ef: {  	v6 =	vmul.f32 s2, v6;
	v4 =	vadd.f32 v4, v48;
	_ =	sdelay $0x1  }
0x1f0: {  	v61 =	vmul.f32 s9, v61;
	v6 =	vadd.f32 v6, v51;
	[tilespmem:s3+$0x1E1E0] =	vst v4;
	v4 =	vld [tilespmem:$0x1FC30]  }
0x1f1: {  	[tilespmem:s3+$0x1E190] =	vst v0;
	v0 =	vmul.f32 s2, v56  }
0x1f2: {  	[tilespmem:s3+$0x1E1B0] =	vst v6;
	v6 =	vadd.f32 v61, v27;
	v61 =	vmul.f32 s2, v5;
	v5 =	vld [tilespmem:$0x1FC80]  }
0x1f3: {  	v0 =	vadd.f32 v0, v49;
	_ =	sdelay $0x1  }
0x1f4: {  	[tilespmem:s3+$0x1E1D0] =	vst v0;
	v0 =	vld [tilespmem:$0x1FC20];
	v4 =	vmul.f32 s2, v4;
	_ =	sdelay $0x1  }
0x1f5: {  	v4 =	vadd.f32 v4, v44;
	v44 =	vmul.f32 s9, v5;
	v5 =	vld [tilespmem:$0x1FC90];
	_ =	sdelay $0x2  }
0x1f6: {  	v0 =	vmul.f32 s2, v0;
	_ =	sdelay $0x1  }
0x1f7: {  	v0 =	vadd.f32 v0, v45;
	v45 =	vmul.f32 s2, v5;
	v5 =	vld [tilespmem:$0x1FCA0];
	_ =	sdelay $0x4  }
0x1f8: {  	v56 =	vadd.f32 v54, v46;
	v46 =	vmul.f32 s9, v5;
	v5 =	vld [tilespmem:$0x1FCB0];
	_ =	sdelay $0x4  }
0x1f9: {  	[tilespmem:$0x1FD80] =	vst v57;
	v57 =	vadd.f32 v55, v47;
	v47 =	vmul.f32 s2, v5;
	v5 =	vld [tilespmem:$0x1FCE0];
	_ =	sdelay $0x3  }
0x1fa: {  	[tilespmem:s3+$0x1E290] =	vst v0;
	v0 =	vld [tilespmem:$0x1FC60]  }
0x1fb: {  	v50 =	vmul.f32 s9, v5;
	v5 =	vld [tilespmem:$0x1FCF0];
	_ =	sdelay $0x3  }
0x1fc: {  	[tilespmem:s3+$0x1E2A0] =	vst v4;
	v4 =	vld [tilespmem:$0x1FC70]  }
0x1fd: {  	v0 =	vmul.f32 s2, v0;
	v51 =	vmul.f32 s2, v5;
	v5 =	vld [tilespmem:$0x1FD00];
	_ =	sdelay $0x1  }
0x1fe: {  	v0 =	vadd.f32 v0, v42;
	_ =	sdelay $0x1  }
0x1ff: {  	[tilespmem:s3+$0x1E2D0] =	vst v0;
	v0 =	vld [tilespmem:$0x1FCC0]  }
0x200: {  	v4 =	vmul.f32 s2, v4;
	v54 =	vmul.f32 s9, v5;
	v5 =	vld [tilespmem:$0x1FD10];
	_ =	sdelay $0x1  }
0x201: {  	v4 =	vadd.f32 v4, v43;
	_ =	sdelay $0x1  }
0x202: {  	[tilespmem:s3+$0x1E2E0] =	vst v4;
	v4 =	vld [tilespmem:$0x1FCD0]  }
0x203: {  	v0 =	vmul.f32 s2, v0;
	v55 =	vmul.f32 s2, v5;
	v5 =	vld [tilespmem:$0x1FD40];
	_ =	sdelay $0x1  }
0x204: {  	v0 =	vadd.f32 v0, v37  }
0x205: {  	v28 =	vadd.f32 v58, v28;
	v58 =	vmul.f32 s9, v63  }
0x206: {  	[tilespmem:s3+$0x1E390] =	vst v0;
	v0 =	vld [tilespmem:$0x1FD20]  }
0x207: {  	v25 =	vadd.f32 v58, v25;
	v4 =	vmul.f32 s2, v4;
	v58 =	vmul.f32 s9, v5;
	v5 =	vld [tilespmem:$0x1FD50];
	_ =	sdelay $0x1  }
0x208: {  	v4 =	vadd.f32 v4, v36;
	_ =	sdelay $0x1  }
0x209: {  	v29 =	vadd.f32 v60, v29;
	v60 =	vmul.f32 s9, v62;
	[tilespmem:s3+$0x1E3A0] =	vst v4;
	v4 =	vld [tilespmem:$0x1FD30]  }
0x20a: {  	v62 =	vadd.f32 v59, v41;
	v0 =	vmul.f32 s2, v0;
	v59 =	vmul.f32 s2, v5;
	v5 =	vld [tilespmem:$0x1FD60];
	_ =	sdelay $0x1  }
0x20b: {  	v0 =	vadd.f32 v0, v33;
	_ =	sdelay $0x1  }
0x20c: {  	[tilespmem:s3+$0x1E3D0] =	vst v0;
	v0 =	vld [tilespmem:$0x1FD80]  }
0x20d: {  	v24 =	vadd.f32 v60, v24;
	v4 =	vmul.f32 s2, v4;
	v60 =	vmul.f32 s9, v5;
	v5 =	vld [tilespmem:$0x1FD70]  }
0x20e: {  	v41 =	vld [tilespmem:$0x1FE50]  }
0x20f: {  	v63 =	vadd.f32 v61, v40;
	v40 =	vld [tilespmem:$0x1FE40];
	v4 =	vadd.f32 v4, v32  }
0x210: {  	v43 =	vld [tilespmem:$0x1FE60]  }
0x211: {  	v0 =	vmul.f32 s2, v0;
	[tilespmem:s3+$0x1E3E0] =	vst v4;
	v4 =	vld [tilespmem:$0x1FD90]  }
0x212: {  	v61 =	vmul.f32 s2, v5;
	v5 =	vld [tilespmem:$0x1FDA0]  }
0x213: {  	v33 =	vld [tilespmem:$0x1FDD0];
	v0 =	vadd.f32 v0, v29  }
0x214: {  	[tilespmem:s3+$0x1E1F0] =	vst v56;
	v56 =	vadd.f32 v51, v34;
	v34 =	vld [tilespmem:$0x1FDE0]  }
0x215: {  	[tilespmem:s3+$0x1E490] =	vst v0;
	v0 =	vld [tilespmem:$0x1FDF0]  }
0x216: {  	v3 =	vadd.f32 v3, v26;
	v37 =	vld [tilespmem:$0x1FE10];
	v4 =	vmul.f32 s2, v4  }
0x217: {  	[tilespmem:s3+$0x1E280] =	vst v57;
	v23 =	vadd.f32 v44, v23;
	v48 =	vadd.f32 v45, v39;
	v45 =	vld [tilespmem:$0x1FE70];
	v5 =	vmul.f32 s9, v5  }
0x218: {  	[tilespmem:s3+$0x1E2B0] =	vst v62;
	v49 =	vadd.f32 v47, v38;
	v32 =	vld [tilespmem:$0x1FDC0];
	v4 =	vadd.f32 v4, v28;
	v28 =	vmul.f32 s2, v33  }
0x219: {  	[tilespmem:s3+$0x1E2C0] =	vst v63;
	v57 =	vadd.f32 v55, v35;
	v35 =	vld [tilespmem:$0x1FE00];
	v5 =	vadd.f32 v5, v17;
	v17 =	vmul.f32 s2, v34  }
0x21a: {  	[tilespmem:s3+$0x1E2F0] =	vst v48;
	v22 =	vadd.f32 v46, v22;
	v0 =	vmul.f32 s9, v0;
	v63 =	vadd.f32 v61, v31;
	v31 =	vld [tilespmem:$0x1FDB0]  }
0x21b: {  	v46 =	vld [tilespmem:$0x1FE90];
	[tilespmem:s3+$0x1E380] =	vst v49;
	v3 =	vadd.f32 v28, v3;
	v36 =	vadd.f32 v17, v25;
	v17 =	vmul.f32 s2, v37  }
0x21c: {  	v47 =	vld [tilespmem:$0x1FEA0];
	v21 =	vadd.f32 v50, v21;
	[tilespmem:s3+$0x1E3B0] =	vst v56;
	v0 =	vadd.f32 v0, v15;
	v15 =	vmul.f32 s2, v40  }
0x21d: {  	v38 =	vld [tilespmem:$0x1FE20];
	v29 =	vmul.f32 s9, v32;
	[tilespmem:s3+$0x1E4C0] =	vst v3;
	v3 =	vadd.f32 v17, v23  }
0x21e: {  	v50 =	vld [tilespmem:$0x1FEC0];
	[tilespmem:s3+$0x1E4A0] =	vst v4;
	v44 =	vadd.f32 v15, v21;
	v26 =	vmul.f32 s2, v35  }
0x21f: {  	v4 =	vadd.f32 v29, v16;
	v16 =	vmul.f32 s9, v41;
	v27 =	vmul.f32 s2, v31;
	[tilespmem:s3+$0x1E4F0] =	vst v3;
	v3 =	vld [tilespmem:$0x1FE80]  }
0x220: {  	v48 =	vld [tilespmem:$0x1FEB0];
	v15 =	vmul.f32 s2, v45;
	[tilespmem:s3+$0x1E590] =	vst v44;
	v19 =	vadd.f32 v58, v19;
	v24 =	vadd.f32 v26, v24  }
0x221: {  	v51 =	vld [tilespmem:$0x1FED0];
	v13 =	vadd.f32 v16, v13;
	v16 =	vmul.f32 s2, v47;
	[tilespmem:s3+$0x1E3C0] =	vst v57;
	v6 =	vadd.f32 v27, v6  }
0x222: {  	v21 =	vmul.f32 s2, v46;
	v57 =	vld [tilespmem:$0x1FF20];
	v15 =	vadd.f32 v15, v19;
	[tilespmem:s3+$0x1E4E0] =	vst v24;
	v18 =	vadd.f32 v60, v18  }
0x223: {  	v39 =	vld [tilespmem:$0x1FE30];
	v62 =	vadd.f32 v59, v30;
	v5 =	vadd.f32 v16, v5;
	[tilespmem:s3+$0x1E4B0] =	vst v6;
	v6 =	vmul.f32 s9, v38  }
0x224: {  	v56 =	vld [tilespmem:$0x1FF00];
	[tilespmem:s3+$0x1E5B0] =	vst v15;
	v49 =	vadd.f32 v21, v18;
	v18 =	vmul.f32 s2, v50;
	v3 =	vmul.f32 s9, v3  }
0x225: {  	[tilespmem:s3+$0x1E5D0] =	vst v5;
	v5 =	vld [tilespmem:$0x1FF10];
	v6 =	vadd.f32 v6, v14;
	v14 =	vmul.f32 s9, v48  }
0x226: {  	v55 =	vld [tilespmem:$0x1FEF0];
	[tilespmem:s3+$0x1E3F0] =	vst v62;
	v4 =	vadd.f32 v18, v4;
	v3 =	vadd.f32 v3, v12;
	v12 =	vmul.f32 s2, v51  }
0x227: {  	v20 =	vadd.f32 v54, v20;
	v54 =	vld [tilespmem:$0x1FEE0];
	[tilespmem:s3+$0x1E5C0] =	vst v49;
	v11 =	vadd.f32 v14, v11;
	v14 =	vmul.f32 s2, v57  }
0x228: {  	v59 =	vld [tilespmem:$0x1FF30];
	[tilespmem:s3+$0x1E5E0] =	vst v4;
	v25 =	vmul.f32 s2, v39;
	v0 =	vadd.f32 v12, v0  }
0x229: {  	v60 =	vld [tilespmem:$0x1FF50];
	[tilespmem:s3+$0x1E480] =	vst v63;
	v3 =	vadd.f32 v14, v3  }
0x22a: {  	v42 =	vadd.f32 v25, v22;
	v22 =	vmul.f32 s2, v43;
	v5 =	vmul.f32 s9, v5;
	[tilespmem:s3+$0x1E5F0] =	vst v0;
	v0 =	vld [tilespmem:$0x1FF40]  }
0x22b: {  	v62 =	vmul.f32 s2, v52;
	v16 =	vmul.f32 s2, v55;
	[tilespmem:s3+$0x1E6A0] =	vst v3;
	v3 =	vld [tilespmem:$0x1FF60]  }
0x22c: {  	[tilespmem:s3+$0x1E4D0] =	vst v36;
	v20 =	vadd.f32 v22, v20;
	v5 =	vadd.f32 v5, v8;
	v12 =	vmul.f32 s2, v56  }
0x22d: {  	v15 =	vmul.f32 s9, v54;
	[tilespmem:s3+$0x1E580] =	vst v42;
	v6 =	vadd.f32 v16, v6  }
0x22e: {  	[tilespmem:s3+$0x1E5A0] =	vst v20;
	v5 =	vadd.f32 v62, v5;
	v58 =	vadd.f32 v12, v13;
	v12 =	vmul.f32 s2, v59  }
0x22f: {  	v4 =	vadd.f32 v15, v9;
	[tilespmem:s3+$0x1E680] =	vst v6;
	v13 =	vmul.f32 s2, v60;
	v0 =	vmul.f32 s9, v0;
	s9 =	sadd.s32 $0xFFFFFFFF, s17  }
0x230: {  	[tilespmem:s3+$0x1E6D0] =	vst v5;
	v61 =	vadd.f32 v12, v11;
	v3 =	vmul.f32 s2, v3;
	s13 =	sshrl.u32 s9, $0x3  }
0x231: {  	v63 =	vmul.f32 s2, v53;
	[tilespmem:s3+$0x1E690] =	vst v58;
	v4 =	vadd.f32 v13, v4;
	s0 =	sshll.u32 s9, $0x7;
	v0 =	vadd.f32 v0, v7;
	s2 =	smul.u32 $0x1800, s13  }
0x232: {  	[tilespmem:s3+$0x1E6B0] =	vst v61;
	s0 =	sand.u32 $0x380, s0;
	v3 =	vadd.f32 v3, v10  }
0x233: {  	[tilespmem:s3+$0x1E6C0] =	vst v4;
	v0 =	vadd.f32 v63, v0;
	s0 =	sor.u32 s0, s2  }
0x234: {  	s17 =	rddreg [dreg:$0x2];
	[tilespmem:s3+$0x1E6F0] =	vst v3;
	s0 =	sshrl.u32 s0, $0x3  }
0x235: {  	s15 =	sadd.s32 $0x5, s18;
	s14 =	sadd.s32 $0x1E180, s3;
	[tilespmem:s3+$0x1E6E0] =	vst v0;
	s0 =	sadd.s32 s17, s0  }
0x236: {  	[hbm4b:s0+s4] =	stream.linear.scatter [tilespmem:s14], [sflag:s15], $0x80, $0x38;
	[tilespmem:$0x1EC80] =	vst v63  }
0x237: {  	s18 =	sadd.s32 $0x1E280, s3;
	s9 =	sadd.s32 $0x80, s0  }
0x238: {  	[hbm4b:s9+s4] =	stream.linear.scatter [tilespmem:s18], [sflag:s15], $0x80, $0x38;
	[tilespmem:$0x1EC80] =	vst v63  }
0x239: {  	s19 =	sadd.s32 $0x1E380, s3;
	s20 =	sadd.s32 $0x100, s0  }
0x23a: {  	[hbm4b:s20+s4] =	stream.linear.scatter [tilespmem:s19], [sflag:s15], $0x80, $0x38;
	[tilespmem:$0x1EC80] =	vst v63  }
0x23b: {  	s21 =	sadd.s32 $0x1E480, s3;
	s28 =	sadd.s32 $0x180, s0  }
0x23c: {  	[hbm4b:s28+s4] =	stream.linear.scatter [tilespmem:s21], [sflag:s15], $0x80, $0x38;
	[tilespmem:$0x1EC80] =	vst v63  }
.Ltmp19:
0x23d: {  	_ = 	snop;
	(pc) =	sbr.rel .LBB2_25-.Ltmp19, $4  }
0x23e: {  	s29 =	sadd.s32 $0x1E580, s3;
	s30 =	sadd.s32 $0x200, s0  }
0x23f: {  	[hbm4b:s30+s4] =	stream.linear.scatter [tilespmem:s29], [sflag:s15], $0x80, $0x38;
	[tilespmem:$0x1EC80] =	vst v63  }
0x240: {  	s31 =	sadd.s32 $0x1E680, s3;
	s0 =	sadd.s32 $0x280, s0  }
0x241: {  	v3 =	vimm.f32 $-Inf;
	[hbm4b:s0+s4] =	stream.linear.scatter [tilespmem:s31], [sflag:s15], $0x80, $0x38;
	[tilespmem:$0x1EC80] =	vst v63  }
.LBB2_26:
0x242: {  	s0 =	simm.s32 $0x8  }
0x243: {  	_ =	swait.ge [sflag:s0], $0x6000  }
0x244: {  	[sflag:s0] =	ssyncset.done $0x0  }
0x245: {  	[sflag:s0] =	ssyncadd.s32 $0xFFFFA000  }
0x246: {  	v49 =	vld [tilespmem:$0x1E980]  }
0x247: {  	v51 =	vld [tilespmem:$0x1E990]  }
0x248: {  	v53 =	vld [tilespmem:$0x1E9A0]  }
0x249: {  	v52 =	vld [tilespmem:$0x1E9B0]  }
0x24a: {  	v33 =	vld [tilespmem:$0x1E9C0]  }
0x24b: {  	v50 =	vld [tilespmem:$0x1E9D0]  }
0x24c: {  	v35 =	vld [tilespmem:$0x1E9E0]  }
0x24d: {  	v36 =	vld [tilespmem:$0x1E9F0]  }
0x24e: {  	v25 =	vld [tilespmem:$0x1EA00]  }
0x24f: {  	v0 =	vld [tilespmem:$0x1EA10]  }
0x250: {  	v39 =	vld [tilespmem:$0x1EA20]  }
0x251: {  	v38 =	vld [tilespmem:$0x1EA30]  }
0x252: {  	v56 =	vld [tilespmem:$0x1EA40]  }
0x253: {  	v55 =	vld [tilespmem:$0x1EA50]  }
0x254: {  	v57 =	vld [tilespmem:$0x1EA60]  }
0x255: {  	v58 =	vld [tilespmem:$0x1EA70]  }
0x256: {  	v22 =	vld [tilespmem:$0x1EA80]  }
0x257: {  	v60 =	vld [tilespmem:$0x1EA90]  }
0x258: {  	v59 =	vld [tilespmem:$0x1EAA0]  }
0x259: {  	v62 =	vld [tilespmem:$0x1EAB0]  }
0x25a: {  	v61 =	vld [tilespmem:$0x1EAC0]  }
0x25b: {  	v3 =	vld [tilespmem:$0x1EAD0]  }
0x25c: {  	v20 =	vld [tilespmem:$0x1EB00]  }
0x25d: {  	v28 =	vld [tilespmem:$0x1EB50]  }
0x25e: {  	v27 =	vld [tilespmem:$0x1EB60]  }
0x25f: {  	v26 =	vld [tilespmem:$0x1EB70]  }
0x260: {  	v15 =	vld [tilespmem:$0x1EB80]  }
0x261: {  	v24 =	vld [tilespmem:$0x1EB90]  }
0x262: {  	v23 =	vld [tilespmem:$0x1EBA0]  }
0x263: {  	v21 =	vld [tilespmem:$0x1EBB0]  }
0x264: {  	v19 =	vld [tilespmem:$0x1EBC0]  }
0x265: {  	v18 =	vld [tilespmem:$0x1EBD0]  }
0x266: {  	s21 =	simm.s32 $0x1E930;
	v17 =	vld [tilespmem:$0x1EBE0]  }
0x267: {  	v7 =	vld [tilespmem:s21+$0x0]  }
0x268: {  	s28 =	simm.s32 $0x0;
	v16 =	vld [tilespmem:$0x1EBF0]  }
0x269: {  	s0 =	smul.u32 $0x6000, s28;
	v10 =	vld [tilespmem:$0x1EC00]  }
0x26a: {  	s8 =	simm.s32 $0x0;
	v14 =	vld [tilespmem:$0x1EC10]  }
0x26b: {  	s1 =	sand.u32 $0x380, s8;
	v12 =	vld [tilespmem:$0x1EC70];
	s0 =	sshra.s32 s0, $0x2  }
0x26c: {  	s9 =	sor.u32 s1, s0;
	[tilespmem:$0x1FB80] =	vst v3;
	v3 =	vld [tilespmem:$0x1EAE0];
	(v2sf) =	vpush v7, $0x0  }
0x26d: {  	v40 =	vld [tilespmem:s9+$0x18180];
	s10 =	sadd.s32 $0x19580, s9  }
0x26e: {  	s0 =	sadd.s32 $0x18180, s9;
	v41 =	vld [tilespmem:s10+$0x70]  }
0x26f: {  	v42 =	vld [tilespmem:s0+$0x10]  }
0x270: {  	v43 =	vld [tilespmem:s0+$0x20]  }
0x271: {  	[tilespmem:$0x1FB90] =	vst v3;
	v3 =	vld [tilespmem:$0x1EAF0]  }
0x272: {  	v44 =	vld [tilespmem:s0+$0x30]  }
0x273: {  	v45 =	vld [tilespmem:s0+$0x40]  }
0x274: {  	v46 =	vld [tilespmem:s0+$0x50]  }
0x275: {  	v47 =	vld [tilespmem:s0+$0x60]  }
0x276: {  	[tilespmem:$0x1FBA0] =	vst v3;
	v3 =	vld [tilespmem:$0x1EB10]  }
0x277: {  	s2 =	sadd.s32 $0x18580, s9;
	v48 =	vld [tilespmem:s0+$0x70]  }
0x278: {  	v63 =	vld [tilespmem:s2+$0x10]  }
0x279: {  	v29 =	vld [tilespmem:s2+$0x20]  }
0x27a: {  	v6 =	vld [tilespmem:s2+$0x50]  }
0x27b: {  	[tilespmem:$0x1FBB0] =	vst v3;
	v3 =	vld [tilespmem:$0x1EB20];
	s29 =	spop (v2sf)  }
0x27c: {  	v5 =	vld [tilespmem:s2+$0x30];
	s1 =	smax.f32 s29, $0.0e+00  }
0x27d: {  	v34 =	vld [tilespmem:s2+$0x70];
	v54 =	vmul.f32 s1, v43;
	v37 =	vmul.f32 s1, v44  }
0x27e: {  	s30 =	sadd.s32 $0x18980, s9;
	v30 =	vld [tilespmem:s2+$0x60];
	v40 =	vmul.f32 s1, v40;
	v42 =	vmul.f32 s1, v42  }
0x27f: {  	v47 =	vmul.f32 s1, v47;
	v53 =	vadd.f32 v54, v53;
	v54 =	vadd.f32 v37, v52;
	v37 =	vld [tilespmem:s30+$0x40]  }
0x280: {  	v6 =	vmul.f32 s1, v6;
	v51 =	vadd.f32 v42, v51;
	v42 =	vmul.f32 s1, v48;
	[tilespmem:$0x1FBC0] =	vst v3;
	v3 =	vld [tilespmem:$0x1EB30]  }
0x281: {  	v31 =	vld [tilespmem:s2+$0x40];
	v45 =	vmul.f32 s1, v45;
	v43 =	vmul.f32 s1, v63;
	v48 =	vadd.f32 v47, v35  }
0x282: {  	v32 =	vld [tilespmem:s30+$0x10];
	v47 =	vadd.f32 v42, v36;
	v42 =	vadd.f32 v6, v55;
	v6 =	vmul.f32 s1, v34  }
0x283: {  	v4 =	vld [tilespmem:s30+$0x20];
	v5 =	vmul.f32 s1, v5;
	v49 =	vadd.f32 v40, v49;
	v52 =	vadd.f32 v45, v33  }
0x284: {  	v45 =	vadd.f32 v43, v0;
	v0 =	vld [tilespmem:s30+$0x70];
	v40 =	vadd.f32 v6, v58;
	v6 =	vmul.f32 s1, v37  }
0x285: {  	v41 =	vmul.f32 s1, v41;
	v44 =	vadd.f32 v5, v38;
	v5 =	vmul.f32 s1, v30;
	[tilespmem:$0x1FBD0] =	vst v3;
	v3 =	vld [tilespmem:$0x1EB40]  }
0x286: {  	v46 =	vmul.f32 s1, v46;
	v29 =	vmul.f32 s1, v29;
	v33 =	vadd.f32 v6, v61;
	v6 =	vld [tilespmem:$0x1FBA0]  }
0x287: {  	s31 =	sadd.s32 $0x18D80, s9;
	v63 =	vld [tilespmem:s30+$0x50];
	v12 =	vadd.f32 v41, v12;
	v41 =	vadd.f32 v5, v57;
	v5 =	vmul.f32 s1, v32  }
0x288: {  	v50 =	vadd.f32 v46, v50;
	v46 =	vadd.f32 v29, v39;
	v29 =	vld [tilespmem:s31+$0x10]  }
0x289: {  	v39 =	vadd.f32 v5, v60;
	v5 =	vld [tilespmem:$0x1FB80];
	v0 =	vmul.f32 s1, v0  }
0x28a: {  	v4 =	vmul.f32 s1, v4;
	[tilespmem:$0x1FBE0] =	vst v3;
	v3 =	vld [tilespmem:s30+$0x30]  }
0x28b: {  	v34 =	vadd.f32 v0, v6;
	v0 =	vld [tilespmem:$0x1FBB0]  }
0x28c: {  	v38 =	vadd.f32 v4, v59;
	v36 =	vld [tilespmem:s30+$0x60];
	v4 =	vmul.f32 s1, v63  }
0x28d: {  	v30 =	vld [tilespmem:s31+$0x20]  }
0x28e: {  	v35 =	vadd.f32 v4, v5;
	v4 =	vmul.f32 s1, v29;
	v5 =	vld [tilespmem:$0x1FB90]  }
0x28f: {  	v13 =	vld [tilespmem:$0x1EC20];
	v3 =	vmul.f32 s1, v3  }
0x290: {  	v32 =	vadd.f32 v4, v0;
	v4 =	vld [tilespmem:$0x1FBC0]  }
0x291: {  	v11 =	vld [tilespmem:$0x1EC30];
	v31 =	vmul.f32 s1, v31;
	v37 =	vadd.f32 v3, v62;
	v3 =	vmul.f32 s1, v36  }
0x292: {  	v9 =	vld [tilespmem:$0x1EC40]  }
0x293: {  	v43 =	vadd.f32 v31, v56;
	v31 =	vld [tilespmem:s31+$0x30];
	v36 =	vadd.f32 v3, v5;
	v3 =	vmul.f32 s1, v30  }
0x294: {  	v8 =	vld [tilespmem:$0x1EC50]  }
0x295: {  	v30 =	vadd.f32 v3, v4;
	v3 =	vld [tilespmem:$0x1FBD0]  }
0x296: {  	v7 =	vld [tilespmem:$0x1EC60]  }
0x297: {  	v55 =	vld [tilespmem:s31+$0x40]  }
0x298: {  	v57 =	vld [tilespmem:s31+$0x50];
	v29 =	vmul.f32 s1, v31  }
0x299: {  	v58 =	vld [tilespmem:s31+$0x60]  }
0x29a: {  	v29 =	vadd.f32 v29, v3;
	v3 =	vld [tilespmem:$0x1FBE0]  }
0x29b: {  	s18 =	sadd.s32 $0x19180, s9;
	v63 =	vld [tilespmem:s31+$0x70]  }
0x29c: {  	v5 =	vld [tilespmem:s18+$0x10]  }
0x29d: {  	v6 =	vld [tilespmem:s18+$0x20];
	v0 =	vmul.f32 s1, v55  }
0x29e: {  	s16 =	simm.s32 $0x1E931;
	v56 =	vld [tilespmem:s18+$0x30];
	v62 =	vmul.f32 s1, v57  }
0x29f: {  	s14 =	simm.s32 $0x1;
	s17 =	simm.s32 $0x2;
	v61 =	vmul.f32 s1, v58;
	v4 =	vld [tilespmem:s16+$0x0];
	v31 =	vadd.f32 v0, v3  }
.LBB2_27:
0x2a0: {  	p0 =	sne.s32 s17, $0x1F;
	v28 =	vadd.f32 v62, v28;
	v0 =	vmul.f32 s1, v63;
	v3 =	vld [tilespmem:s18+$0x40]  }
0x2a1: {  	v27 =	vadd.f32 v61, v27;
	v5 =	vmul.f32 s1, v5;
	v55 =	vld [tilespmem:s18+$0x50]  }
0x2a2: {  	v26 =	vadd.f32 v0, v26;
	v0 =	vmul.f32 s1, v6;
	v6 =	vld [tilespmem:s18+$0x60]  }
0x2a3: {  	v24 =	vadd.f32 v5, v24;
	v5 =	vmul.f32 s1, v56;
	v56 =	vld [tilespmem:s18+$0x70]  }
0x2a4: {  	(v2sf) =	vpush v4, $0x0;
	v23 =	vadd.f32 v0, v23;
	v0 =	vld [tilespmem:s10+$0x10]  }
0x2a5: {  	v21 =	vadd.f32 v5, v21;
	v3 =	vmul.f32 s1, v3;
	v4 =	vld [tilespmem:s10+$0x20]  }
0x2a6: {  	v5 =	vmul.f32 s1, v55;
	v55 =	vld [tilespmem:s10+$0x30]  }
0x2a7: {  	v19 =	vadd.f32 v3, v19;
	v3 =	vmul.f32 s1, v6;
	v6 =	vld [tilespmem:s10+$0x40]  }
0x2a8: {  	v18 =	vadd.f32 v5, v18;
	v5 =	vmul.f32 s1, v56;
	v56 =	vld [tilespmem:s10+$0x50]  }
0x2a9: {  	v17 =	vadd.f32 v3, v17;
	v0 =	vmul.f32 s1, v0;
	v3 =	vld [tilespmem:s10+$0x60]  }
0x2aa: {  	s0 =	sshrl.u32 s14, $0x3;
	s14 =	smov.u32 s17;
	v57 =	vld [tilespmem:s9+$0x18580];
	v16 =	vadd.f32 v5, v16;
	v4 =	vmul.f32 s1, v4  }
0x2ab: {  	s0 =	smul.u32 $0x6000, s0;
	v5 =	vld [tilespmem:s9+$0x18980];
	v14 =	vadd.f32 v0, v14;
	v0 =	vmul.f32 s1, v55  }
0x2ac: {  	s8 =	sadd.s32 $0x80, s8;
	v55 =	vld [tilespmem:s9+$0x18D80];
	v13 =	vadd.f32 v4, v13;
	v4 =	vmul.f32 s1, v6  }
0x2ad: {  	s2 =	sand.u32 $0x380, s8;
	s0 =	sshra.s32 s0, $0x2;
	v6 =	vld [tilespmem:s9+$0x19180];
	v11 =	vadd.f32 v0, v11;
	v0 =	vmul.f32 s1, v56  }
0x2ae: {  	v56 =	vld [tilespmem:s9+$0x19580];
	s9 =	sor.u32 s2, s0;
	v9 =	vadd.f32 v4, v9;
	v3 =	vmul.f32 s1, v3  }
0x2af: {  	s0 =	sadd.s32 $0x18180, s9;
	v4 =	vld [tilespmem:s9+$0x18180];
	s15 =	sadd.s32 $0x18580, s9;
	s10 =	sadd.s32 $0x19580, s9;
	v57 =	vmul.f32 s1, v57;
	v8 =	vadd.f32 v0, v8  }
0x2b0: {  	s21 =	sadd.s32 $0x18980, s9;
	s19 =	sadd.s32 $0x18D80, s9;
	s18 =	sadd.s32 $0x19180, s9;
	v0 =	vld [tilespmem:s10+$0x70];
	v5 =	vmul.f32 s1, v5;
	v7 =	vadd.f32 v3, v7  }
0x2b1: {  	v3 =	vld [tilespmem:s0+$0x10];
	v25 =	vadd.f32 v57, v25;
	v55 =	vmul.f32 s1, v55  }
0x2b2: {  	v57 =	vld [tilespmem:s0+$0x20];
	v22 =	vadd.f32 v5, v22;
	v5 =	vmul.f32 s1, v6  }
0x2b3: {  	v6 =	vld [tilespmem:s0+$0x30];
	s2 =	spop (v2sf);
	v20 =	vadd.f32 v55, v20;
	v55 =	vmul.f32 s1, v56  }
0x2b4: {  	s1 =	smax.f32 s2, $0.0e+00;
	v56 =	vld [tilespmem:s0+$0x40];
	v15 =	vadd.f32 v5, v15  }
0x2b5: {  	v4 =	vmul.f32 s1, v4;
	v5 =	vld [tilespmem:s0+$0x50];
	v0 =	vmul.f32 s1, v0;
	v10 =	vadd.f32 v55, v10  }
0x2b6: {  	v3 =	vmul.f32 s1, v3;
	v55 =	vld [tilespmem:s0+$0x60]  }
0x2b7: {  	v49 =	vadd.f32 v4, v49;
	v4 =	vmul.f32 s1, v57;
	v57 =	vld [tilespmem:s0+$0x70];
	v12 =	vadd.f32 v0, v12  }
0x2b8: {  	v51 =	vadd.f32 v3, v51;
	v0 =	vmul.f32 s1, v6;
	v3 =	vld [tilespmem:s15+$0x10]  }
0x2b9: {  	v53 =	vadd.f32 v4, v53;
	v4 =	vmul.f32 s1, v56;
	v6 =	vld [tilespmem:s15+$0x20]  }
0x2ba: {  	v54 =	vadd.f32 v0, v54;
	v0 =	vmul.f32 s1, v5;
	v5 =	vld [tilespmem:s15+$0x30]  }
0x2bb: {  	v52 =	vadd.f32 v4, v52;
	v4 =	vmul.f32 s1, v55;
	v55 =	vld [tilespmem:s15+$0x40]  }
0x2bc: {  	v50 =	vadd.f32 v0, v50;
	v0 =	vmul.f32 s1, v57;
	v56 =	vld [tilespmem:s15+$0x50]  }
0x2bd: {  	v48 =	vadd.f32 v4, v48;
	v3 =	vmul.f32 s1, v3;
	v4 =	vld [tilespmem:s15+$0x60]  }
0x2be: {  	v47 =	vadd.f32 v0, v47;
	v0 =	vmul.f32 s1, v6;
	v6 =	vld [tilespmem:s15+$0x70]  }
0x2bf: {  	v45 =	vadd.f32 v3, v45;
	v3 =	vmul.f32 s1, v5;
	v5 =	vld [tilespmem:s21+$0x10]  }
0x2c0: {  	v46 =	vadd.f32 v0, v46;
	v0 =	vmul.f32 s1, v55;
	v55 =	vld [tilespmem:s21+$0x20]  }
0x2c1: {  	v44 =	vadd.f32 v3, v44;
	v3 =	vmul.f32 s1, v56;
	v56 =	vld [tilespmem:s21+$0x30]  }
0x2c2: {  	v43 =	vadd.f32 v0, v43;
	v0 =	vmul.f32 s1, v4;
	v4 =	vld [tilespmem:s21+$0x40]  }
0x2c3: {  	v42 =	vadd.f32 v3, v42;
	v3 =	vmul.f32 s1, v6;
	v6 =	vld [tilespmem:s21+$0x50]  }
0x2c4: {  	v41 =	vadd.f32 v0, v41;
	v0 =	vmul.f32 s1, v5;
	v5 =	vld [tilespmem:s21+$0x60]  }
0x2c5: {  	v40 =	vadd.f32 v3, v40;
	v3 =	vmul.f32 s1, v55;
	v55 =	vld [tilespmem:s21+$0x70]  }
0x2c6: {  	v39 =	vadd.f32 v0, v39;
	v0 =	vmul.f32 s1, v56;
	v56 =	vld [tilespmem:s19+$0x10]  }
0x2c7: {  	v38 =	vadd.f32 v3, v38;
	v3 =	vmul.f32 s1, v4;
	v4 =	vld [tilespmem:s19+$0x20]  }
0x2c8: {  	v37 =	vadd.f32 v0, v37;
	v0 =	vmul.f32 s1, v6;
	v6 =	vld [tilespmem:s19+$0x30]  }
0x2c9: {  	v33 =	vadd.f32 v3, v33;
	v3 =	vmul.f32 s1, v5;
	v57 =	vld [tilespmem:s19+$0x40]  }
0x2ca: {  	v35 =	vadd.f32 v0, v35;
	v0 =	vmul.f32 s1, v55;
	v55 =	vld [tilespmem:s19+$0x50]  }
0x2cb: {  	v36 =	vadd.f32 v3, v36;
	v3 =	vmul.f32 s1, v56;
	v58 =	vld [tilespmem:s19+$0x60]  }
.Ltmp20:
0x2cc: {  	v34 =	vadd.f32 v0, v34;
	v0 =	vmul.f32 s1, v4;
	v63 =	vld [tilespmem:s19+$0x70];
	(pc) =	sbr.rel @p0 .LBB2_27-.Ltmp20, $4  }
0x2cd: {  	v32 =	vadd.f32 v3, v32;
	v3 =	vmul.f32 s1, v6;
	v5 =	vld [tilespmem:s18+$0x10]  }
0x2ce: {  	v30 =	vadd.f32 v0, v30;
	v0 =	vmul.f32 s1, v57;
	v6 =	vld [tilespmem:s18+$0x20]  }
0x2cf: {  	s16 =	sadd.s32 $0x1, s16;
	v29 =	vadd.f32 v3, v29;
	v62 =	vmul.f32 s1, v55;
	v56 =	vld [tilespmem:s18+$0x30]  }
0x2d0: {  	s17 =	sadd.s32 $0x1, s17;
	v4 =	vld [tilespmem:s16+$0x0];
	v31 =	vadd.f32 v0, v31;
	v61 =	vmul.f32 s1, v58  }
0x2d1: {  	v0 =	vld [tilespmem:s18+$0x40];
	_ =	sdelay $0x4  }
0x2d2: {  	[tilespmem:$0x1F950] =	vst v0;
	v0 =	vld [tilespmem:s18+$0x50];
	_ =	sdelay $0x4  }
0x2d3: {  	[tilespmem:$0x1F970] =	vst v0;
	v0 =	vld [tilespmem:s18+$0x60];
	_ =	sdelay $0x4  }
0x2d4: {  	[tilespmem:$0x1F9B0] =	vst v0;
	v0 =	vld [tilespmem:s18+$0x70];
	_ =	sdelay $0x4  }
0x2d5: {  	[tilespmem:$0x1F9D0] =	vst v0;
	v0 =	vld [tilespmem:s10+$0x10];
	_ =	sdelay $0x4  }
0x2d6: {  	[tilespmem:$0x1FA20] =	vst v0;
	v0 =	vld [tilespmem:s10+$0x20];
	_ =	sdelay $0x4  }
0x2d7: {  	[tilespmem:$0x1FA50] =	vst v0;
	v0 =	vld [tilespmem:s10+$0x30];
	_ =	sdelay $0x4  }
0x2d8: {  	[tilespmem:$0x1FA80] =	vst v0;
	v0 =	vld [tilespmem:s10+$0x40];
	_ =	sdelay $0x4  }
0x2d9: {  	[tilespmem:$0x1FAD0] =	vst v0;
	v0 =	vld [tilespmem:s10+$0x50];
	_ =	sdelay $0x4  }
0x2da: {  	[tilespmem:$0x1FB00] =	vst v0;
	v0 =	vld [tilespmem:s10+$0x60];
	_ =	sdelay $0x4  }
0x2db: {  	[tilespmem:$0x1FB30] =	vst v0;
	v0 =	vld [tilespmem:s9+$0x18580];
	_ =	sdelay $0x4  }
0x2dc: {  	[tilespmem:$0x1F830] =	vst v0;
	v0 =	vld [tilespmem:s9+$0x18980];
	_ =	sdelay $0x4  }
0x2dd: {  	[tilespmem:$0x1F890] =	vst v0;
	v0 =	vld [tilespmem:s9+$0x18D80];
	_ =	sdelay $0x4  }
0x2de: {  	[tilespmem:$0x1F910] =	vst v0;
	v0 =	vld [tilespmem:s9+$0x19180];
	_ =	sdelay $0x3  }
0x2df: {  	s0 =	sshrl.u32 s14, $0x3  }
0x2e0: {  	s0 =	smul.u32 $0x6000, s0;
	[tilespmem:$0x1FA00] =	vst v0;
	v0 =	vld [tilespmem:s9+$0x19580]  }
0x2e1: {  	s2 =	sadd.s32 $0x80, s8  }
0x2e2: {  	s2 =	sand.u32 $0x380, s2;
	s0 =	sshra.s32 s0, $0x2  }
0x2e3: {  	s0 =	sor.u32 s2, s0  }
0x2e4: {  	s2 =	sadd.s32 $0x19580, s0  }
0x2e5: {  	[tilespmem:$0x1FAB0] =	vst v0;
	v0 =	vld [tilespmem:s2+$0x70];
	_ =	sdelay $0x3  }
0x2e6: {  	s3 =	sadd.s32 $0x18180, s0  }
0x2e7: {  	[tilespmem:$0x1FB70] =	vst v0;
	v0 =	vld [tilespmem:s3+$0x50];
	_ =	sdelay $0x4  }
0x2e8: {  	[tilespmem:$0x1F820] =	vst v0;
	v0 =	vld [tilespmem:s3+$0x60];
	_ =	sdelay $0x4  }
0x2e9: {  	[tilespmem:$0x1F840] =	vst v0;
	v0 =	vld [tilespmem:s3+$0x70];
	_ =	sdelay $0x3  }
0x2ea: {  	s19 =	sadd.s32 $0x18580, s0  }
0x2eb: {  	[tilespmem:$0x1F850] =	vst v0;
	v0 =	vld [tilespmem:s19+$0x10];
	_ =	sdelay $0x4  }
0x2ec: {  	[tilespmem:$0x1F860] =	vst v0;
	v0 =	vld [tilespmem:s19+$0x20];
	_ =	sdelay $0x4  }
0x2ed: {  	[tilespmem:$0x1F870] =	vst v0;
	v0 =	vld [tilespmem:s19+$0x30];
	_ =	sdelay $0x4  }
0x2ee: {  	[tilespmem:$0x1F880] =	vst v0;
	v0 =	vld [tilespmem:s19+$0x40];
	_ =	sdelay $0x4  }
0x2ef: {  	[tilespmem:$0x1F8A0] =	vst v0;
	v0 =	vld [tilespmem:s19+$0x50];
	_ =	sdelay $0x4  }
0x2f0: {  	[tilespmem:$0x1F8B0] =	vst v0;
	v0 =	vld [tilespmem:s19+$0x60];
	_ =	sdelay $0x4  }
0x2f1: {  	[tilespmem:$0x1F8C0] =	vst v0;
	v0 =	vld [tilespmem:s19+$0x70];
	_ =	sdelay $0x3  }
0x2f2: {  	s20 =	sadd.s32 $0x18980, s0  }
0x2f3: {  	[tilespmem:$0x1F8D0] =	vst v0;
	v0 =	vld [tilespmem:s20+$0x10];
	_ =	sdelay $0x4  }
0x2f4: {  	[tilespmem:$0x1F8E0] =	vst v0;
	v0 =	vld [tilespmem:s20+$0x20];
	_ =	sdelay $0x4  }
0x2f5: {  	[tilespmem:$0x1F8F0] =	vst v0;
	v0 =	vld [tilespmem:s20+$0x30];
	_ =	sdelay $0x4  }
0x2f6: {  	[tilespmem:$0x1F900] =	vst v0;
	v0 =	vld [tilespmem:s20+$0x40];
	_ =	sdelay $0x4  }
0x2f7: {  	[tilespmem:$0x1F920] =	vst v0;
	v0 =	vld [tilespmem:s20+$0x50];
	_ =	sdelay $0x4  }
0x2f8: {  	[tilespmem:$0x1F930] =	vst v0;
	v0 =	vld [tilespmem:s20+$0x60];
	_ =	sdelay $0x4  }
0x2f9: {  	[tilespmem:$0x1F940] =	vst v0;
	v0 =	vld [tilespmem:s20+$0x70];
	_ =	sdelay $0x3  }
0x2fa: {  	s21 =	sadd.s32 $0x18D80, s0  }
0x2fb: {  	[tilespmem:$0x1F960] =	vst v0;
	v0 =	vld [tilespmem:s21+$0x10];
	_ =	sdelay $0x4  }
0x2fc: {  	[tilespmem:$0x1F990] =	vst v0;
	v0 =	vld [tilespmem:s21+$0x20];
	_ =	sdelay $0x4  }
0x2fd: {  	[tilespmem:$0x1F9A0] =	vst v0;
	v0 =	vld [tilespmem:s21+$0x30];
	_ =	sdelay $0x4  }
0x2fe: {  	[tilespmem:$0x1F9C0] =	vst v0;
	v0 =	vld [tilespmem:s21+$0x40];
	_ =	sdelay $0x4  }
0x2ff: {  	[tilespmem:$0x1F9E0] =	vst v0;
	v0 =	vld [tilespmem:s21+$0x50];
	_ =	sdelay $0x4  }
0x300: {  	[tilespmem:$0x1F9F0] =	vst v0;
	v0 =	vld [tilespmem:s21+$0x60];
	_ =	sdelay $0x4  }
0x301: {  	[tilespmem:$0x1FA10] =	vst v0;
	v0 =	vld [tilespmem:s21+$0x70];
	_ =	sdelay $0x3  }
0x302: {  	s28 =	sadd.s32 $0x19180, s0  }
0x303: {  	[tilespmem:$0x1FA30] =	vst v0;
	v0 =	vld [tilespmem:s28+$0x10];
	_ =	sdelay $0x4  }
0x304: {  	[tilespmem:$0x1FA40] =	vst v0;
	v0 =	vld [tilespmem:s28+$0x20];
	_ =	sdelay $0x4  }
0x305: {  	[tilespmem:$0x1FA60] =	vst v0;
	v0 =	vld [tilespmem:s28+$0x30];
	_ =	sdelay $0x4  }
0x306: {  	[tilespmem:$0x1FA70] =	vst v0;
	v0 =	vld [tilespmem:s28+$0x40];
	_ =	sdelay $0x4  }
0x307: {  	[tilespmem:$0x1FA90] =	vst v0;
	v0 =	vld [tilespmem:s28+$0x50];
	_ =	sdelay $0x4  }
0x308: {  	[tilespmem:$0x1FAA0] =	vst v0;
	v0 =	vld [tilespmem:s28+$0x60];
	_ =	sdelay $0x4  }
0x309: {  	[tilespmem:$0x1FAC0] =	vst v0;
	v0 =	vld [tilespmem:s28+$0x70];
	_ =	sdelay $0x4  }
0x30a: {  	[tilespmem:$0x1FAE0] =	vst v0;
	v0 =	vld [tilespmem:s2+$0x10];
	_ =	sdelay $0x4  }
0x30b: {  	[tilespmem:$0x1FAF0] =	vst v0;
	v0 =	vld [tilespmem:s2+$0x20];
	_ =	sdelay $0x2  }
0x30c: {  	(v2sf) =	vpush v4, $0x0;
	_ =	sdelay $0x1  }
0x30d: {  	[tilespmem:$0x1FB10] =	vst v0;
	v0 =	vld [tilespmem:s2+$0x30];
	_ =	sdelay $0x4  }
0x30e: {  	[tilespmem:$0x1FB20] =	vst v0;
	v0 =	vld [tilespmem:s2+$0x40];
	_ =	sdelay $0x2  }
0x30f: {  	v55 =	vld [tilespmem:s0+$0x18180]  }
0x310: {  	v4 =	vld [tilespmem:s0+$0x18980]  }
0x311: {  	[tilespmem:$0x1FB40] =	vst v0;
	v0 =	vld [tilespmem:s2+$0x50]  }
0x312: {  	v57 =	vld [tilespmem:s3+$0x20]  }
0x313: {  	v3 =	vld [tilespmem:s3+$0x10]  }
0x314: {  	v59 =	vld [tilespmem:s3+$0x40];
	s29 =	spop (v2sf)  }
0x315: {  	v58 =	vld [tilespmem:s3+$0x30];
	s30 =	smax.f32 s29, $0.0e+00  }
0x316: {  	v55 =	vmul.f32 s30, v55;
	[tilespmem:$0x1FB50] =	vst v0;
	v0 =	vld [tilespmem:s2+$0x60]  }
0x317: {  	v60 =	vld [tilespmem:s0+$0x18D80];
	v57 =	vmul.f32 s30, v57  }
0x318: {  	v3 =	vmul.f32 s30, v3;
	v55 =	vadd.f32 v55, v49;
	v49 =	vld [tilespmem:s0+$0x19180]  }
0x319: {  	v53 =	vadd.f32 v57, v53;
	v57 =	vmul.f32 s30, v59;
	v59 =	vld [tilespmem:$0x1F830]  }
0x31a: {  	v58 =	vmul.f32 s30, v58;
	v51 =	vadd.f32 v3, v51;
	v3 =	vld [tilespmem:s0+$0x19580]  }
0x31b: {  	[tilespmem:$0x1FB60] =	vst v0;
	v0 =	vld [tilespmem:s0+$0x18580]  }
0x31c: {  	v54 =	vadd.f32 v58, v54;
	v58 =	vld [tilespmem:$0x1F820]  }
0x31d: {  	[tilespmem:$0x1F980] =	vst v60;
	v60 =	vld [tilespmem:$0x1F840]  }
0x31e: {  	v52 =	vadd.f32 v57, v52;
	v57 =	vld [tilespmem:$0x1F860];
	[tilespmem:$0x1E220] =	vst v53;
	v53 =	vmul.f32 s1, v59  }
0x31f: {  	v27 =	vadd.f32 v61, v27;
	v61 =	vld [tilespmem:$0x1F8A0]  }
0x320: {  	v28 =	vadd.f32 v62, v28;
	v62 =	vld [tilespmem:$0x1F8B0];
	v25 =	vadd.f32 v53, v25;
	v0 =	vmul.f32 s30, v0  }
0x321: {  	[tilespmem:$0x1E230] =	vst v54;
	v54 =	vld [tilespmem:$0x1F850]  }
0x322: {  	[tilespmem:$0x1E210] =	vst v51;
	v51 =	vmul.f32 s30, v58;
	v58 =	vld [tilespmem:$0x1F870];
	v0 =	vadd.f32 v0, v25  }
0x323: {  	[tilespmem:$0x1E200] =	vst v55;
	v55 =	vmul.f32 s30, v60;
	v60 =	vld [tilespmem:$0x1F880]  }
0x324: {  	[tilespmem:$0x1E300] =	vst v0;
	v0 =	vld [tilespmem:$0x1F890]  }
0x325: {  	[tilespmem:$0x1E240] =	vst v52;
	v52 =	vld [tilespmem:$0x1F900]  }
0x326: {  	v59 =	vmul.f32 s1, v63;
	v50 =	vadd.f32 v51, v50;
	v53 =	vld [tilespmem:$0x1F920]  }
0x327: {  	v48 =	vadd.f32 v55, v48;
	v55 =	vld [tilespmem:$0x1F930]  }
0x328: {  	v26 =	vadd.f32 v59, v26;
	v59 =	vld [tilespmem:$0x1F970];
	[tilespmem:$0x1E250] =	vst v50;
	v50 =	vmul.f32 s30, v57;
	v25 =	vmul.f32 s30, v58  }
0x329: {  	[tilespmem:$0x1E260] =	vst v48;
	v57 =	vld [tilespmem:$0x1F950];
	v48 =	vmul.f32 s30, v60;
	v0 =	vmul.f32 s1, v0  }
0x32a: {  	v60 =	vld [tilespmem:$0x1F980];
	v25 =	vadd.f32 v25, v46;
	v46 =	vmul.f32 s30, v61  }
0x32b: {  	v4 =	vmul.f32 s30, v4;
	v44 =	vadd.f32 v48, v44;
	v48 =	vld [tilespmem:$0x1F8E0];
	v0 =	vadd.f32 v0, v22  }
0x32c: {  	v63 =	vadd.f32 v46, v43;
	v43 =	vld [tilespmem:$0x1F8C0]  }
0x32d: {  	v6 =	vmul.f32 s1, v6;
	v45 =	vadd.f32 v50, v45;
	v0 =	vadd.f32 v4, v0;
	v4 =	vld [tilespmem:$0x1F8F0]  }
0x32e: {  	v5 =	vmul.f32 s1, v5;
	v51 =	vmul.f32 s30, v54;
	v58 =	vld [tilespmem:$0x1F960]  }
0x32f: {  	v6 =	vadd.f32 v6, v23;
	v23 =	vmul.f32 s30, v55;
	[tilespmem:$0x1E310] =	vst v45;
	v45 =	vmul.f32 s30, v62;
	v62 =	vld [tilespmem:$0x1F990]  }
0x330: {  	v47 =	vadd.f32 v51, v47;
	v51 =	vmul.f32 s1, v56;
	[tilespmem:$0x1E400] =	vst v0;
	v0 =	vld [tilespmem:$0x1F910]  }
0x331: {  	v5 =	vadd.f32 v5, v24;
	v23 =	vadd.f32 v23, v35;
	v35 =	vld [tilespmem:$0x1F9F0];
	[tilespmem:$0x1E320] =	vst v25;
	v25 =	vmul.f32 s30, v43  }
0x332: {  	[tilespmem:$0x1E330] =	vst v44;
	v21 =	vadd.f32 v51, v21;
	v44 =	vld [tilespmem:$0x1FA50];
	v24 =	vmul.f32 s30, v48;
	v4 =	vmul.f32 s30, v4  }
0x333: {  	v51 =	vld [tilespmem:$0x1FAD0];
	v42 =	vadd.f32 v45, v42;
	v25 =	vadd.f32 v25, v41  }
0x334: {  	v45 =	vld [tilespmem:$0x1FA60];
	v50 =	vadd.f32 v24, v39;
	v24 =	vmul.f32 s30, v52;
	v4 =	vadd.f32 v4, v38  }
0x335: {  	v46 =	vld [tilespmem:$0x1F8D0];
	[tilespmem:$0x1E360] =	vst v25;
	v25 =	vmul.f32 s30, v53;
	v0 =	vmul.f32 s1, v0  }
0x336: {  	v54 =	vadd.f32 v24, v37;
	v24 =	vmul.f32 s30, v58;
	[tilespmem:$0x1E420] =	vst v4;
	v4 =	vld [tilespmem:$0x1F940]  }
0x337: {  	[tilespmem:$0x1E350] =	vst v42;
	v42 =	vld [tilespmem:$0x1FA40];
	v56 =	vadd.f32 v25, v33;
	v25 =	vmul.f32 s30, v60;
	v0 =	vadd.f32 v0, v20  }
0x338: {  	v61 =	vadd.f32 v24, v34;
	v24 =	vld [tilespmem:$0x1F9B0]  }
0x339: {  	[tilespmem:$0x1E450] =	vst v23;
	v23 =	vmul.f32 s30, v62;
	v0 =	vadd.f32 v25, v0;
	v25 =	vld [tilespmem:$0x1F9C0]  }
0x33a: {  	[tilespmem:$0x1E270] =	vst v47;
	v48 =	vld [tilespmem:$0x1FA90]  }
0x33b: {  	[tilespmem:$0x1E340] =	vst v63;
	v39 =	vld [tilespmem:$0x1FA30];
	v63 =	vadd.f32 v23, v32;
	v22 =	vmul.f32 s1, v57;
	v4 =	vmul.f32 s30, v4  }
0x33c: {  	v52 =	vld [tilespmem:$0x1FAE0];
	v43 =	vmul.f32 s30, v46;
	[tilespmem:$0x1E410] =	vst v50  }
0x33d: {  	[tilespmem:$0x1E510] =	vst v63;
	v19 =	vadd.f32 v22, v19;
	v33 =	vld [tilespmem:$0x1F9E0];
	v22 =	vmul.f32 s1, v24;
	v4 =	vadd.f32 v4, v36  }
0x33e: {  	[tilespmem:$0x1E500] =	vst v0;
	v23 =	vmul.f32 s30, v25;
	v36 =	vld [tilespmem:$0x1FA00]  }
0x33f: {  	v47 =	vadd.f32 v43, v40;
	v0 =	vadd.f32 v22, v17;
	[tilespmem:$0x1E460] =	vst v4;
	v4 =	vld [tilespmem:$0x1F9A0]  }
0x340: {  	v32 =	vld [tilespmem:$0x1F9D0];
	[tilespmem:$0x1E430] =	vst v54;
	v22 =	vmul.f32 s30, v35;
	v34 =	vadd.f32 v23, v29;
	v23 =	vmul.f32 s30, v42  }
0x341: {  	[tilespmem:$0x1E370] =	vst v47;
	v38 =	vld [tilespmem:$0x1FA10];
	v20 =	vmul.f32 s1, v59  }
0x342: {  	[tilespmem:$0x1E470] =	vst v61;
	v47 =	vld [tilespmem:$0x1FA80];
	v22 =	vadd.f32 v22, v28;
	v28 =	vmul.f32 s30, v39;
	v5 =	vadd.f32 v23, v5  }
0x343: {  	v41 =	vmul.f32 s30, v49;
	v49 =	vld [tilespmem:$0x1FAA0];
	[tilespmem:$0x1E440] =	vst v56;
	v18 =	vadd.f32 v20, v18;
	v20 =	vmul.f32 s1, v36  }
0x344: {  	v25 =	vmul.f32 s30, v33;
	v43 =	vadd.f32 v28, v26;
	[tilespmem:$0x1E610] =	vst v5;
	v5 =	vld [tilespmem:$0x1FAB0];
	v4 =	vmul.f32 s30, v4  }
0x345: {  	v3 =	vmul.f32 s30, v3;
	v46 =	vld [tilespmem:$0x1FA70];
	[tilespmem:$0x1E550] =	vst v22;
	v15 =	vadd.f32 v20, v15  }
0x346: {  	v50 =	vld [tilespmem:$0x1FAC0];
	v37 =	vadd.f32 v25, v31;
	v25 =	vmul.f32 s30, v38;
	[tilespmem:$0x1E570] =	vst v43;
	v4 =	vadd.f32 v4, v30  }
0x347: {  	v57 =	vld [tilespmem:$0x1FB10];
	v24 =	vmul.f32 s1, v32;
	v17 =	vmul.f32 s1, v47;
	[tilespmem:$0x1E530] =	vst v34;
	v15 =	vadd.f32 v41, v15  }
0x348: {  	v56 =	vld [tilespmem:$0x1FB00];
	v40 =	vadd.f32 v25, v27;
	v25 =	vmul.f32 s30, v45;
	v20 =	vmul.f32 s30, v48;
	[tilespmem:$0x1E520] =	vst v4  }
0x349: {  	v16 =	vadd.f32 v24, v16;
	v4 =	vld [tilespmem:$0x1FA20];
	[tilespmem:$0x1E600] =	vst v15;
	v15 =	vmul.f32 s30, v49;
	v5 =	vmul.f32 s1, v5  }
0x34a: {  	v61 =	vld [tilespmem:$0x1FB50];
	v22 =	vmul.f32 s1, v44;
	[tilespmem:$0x1E540] =	vst v37;
	v6 =	vadd.f32 v25, v6;
	v19 =	vadd.f32 v20, v19  }
0x34b: {  	v54 =	vld [tilespmem:$0x1FAF0];
	[tilespmem:$0x1E560] =	vst v40;
	v20 =	vmul.f32 s30, v50;
	v15 =	vadd.f32 v15, v18;
	v5 =	vadd.f32 v5, v10  }
0x34c: {  	v58 =	vld [tilespmem:$0x1FB30];
	v53 =	vadd.f32 v17, v11;
	v13 =	vadd.f32 v22, v13;
	[tilespmem:$0x1E620] =	vst v6;
	v18 =	vmul.f32 s30, v52  }
0x34d: {  	v0 =	vadd.f32 v20, v0;
	[tilespmem:$0x1E650] =	vst v15;
	v15 =	vmul.f32 s1, v56;
	v3 =	vadd.f32 v3, v5;
	v5 =	vld [tilespmem:$0x1FB20]  }
0x34e: {  	v60 =	vld [tilespmem:$0x1FB40];
	[tilespmem:$0x1E640] =	vst v19;
	v55 =	vadd.f32 v18, v16;
	v16 =	vmul.f32 s30, v57;
	v4 =	vmul.f32 s1, v4  }
0x34f: {  	v62 =	vld [tilespmem:$0x1FB60];
	v6 =	vmul.f32 s1, v51;
	[tilespmem:$0x1E700] =	vst v3;
	v3 =	vadd.f32 v15, v8;
	v8 =	vmul.f32 s30, v61  }
0x350: {  	v63 =	vld [tilespmem:$0x1FB70];
	v11 =	vmul.f32 s30, v54;
	[tilespmem:$0x1E660] =	vst v0;
	v59 =	vadd.f32 v16, v13;
	v4 =	vadd.f32 v4, v14  }
0x351: {  	v0 =	vadd.f32 v6, v9;
	[tilespmem:$0x1E670] =	vst v55;
	v14 =	vmul.f32 s30, v46;
	v3 =	vadd.f32 v8, v3  }
0x352: {  	v6 =	vmul.f32 s1, v58;
	[tilespmem:$0x1E720] =	vst v59;
	v4 =	vadd.f32 v11, v4;
	v5 =	vmul.f32 s30, v5  }
0x353: {  	v14 =	vadd.f32 v14, v21;
	v11 =	vmul.f32 s30, v60;
	[tilespmem:$0x1E750] =	vst v3  }
0x354: {  	v5 =	vadd.f32 v5, v53;
	[tilespmem:$0x1E710] =	vst v4;
	v4 =	vadd.f32 v6, v7;
	v6 =	vmul.f32 s30, v62  }
0x355: {  	[tilespmem:$0x1E630] =	vst v14;
	v0 =	vadd.f32 v11, v0;
	v7 =	vmul.f32 s30, v63  }
0x356: {  	[tilespmem:$0x1E730] =	vst v5;
	v4 =	vadd.f32 v6, v4  }
0x357: {  	[tilespmem:$0x1E740] =	vst v0;
	v0 =	vadd.f32 v7, v12  }
0x358: {  	[tilespmem:$0x1E760] =	vst v4  }
0x359: {  	s31 =	rddreg [dreg:$0x8];
	s3 =	simm.s32 $0x1E200;
	[tilespmem:$0x1E770] =	vst v0  }
0x35a: {  	[hbm4b:s31+s4] =	stream.linear.scatter [tilespmem:s3], [sflag:$0x6], $0x80, $0x38;
	[tilespmem:$0x1EC80] =	vst v63  }
0x35b: {  	s8 =	sadd.s32 $0x80, s31;
	s9 =	simm.s32 $0x1E300  }
0x35c: {  	[hbm4b:s8+s4] =	stream.linear.scatter [tilespmem:s9], [sflag:$0x6], $0x80, $0x38;
	[tilespmem:$0x1EC80] =	vst v63  }
0x35d: {  	s13 =	simm.s32 $0x1E400;
	s10 =	sadd.s32 $0x100, s31  }
0x35e: {  	[hbm4b:s10+s4] =	stream.linear.scatter [tilespmem:s13], [sflag:$0x6], $0x80, $0x38;
	[tilespmem:$0x1EC80] =	vst v63  }
0x35f: {  	s15 =	simm.s32 $0x1E500;
	s14 =	sadd.s32 $0x180, s31  }
0x360: {  	[hbm4b:s14+s4] =	stream.linear.scatter [tilespmem:s15], [sflag:$0x6], $0x80, $0x38;
	[tilespmem:$0x1EC80] =	vst v63  }
0x361: {  	s17 =	simm.s32 $0x1E600;
	s16 =	sadd.s32 $0x200, s31  }
0x362: {  	[hbm4b:s16+s4] =	stream.linear.scatter [tilespmem:s17], [sflag:$0x6], $0x80, $0x38;
	[tilespmem:$0x1EC80] =	vst v63  }
0x363: {  	s18 =	sadd.s32 $0x280, s31;
	s19 =	simm.s32 $0x1E700;
	s20 =	simm.s32 $0x3  }
0x364: {  	[hbm4b:s18+s4] =	stream.linear.scatter [tilespmem:s19], [sflag:$0x6], $0x80, $0x38;
	[tilespmem:$0x1EC80] =	vst v63  }
0x365: {  	_ =	swait.ge [sflag:s20], $0x6000  }
0x366: {  	[sflag:s20] =	ssyncset.done $0x0  }
0x367: {  	s21 =	simm.s32 $0x5;
	[sflag:s20] =	ssyncadd.s32 $0xFFFFA000  }
0x368: {  	_ =	swait.ge [sflag:s21], $0x300  }
0x369: {  	[sflag:s21] =	ssyncset.done $0x0  }
0x36a: {  	s28 =	simm.s32 $0x4;
	[sflag:s21] =	ssyncadd.s32 $0xFFFFFD00  }
0x36b: {  	_ =	swait.ge [sflag:s28], $0x6000  }
0x36c: {  	[sflag:s28] =	ssyncset.done $0x0  }
0x36d: {  	s29 =	simm.s32 $0x6;
	[sflag:s28] =	ssyncadd.s32 $0xFFFFA000  }
0x36e: {  	_ =	swait.ge [sflag:s29], $0x300  }
0x36f: {  	s30 =	rddreg [dreg:$0xa]  }
0x370: {  	s31 =	rddreg [dreg:$0x9];
	s2 =	sadd.s32 $0x1, s30  }
0x371: {  	p0 =	sne.s32 s2, s31  }
.Ltmp21:
0x372: {  	_ = 	snop;
	(pc) =	sbr.rel @p0 .LBB2_1-.Ltmp21, $3  }
0x373: {  	_ =	sdelay $0x1  }
0x374: {  	[sflag:s29] =	ssyncset.done $0x0  }
0x375: {  	v3 =	vimm.f32 $-Inf;
	v0 =	vimm.f32 $0.0e+00;
	[sflag:s29] =	ssyncadd.s32 $0xFFFFFD00  }
0x376: {  	_ =	sfence.sel $0x180000  }
0x377: {  	[bflag:$0x0] =	sbarrier.arrive $0xFFFF  }
0x378: {  	_ =	strace $0x90000047  }
0x379: {  	s0 =	stileid.u32;
	[bflag:$0x2] =	sbarrier.arrive $0xFFFF  }
0x37a: {  	p0 =	sne.s32 s0, $0x0;
	s0 =	rddreg [dreg:$0x3]  }
0x37b: {  	s0 =	sadd.s32 @!p0 $0x100000, s0  }
0x37c: {  	[sflag:s0] =	ssyncadd.tile.s32 @!p0 $0x1;
	_ =	shalt  }
.Lfunc_end2:
_tile_overlayer_lowered:
.L_overlay_start_2:
0x37d: {  	(tag) =	ssettag $0x2  }
0x37e: {  	s0 =	rddreg [dreg:$0x0];
	s2 =	stileid.u32  }
0x37f: {  	s1 =	rddreg [dreg:$0x1];
	p0 =	sne.s32 s2, $0x0  }
0x380: {  	s3 =	rddreg [dreg:$0x2];
	[bflag:$0x3] =	sbarrier.arrive $0xFFFF;
	s2 =	simm.s32 @!p0 $0x1C09  }
0x381: {  	[timem:s3], [sflag:s2] =	dma.local @!p0 [hbm:s0], s1  }
0x382: {  	s0 =	simm.s32 @!p0 $0x9  }
0x383: {  	_ =	swait.ge @!p0 [sflag:s0], s1  }
0x384: {  	s1 =	ssub.s32 @!p0 $0x0, s1;
	[sflag:s0] =	ssyncset.done @!p0 $0x0  }
0x385: {  	[sflag:s0] =	ssyncadd.s32 @!p0 s1  }
0x386: {  	[bflag:$0x3] =	sbarrier.arrive $0xFFFF  }
0x387: {  	_ =	shalt  }

</sc_bundles>
